<compile_context>
chip_gen: v7x
topology: tpu7x:2x2x1
jax: 0.10.2.dev20260603
libtpu: 0.0.44.dev20260713+nightly
codegen_flags: <defaults>
</compile_context>

<pallas_src>
import jax
import jax.numpy as jnp
from jax import lax
from jax.experimental import pallas as pl
from jax.experimental.pallas import tpu as pltpu
from jax.experimental.pallas import tpu_sc as plsc

_NC = 2
_NS = 16
_NW = _NC * _NS

_B, _N, _S, _D = 4, 16, 2048, 128
_ROW = _S * _D
_PIECE = 65536
_ROWP = _ROW // _PIECE
_NJ = 60
_NQ = _B * _NJ * _ROWP

_NSTEP = 2 * _ROWP + 2


def _step_offsets(w, k):
    if k < 2 * _ROWP:
        u, p = k // _ROWP, k % _ROWP
        n = 2 * w + u
        b, i = n // _N, n % _N
        src = ((b * _N + i) * _ROWP + p) * _PIECE
        j1 = jnp.where(i < 9, i, 3 * i - 16)
        j2 = jnp.where(i < 9, 30 + 3 * (i % 3) + i // 3, 3 * i + 14)
        dsts = [((b * _NJ + j) * _ROWP + p) * _PIECE for j in (j1, j2)]
    else:
        h, half = w // 2, w % 2
        p = 2 * half + (k - 2 * _ROWP)
        b, e = h // 4, h % 4
        src_row = jnp.where(e < 2, 6 + e, 3 * e - 4)
        j0 = jnp.where(e < 2, 9 + e, 37 + e)
        src = ((b * _N + src_row) * _ROWP + p) * _PIECE
        dsts = [((b * _NJ + j0 + 3 * t) * _ROWP + p) * _PIECE
                for t in range(7)]
    return src, dsts


def _body(x_hbm, out_hbm, buf0, buf1, sg0, sg1, ss0, ss1):
    c = lax.axis_index("c")
    s = lax.axis_index("s")
    w = s * _NC + c
    bufs = (buf0.at[s], buf1)
    sgs, sss = (sg0, sg1), (ss0, ss1)

    def n_stores(k):
        return 2 if k < 2 * _ROWP else 7

    def start_gather(k):
        src, _ = _step_offsets(w, k)
        b = k % 2
        pltpu.async_copy(x_hbm.at[pl.ds(pl.multiple_of(src, _PIECE), _PIECE)],
                         bufs[b], sgs[b])

    def wait_gather(k):
        b = k % 2
        pltpu.make_async_copy(x_hbm.at[pl.ds(0, _PIECE)], bufs[b],
                              sgs[b]).wait()

    def start_stores(k):
        _, dsts = _step_offsets(w, k)
        b = k % 2
        for d in dsts:
            pltpu.async_copy(
                bufs[b], out_hbm.at[pl.ds(pl.multiple_of(d, _PIECE), _PIECE)],
                sss[b])

    def wait_stores(k):
        b = k % 2
        for _ in range(n_stores(k)):
            pltpu.make_async_copy(bufs[b], out_hbm.at[pl.ds(0, _PIECE)],
                                  sss[b]).wait()

    order = [2 * _ROWP, 2 * _ROWP + 1] + list(range(2 * _ROWP))
    start_gather(order[0])
    for p, k in enumerate(order):
        wait_gather(k)
        start_stores(k)
        if p + 1 < _NSTEP:
            if p >= 1:
                wait_stores(order[p - 1])
            start_gather(order[p + 1])
    wait_stores(order[_NSTEP - 2])
    wait_stores(order[_NSTEP - 1])


@jax.jit
def kernel(x):
    b, n, s, d = x.shape
    x1 = x.reshape(-1)
    mesh = plsc.VectorSubcoreMesh(core_axis_name="c", subcore_axis_name="s")
    out = pl.kernel(
        _body,
        out_type=jax.ShapeDtypeStruct((_NQ * _PIECE,), jnp.float32),
        mesh=mesh,
        scratch_types=[
            pltpu.VMEM_SHARED((_NS, _PIECE), jnp.float32),
            pltpu.VMEM((_PIECE,), jnp.float32),
            pltpu.SemaphoreType.DMA,
            pltpu.SemaphoreType.DMA,
            pltpu.SemaphoreType.DMA,
            pltpu.SemaphoreType.DMA,
        ],
    )(x1)
    return out.reshape(b, _NJ // 3, 3, s, d)

# --- scband reference (transcript-rebuilt; emitter-appended) ---
"""Pipeline reference for scband-recat-70703751626829 (READ-ONLY COPY).

The authoritative reference and input builder live on the scoring server;
editing this copy changes nothing except your own understanding.
"""

import jax, jax.numpy as jnp
import numpy as np

_IDX = [0, 1, 2, 3, 4, 5, 6, 7, 8, 6, 7, 9, 6, 7, 10, 6, 7, 11, 6, 7, 12, 6, 7, 13, 6, 7, 14, 6, 7, 15, 0, 3, 6, 1, 4, 7, 2, 5, 8, 2, 5, 9, 2, 5, 10, 2, 5, 11, 2, 5, 12, 2, 5, 13, 2, 5, 14, 2, 5, 15]


def setup_inputs(seed: int = 0) -> dict:
    key = jax.random.key(seed)
    x = jax.random.normal(key, (4, 16, 2048, 128), dtype=jnp.float32)
    return {"x": x}


def reference(x):
    b, n, s, d = x.shape
    idx = jnp.array(_IDX, dtype=jnp.int32)
    gathered = jnp.take(x, idx, axis=1)
    return gathered.reshape(b, 20, 3, s, d)

if __name__ == "__main__":
    import jax
    _d = setup_inputs()
    print(jax.jit(kernel)(*tuple(_d.values())))

</pallas_src>

<mosaic_0001>
#map = affine_map<(d0, d1) -> (0)>
module attributes {stable_mosaic.version = 14 : i64} {
  func.func @_body(%arg0: i32, %arg1: i32, %arg2: memref<16777216xf32, #tpu.memory_space<hbm>>, %arg3: memref<62914560xf32, #tpu.memory_space<hbm>>, %arg4: memref<16x65536xf32, #tpu.memory_space<vmem_shared>>, %arg5: memref<65536xf32, #tpu.memory_space<vmem>>, %arg6: memref<!tpu.dma_semaphore, #tpu.memory_space<semaphore_mem>>, %arg7: memref<!tpu.dma_semaphore, #tpu.memory_space<semaphore_mem>>, %arg8: memref<!tpu.dma_semaphore, #tpu.memory_space<semaphore_mem>>, %arg9: memref<!tpu.dma_semaphore, #tpu.memory_space<semaphore_mem>>) attributes {dimension_semantics = [#tpu.dimension_semantics<core_parallel>, #tpu.dimension_semantics<subcore_parallel>], iteration_bounds = array<i64: 2, 16>, scalar_prefetch = 0 : i64, scratch_operands = 6 : i64, tpu.core_type = #tpu.core_type<sc_vector_subcore>, window_params = [{transform_indices = #map}, {transform_indices = #map}]} {
    %mul3A = arith.constant 2 : i32
    %mul3A_0 = arith.muli %arg1, %mul3A : i32
    %add3A = arith.addi %mul3A_0, %arg0 : i32
    %jit3A = arith.constant 2 : i32
    %div3A = arith.divsi %add3A, %jit3A : i32
    %sign3A = arith.constant 0 : i32
    %sign3A_1 = arith.cmpi sgt, %add3A, %sign3A : i32
    %sign3A_2 = arith.extui %sign3A_1 : i1 to i32
    %sign3A_3 = arith.constant 0 : i32
    %sign3A_4 = arith.cmpi slt, %add3A, %sign3A_3 : i32
    %sign3A_5 = arith.extui %sign3A_4 : i1 to i32
    %sign3A_6 = arith.subi %sign3A_2, %sign3A_5 : i32
    %sign3A_7 = arith.constant 0 : i32
    %sign3A_8 = arith.cmpi sgt, %jit3A, %sign3A_7 : i32
    %sign3A_9 = arith.extui %sign3A_8 : i1 to i32
    %sign3A_10 = arith.constant 0 : i32
    %sign3A_11 = arith.cmpi slt, %jit3A, %sign3A_10 : i32
    %sign3A_12 = arith.extui %sign3A_11 : i1 to i32
    %sign3A_13 = arith.subi %sign3A_9, %sign3A_12 : i32
    %ne3A = arith.cmpi ne, %sign3A_6, %sign3A_13 : i32
    %rem3A = arith.remsi %add3A, %jit3A : i32
    %ne3A_14 = arith.constant 0 : i32
    %ne3A_15 = arith.cmpi ne, %rem3A, %ne3A_14 : i32
    %and3A = arith.andi %ne3A, %ne3A_15 : i1
    %sub3A = arith.constant 1 : i32
    %sub3A_16 = arith.subi %div3A, %sub3A : i32
    %select_n3A = arith.select %and3A, %sub3A_16, %div3A : i32
    %jit3A_17 = arith.constant 2 : i32
    %eq3A = arith.constant 0 : i32
    %eq3A_18 = arith.cmpi eq, %jit3A_17, %eq3A : i32
    %jit3A_19 = arith.constant 1 : i32
    %select_n3A_20 = arith.select %eq3A_18, %jit3A_19, %jit3A_17 : i32
    %rem3A_21 = arith.remsi %add3A, %select_n3A_20 : i32
    %ne3A_22 = arith.constant 0 : i32
    %ne3A_23 = arith.cmpi ne, %rem3A_21, %ne3A_22 : i32
    %lt3A = arith.constant 0 : i32
    %lt3A_24 = arith.cmpi slt, %rem3A_21, %lt3A : i32
    %lt3A_25 = arith.constant 0 : i32
    %lt3A_26 = arith.cmpi slt, %select_n3A_20, %lt3A_25 : i32
    %ne3A_27 = arith.xori %lt3A_24, %lt3A_26 : i1
    %and3A_28 = arith.andi %ne3A_27, %ne3A_23 : i1
    %add3A_29 = arith.addi %rem3A_21, %select_n3A_20 : i32
    %select_n3A_30 = arith.select %and3A_28, %add3A_29, %rem3A_21 : i32
    %mul3A_31 = arith.constant 2 : i32
    %mul3A_32 = arith.muli %mul3A_31, %select_n3A_30 : i32
    %add3A_33 = arith.constant 0 : i32
    %add3A_34 = arith.addi %mul3A_32, %add3A_33 : i32
    %jit3A_35 = arith.constant 4 : i32
    %div3A_36 = arith.divsi %select_n3A, %jit3A_35 : i32
    %sign3A_37 = arith.constant 0 : i32
    %sign3A_38 = arith.cmpi sgt, %select_n3A, %sign3A_37 : i32
    %sign3A_39 = arith.extui %sign3A_38 : i1 to i32
    %sign3A_40 = arith.constant 0 : i32
    %sign3A_41 = arith.cmpi slt, %select_n3A, %sign3A_40 : i32
    %sign3A_42 = arith.extui %sign3A_41 : i1 to i32
    %sign3A_43 = arith.subi %sign3A_39, %sign3A_42 : i32
    %sign3A_44 = arith.constant 0 : i32
    %sign3A_45 = arith.cmpi sgt, %jit3A_35, %sign3A_44 : i32
    %sign3A_46 = arith.extui %sign3A_45 : i1 to i32
    %sign3A_47 = arith.constant 0 : i32
    %sign3A_48 = arith.cmpi slt, %jit3A_35, %sign3A_47 : i32
    %sign3A_49 = arith.extui %sign3A_48 : i1 to i32
    %sign3A_50 = arith.subi %sign3A_46, %sign3A_49 : i32
    %ne3A_51 = arith.cmpi ne, %sign3A_43, %sign3A_50 : i32
    %rem3A_52 = arith.remsi %select_n3A, %jit3A_35 : i32
    %ne3A_53 = arith.constant 0 : i32
    %ne3A_54 = arith.cmpi ne, %rem3A_52, %ne3A_53 : i32
    %and3A_55 = arith.andi %ne3A_51, %ne3A_54 : i1
    %sub3A_56 = arith.constant 1 : i32
    %sub3A_57 = arith.subi %div3A_36, %sub3A_56 : i32
    %select_n3A_58 = arith.select %and3A_55, %sub3A_57, %div3A_36 : i32
    %jit3A_59 = arith.constant 4 : i32
    %eq3A_60 = arith.constant 0 : i32
    %eq3A_61 = arith.cmpi eq, %jit3A_59, %eq3A_60 : i32
    %jit3A_62 = arith.constant 1 : i32
    %select_n3A_63 = arith.select %eq3A_61, %jit3A_62, %jit3A_59 : i32
    %rem3A_64 = arith.remsi %select_n3A, %select_n3A_63 : i32
    %ne3A_65 = arith.constant 0 : i32
    %ne3A_66 = arith.cmpi ne, %rem3A_64, %ne3A_65 : i32
    %lt3A_67 = arith.constant 0 : i32
    %lt3A_68 = arith.cmpi slt, %rem3A_64, %lt3A_67 : i32
    %lt3A_69 = arith.constant 0 : i32
    %lt3A_70 = arith.cmpi slt, %select_n3A_63, %lt3A_69 : i32
    %ne3A_71 = arith.xori %lt3A_68, %lt3A_70 : i1
    %and3A_72 = arith.andi %ne3A_71, %ne3A_66 : i1
    %add3A_73 = arith.addi %rem3A_64, %select_n3A_63 : i32
    %select_n3A_74 = arith.select %and3A_72, %add3A_73, %rem3A_64 : i32
    %lt3A_75 = arith.constant 2 : i32
    %lt3A_76 = arith.cmpi slt, %select_n3A_74, %lt3A_75 : i32
    %add3A_77 = arith.constant 6 : i32
    %add3A_78 = arith.addi %add3A_77, %select_n3A_74 : i32
    %mul3A_79 = arith.constant 3 : i32
    %mul3A_80 = arith.muli %mul3A_79, %select_n3A_74 : i32
    %sub3A_81 = arith.constant 4 : i32
    %sub3A_82 = arith.subi %mul3A_80, %sub3A_81 : i32
    %select_n3A_83 = arith.select %lt3A_76, %add3A_78, %sub3A_82 : i32
    %lt3A_84 = arith.constant 2 : i32
    %lt3A_85 = arith.cmpi slt, %select_n3A_74, %lt3A_84 : i32
    %add3A_86 = arith.constant 9 : i32
    %add3A_87 = arith.addi %add3A_86, %select_n3A_74 : i32
    %add3A_88 = arith.constant 37 : i32
    %add3A_89 = arith.addi %add3A_88, %select_n3A_74 : i32
    %select_n3A_90 = arith.select %lt3A_85, %add3A_87, %add3A_89 : i32
    %mul3A_91 = arith.constant 16 : i32
    %mul3A_92 = arith.muli %select_n3A_58, %mul3A_91 : i32
    %add3A_93 = arith.addi %mul3A_92, %select_n3A_83 : i32
    %mul3A_94 = arith.constant 4 : i32
    %mul3A_95 = arith.muli %add3A_93, %mul3A_94 : i32
    %add3A_96 = arith.addi %mul3A_95, %add3A_34 : i32
    %mul3A_97 = arith.constant 65536 : i32
    %mul3A_98 = arith.muli %add3A_96, %mul3A_97 : i32
    %mul3A_99 = arith.constant 60 : i32
    %mul3A_100 = arith.muli %select_n3A_58, %mul3A_99 : i32
    %add3A_101 = arith.addi %mul3A_100, %select_n3A_90 : i32
    %add3A_102 = arith.constant 0 : i32
    %add3A_103 = arith.addi %add3A_101, %add3A_102 : i32
    %mul3A_104 = arith.constant 4 : i32
    %mul3A_105 = arith.muli %add3A_103, %mul3A_104 : i32
    %add3A_106 = arith.addi %mul3A_105, %add3A_34 : i32
    %mul3A_107 = arith.constant 65536 : i32
    %mul3A_108 = arith.muli %add3A_106, %mul3A_107 : i32
    %mul3A_109 = arith.constant 60 : i32
    %mul3A_110 = arith.muli %select_n3A_58, %mul3A_109 : i32
    %add3A_111 = arith.addi %mul3A_110, %select_n3A_90 : i32
    %add3A_112 = arith.constant 3 : i32
    %add3A_113 = arith.addi %add3A_111, %add3A_112 : i32
    %mul3A_114 = arith.constant 4 : i32
    %mul3A_115 = arith.muli %add3A_113, %mul3A_114 : i32
    %add3A_116 = arith.addi %mul3A_115, %add3A_34 : i32
    %mul3A_117 = arith.constant 65536 : i32
    %mul3A_118 = arith.muli %add3A_116, %mul3A_117 : i32
    %mul3A_119 = arith.constant 60 : i32
    %mul3A_120 = arith.muli %select_n3A_58, %mul3A_119 : i32
    %add3A_121 = arith.addi %mul3A_120, %select_n3A_90 : i32
    %add3A_122 = arith.constant 6 : i32
    %add3A_123 = arith.addi %add3A_121, %add3A_122 : i32
    %mul3A_124 = arith.constant 4 : i32
    %mul3A_125 = arith.muli %add3A_123, %mul3A_124 : i32
    %add3A_126 = arith.addi %mul3A_125, %add3A_34 : i32
    %mul3A_127 = arith.constant 65536 : i32
    %mul3A_128 = arith.muli %add3A_126, %mul3A_127 : i32
    %mul3A_129 = arith.constant 60 : i32
    %mul3A_130 = arith.muli %select_n3A_58, %mul3A_129 : i32
    %add3A_131 = arith.addi %mul3A_130, %select_n3A_90 : i32
    %add3A_132 = arith.constant 9 : i32
    %add3A_133 = arith.addi %add3A_131, %add3A_132 : i32
    %mul3A_134 = arith.constant 4 : i32
    %mul3A_135 = arith.muli %add3A_133, %mul3A_134 : i32
    %add3A_136 = arith.addi %mul3A_135, %add3A_34 : i32
    %mul3A_137 = arith.constant 65536 : i32
    %mul3A_138 = arith.muli %add3A_136, %mul3A_137 : i32
    %mul3A_139 = arith.constant 60 : i32
    %mul3A_140 = arith.muli %select_n3A_58, %mul3A_139 : i32
    %add3A_141 = arith.addi %mul3A_140, %select_n3A_90 : i32
    %add3A_142 = arith.constant 12 : i32
    %add3A_143 = arith.addi %add3A_141, %add3A_142 : i32
    %mul3A_144 = arith.constant 4 : i32
    %mul3A_145 = arith.muli %add3A_143, %mul3A_144 : i32
    %add3A_146 = arith.addi %mul3A_145, %add3A_34 : i32
    %mul3A_147 = arith.constant 65536 : i32
    %mul3A_148 = arith.muli %add3A_146, %mul3A_147 : i32
    %mul3A_149 = arith.constant 60 : i32
    %mul3A_150 = arith.muli %select_n3A_58, %mul3A_149 : i32
    %add3A_151 = arith.addi %mul3A_150, %select_n3A_90 : i32
    %add3A_152 = arith.constant 15 : i32
    %add3A_153 = arith.addi %add3A_151, %add3A_152 : i32
    %mul3A_154 = arith.constant 4 : i32
    %mul3A_155 = arith.muli %add3A_153, %mul3A_154 : i32
    %add3A_156 = arith.addi %mul3A_155, %add3A_34 : i32
    %mul3A_157 = arith.constant 65536 : i32
    %mul3A_158 = arith.muli %add3A_156, %mul3A_157 : i32
    %mul3A_159 = arith.constant 60 : i32
    %mul3A_160 = arith.muli %select_n3A_58, %mul3A_159 : i32
    %add3A_161 = arith.addi %mul3A_160, %select_n3A_90 : i32
    %add3A_162 = arith.constant 18 : i32
    %add3A_163 = arith.addi %add3A_161, %add3A_162 : i32
    %mul3A_164 = arith.constant 4 : i32
    %mul3A_165 = arith.muli %add3A_163, %mul3A_164 : i32
    %add3A_166 = arith.addi %mul3A_165, %add3A_34 : i32
    %mul3A_167 = arith.constant 65536 : i32
    %mul3A_168 = arith.muli %add3A_166, %mul3A_167 : i32
    %multiple_of3A = tpu.assume_multiple %mul3A_98, 65536 : i32
    %dma_start3A = arith.constant 0 : i32
    %dma_start3A_169 = tpu.memref_slice %arg4[%arg1, %dma_start3A] : memref<16x65536xf32, #tpu.memory_space<vmem_shared>> -> memref<1x65536xf32, #tpu.memory_space<vmem_shared>>
    %dma_start3A_170 = tpu.memref_squeeze %dma_start3A_169 : memref<1x65536xf32, #tpu.memory_space<vmem_shared>> -> memref<65536xf32, #tpu.memory_space<vmem_shared>>
    %dma_start3A_171 = tpu.memref_slice %arg2[%multiple_of3A] : memref<16777216xf32, #tpu.memory_space<hbm>> -> memref<65536xf32, #tpu.memory_space<hbm>>
    tpu.enqueue_dma source(%dma_start3A_171 : memref<65536xf32, #tpu.memory_space<hbm>>) target(%dma_start3A_170 : memref<65536xf32, #tpu.memory_space<vmem_shared>>) target_semaphore(%arg6 : memref<!tpu.dma_semaphore, #tpu.memory_space<semaphore_mem>>)
    %dma_wait3A = arith.constant 0 : i32
    %dma_wait3A_172 = tpu.memref_slice %arg4[%arg1, %dma_wait3A] : memref<16x65536xf32, #tpu.memory_space<vmem_shared>> -> memref<1x65536xf32, #tpu.memory_space<vmem_shared>>
    %dma_wait3A_173 = tpu.memref_squeeze %dma_wait3A_172 : memref<1x65536xf32, #tpu.memory_space<vmem_shared>> -> memref<65536xf32, #tpu.memory_space<vmem_shared>>
    %dma_wait3A_174 = arith.constant 0 : i32
    %dma_wait3A_175 = tpu.memref_slice %arg2[%dma_wait3A_174] : memref<16777216xf32, #tpu.memory_space<hbm>> -> memref<65536xf32, #tpu.memory_space<hbm>>
    tpu.wait_dma2 semaphore(%arg6 : memref<!tpu.dma_semaphore, #tpu.memory_space<semaphore_mem>>) src(%dma_wait3A_175 : memref<65536xf32, #tpu.memory_space<hbm>>) dst(%dma_wait3A_173 : memref<65536xf32, #tpu.memory_space<vmem_shared>>)
    %jit3A_176 = arith.constant 2 : i32
    %div3A_177 = arith.divsi %add3A, %jit3A_176 : i32
    %sign3A_178 = arith.constant 0 : i32
    %sign3A_179 = arith.cmpi sgt, %add3A, %sign3A_178 : i32
    %sign3A_180 = arith.extui %sign3A_179 : i1 to i32
    %sign3A_181 = arith.constant 0 : i32
    %sign3A_182 = arith.cmpi slt, %add3A, %sign3A_181 : i32
    %sign3A_183 = arith.extui %sign3A_182 : i1 to i32
    %sign3A_184 = arith.subi %sign3A_180, %sign3A_183 : i32
    %sign3A_185 = arith.constant 0 : i32
    %sign3A_186 = arith.cmpi sgt, %jit3A_176, %sign3A_185 : i32
    %sign3A_187 = arith.extui %sign3A_186 : i1 to i32
    %sign3A_188 = arith.constant 0 : i32
    %sign3A_189 = arith.cmpi slt, %jit3A_176, %sign3A_188 : i32
    %sign3A_190 = arith.extui %sign3A_189 : i1 to i32
    %sign3A_191 = arith.subi %sign3A_187, %sign3A_190 : i32
    %ne3A_192 = arith.cmpi ne, %sign3A_184, %sign3A_191 : i32
    %rem3A_193 = arith.remsi %add3A, %jit3A_176 : i32
    %ne3A_194 = arith.constant 0 : i32
    %ne3A_195 = arith.cmpi ne, %rem3A_193, %ne3A_194 : i32
    %and3A_196 = arith.andi %ne3A_192, %ne3A_195 : i1
    %sub3A_197 = arith.constant 1 : i32
    %sub3A_198 = arith.subi %div3A_177, %sub3A_197 : i32
    %select_n3A_199 = arith.select %and3A_196, %sub3A_198, %div3A_177 : i32
    %jit3A_200 = arith.constant 2 : i32
    %eq3A_201 = arith.constant 0 : i32
    %eq3A_202 = arith.cmpi eq, %jit3A_200, %eq3A_201 : i32
    %jit3A_203 = arith.constant 1 : i32
    %select_n3A_204 = arith.select %eq3A_202, %jit3A_203, %jit3A_200 : i32
    %rem3A_205 = arith.remsi %add3A, %select_n3A_204 : i32
    %ne3A_206 = arith.constant 0 : i32
    %ne3A_207 = arith.cmpi ne, %rem3A_205, %ne3A_206 : i32
    %lt3A_208 = arith.constant 0 : i32
    %lt3A_209 = arith.cmpi slt, %rem3A_205, %lt3A_208 : i32
    %lt3A_210 = arith.constant 0 : i32
    %lt3A_211 = arith.cmpi slt, %select_n3A_204, %lt3A_210 : i32
    %ne3A_212 = arith.xori %lt3A_209, %lt3A_211 : i1
    %and3A_213 = arith.andi %ne3A_212, %ne3A_207 : i1
    %add3A_214 = arith.addi %rem3A_205, %select_n3A_204 : i32
    %select_n3A_215 = arith.select %and3A_213, %add3A_214, %rem3A_205 : i32
    %mul3A_216 = arith.constant 2 : i32
    %mul3A_217 = arith.muli %mul3A_216, %select_n3A_215 : i32
    %add3A_218 = arith.constant 0 : i32
    %add3A_219 = arith.addi %mul3A_217, %add3A_218 : i32
    %jit3A_220 = arith.constant 4 : i32
    %div3A_221 = arith.divsi %select_n3A_199, %jit3A_220 : i32
    %sign3A_222 = arith.constant 0 : i32
    %sign3A_223 = arith.cmpi sgt, %select_n3A_199, %sign3A_222 : i32
    %sign3A_224 = arith.extui %sign3A_223 : i1 to i32
    %sign3A_225 = arith.constant 0 : i32
    %sign3A_226 = arith.cmpi slt, %select_n3A_199, %sign3A_225 : i32
    %sign3A_227 = arith.extui %sign3A_226 : i1 to i32
    %sign3A_228 = arith.subi %sign3A_224, %sign3A_227 : i32
    %sign3A_229 = arith.constant 0 : i32
    %sign3A_230 = arith.cmpi sgt, %jit3A_220, %sign3A_229 : i32
    %sign3A_231 = arith.extui %sign3A_230 : i1 to i32
    %sign3A_232 = arith.constant 0 : i32
    %sign3A_233 = arith.cmpi slt, %jit3A_220, %sign3A_232 : i32
    %sign3A_234 = arith.extui %sign3A_233 : i1 to i32
    %sign3A_235 = arith.subi %sign3A_231, %sign3A_234 : i32
    %ne3A_236 = arith.cmpi ne, %sign3A_228, %sign3A_235 : i32
    %rem3A_237 = arith.remsi %select_n3A_199, %jit3A_220 : i32
    %ne3A_238 = arith.constant 0 : i32
    %ne3A_239 = arith.cmpi ne, %rem3A_237, %ne3A_238 : i32
    %and3A_240 = arith.andi %ne3A_236, %ne3A_239 : i1
    %sub3A_241 = arith.constant 1 : i32
    %sub3A_242 = arith.subi %div3A_221, %sub3A_241 : i32
    %select_n3A_243 = arith.select %and3A_240, %sub3A_242, %div3A_221 : i32
    %jit3A_244 = arith.constant 4 : i32
    %eq3A_245 = arith.constant 0 : i32
    %eq3A_246 = arith.cmpi eq, %jit3A_244, %eq3A_245 : i32
    %jit3A_247 = arith.constant 1 : i32
    %select_n3A_248 = arith.select %eq3A_246, %jit3A_247, %jit3A_244 : i32
    %rem3A_249 = arith.remsi %select_n3A_199, %select_n3A_248 : i32
    %ne3A_250 = arith.constant 0 : i32
    %ne3A_251 = arith.cmpi ne, %rem3A_249, %ne3A_250 : i32
    %lt3A_252 = arith.constant 0 : i32
    %lt3A_253 = arith.cmpi slt, %rem3A_249, %lt3A_252 : i32
    %lt3A_254 = arith.constant 0 : i32
    %lt3A_255 = arith.cmpi slt, %select_n3A_248, %lt3A_254 : i32
    %ne3A_256 = arith.xori %lt3A_253, %lt3A_255 : i1
    %and3A_257 = arith.andi %ne3A_256, %ne3A_251 : i1
    %add3A_258 = arith.addi %rem3A_249, %select_n3A_248 : i32
    %select_n3A_259 = arith.select %and3A_257, %add3A_258, %rem3A_249 : i32
    %lt3A_260 = arith.constant 2 : i32
    %lt3A_261 = arith.cmpi slt, %select_n3A_259, %lt3A_260 : i32
    %add3A_262 = arith.constant 6 : i32
    %add3A_263 = arith.addi %add3A_262, %select_n3A_259 : i32
    %mul3A_264 = arith.constant 3 : i32
    %mul3A_265 = arith.muli %mul3A_264, %select_n3A_259 : i32
    %sub3A_266 = arith.constant 4 : i32
    %sub3A_267 = arith.subi %mul3A_265, %sub3A_266 : i32
    %select_n3A_268 = arith.select %lt3A_261, %add3A_263, %sub3A_267 : i32
    %lt3A_269 = arith.constant 2 : i32
    %lt3A_270 = arith.cmpi slt, %select_n3A_259, %lt3A_269 : i32
    %add3A_271 = arith.constant 9 : i32
    %add3A_272 = arith.addi %add3A_271, %select_n3A_259 : i32
    %add3A_273 = arith.constant 37 : i32
    %add3A_274 = arith.addi %add3A_273, %select_n3A_259 : i32
    %select_n3A_275 = arith.select %lt3A_270, %add3A_272, %add3A_274 : i32
    %mul3A_276 = arith.constant 16 : i32
    %mul3A_277 = arith.muli %select_n3A_243, %mul3A_276 : i32
    %add3A_278 = arith.addi %mul3A_277, %select_n3A_268 : i32
    %mul3A_279 = arith.constant 4 : i32
    %mul3A_280 = arith.muli %add3A_278, %mul3A_279 : i32
    %add3A_281 = arith.addi %mul3A_280, %add3A_219 : i32
    %mul3A_282 = arith.constant 65536 : i32
    %mul3A_283 = arith.muli %add3A_281, %mul3A_282 : i32
    %mul3A_284 = arith.constant 60 : i32
    %mul3A_285 = arith.muli %select_n3A_243, %mul3A_284 : i32
    %add3A_286 = arith.addi %mul3A_285, %select_n3A_275 : i32
    %add3A_287 = arith.constant 0 : i32
    %add3A_288 = arith.addi %add3A_286, %add3A_287 : i32
    %mul3A_289 = arith.constant 4 : i32
    %mul3A_290 = arith.muli %add3A_288, %mul3A_289 : i32
    %add3A_291 = arith.addi %mul3A_290, %add3A_219 : i32
    %mul3A_292 = arith.constant 65536 : i32
    %mul3A_293 = arith.muli %add3A_291, %mul3A_292 : i32
    %mul3A_294 = arith.constant 60 : i32
    %mul3A_295 = arith.muli %select_n3A_243, %mul3A_294 : i32
    %add3A_296 = arith.addi %mul3A_295, %select_n3A_275 : i32
    %add3A_297 = arith.constant 3 : i32
    %add3A_298 = arith.addi %add3A_296, %add3A_297 : i32
    %mul3A_299 = arith.constant 4 : i32
    %mul3A_300 = arith.muli %add3A_298, %mul3A_299 : i32
    %add3A_301 = arith.addi %mul3A_300, %add3A_219 : i32
    %mul3A_302 = arith.constant 65536 : i32
    %mul3A_303 = arith.muli %add3A_301, %mul3A_302 : i32
    %mul3A_304 = arith.constant 60 : i32
    %mul3A_305 = arith.muli %select_n3A_243, %mul3A_304 : i32
    %add3A_306 = arith.addi %mul3A_305, %select_n3A_275 : i32
    %add3A_307 = arith.constant 6 : i32
    %add3A_308 = arith.addi %add3A_306, %add3A_307 : i32
    %mul3A_309 = arith.constant 4 : i32
    %mul3A_310 = arith.muli %add3A_308, %mul3A_309 : i32
    %add3A_311 = arith.addi %mul3A_310, %add3A_219 : i32
    %mul3A_312 = arith.constant 65536 : i32
    %mul3A_313 = arith.muli %add3A_311, %mul3A_312 : i32
    %mul3A_314 = arith.constant 60 : i32
    %mul3A_315 = arith.muli %select_n3A_243, %mul3A_314 : i32
    %add3A_316 = arith.addi %mul3A_315, %select_n3A_275 : i32
    %add3A_317 = arith.constant 9 : i32
    %add3A_318 = arith.addi %add3A_316, %add3A_317 : i32
    %mul3A_319 = arith.constant 4 : i32
    %mul3A_320 = arith.muli %add3A_318, %mul3A_319 : i32
    %add3A_321 = arith.addi %mul3A_320, %add3A_219 : i32
    %mul3A_322 = arith.constant 65536 : i32
    %mul3A_323 = arith.muli %add3A_321, %mul3A_322 : i32
    %mul3A_324 = arith.constant 60 : i32
    %mul3A_325 = arith.muli %select_n3A_243, %mul3A_324 : i32
    %add3A_326 = arith.addi %mul3A_325, %select_n3A_275 : i32
    %add3A_327 = arith.constant 12 : i32
    %add3A_328 = arith.addi %add3A_326, %add3A_327 : i32
    %mul3A_329 = arith.constant 4 : i32
    %mul3A_330 = arith.muli %add3A_328, %mul3A_329 : i32
    %add3A_331 = arith.addi %mul3A_330, %add3A_219 : i32
    %mul3A_332 = arith.constant 65536 : i32
    %mul3A_333 = arith.muli %add3A_331, %mul3A_332 : i32
    %mul3A_334 = arith.constant 60 : i32
    %mul3A_335 = arith.muli %select_n3A_243, %mul3A_334 : i32
    %add3A_336 = arith.addi %mul3A_335, %select_n3A_275 : i32
    %add3A_337 = arith.constant 15 : i32
    %add3A_338 = arith.addi %add3A_336, %add3A_337 : i32
    %mul3A_339 = arith.constant 4 : i32
    %mul3A_340 = arith.muli %add3A_338, %mul3A_339 : i32
    %add3A_341 = arith.addi %mul3A_340, %add3A_219 : i32
    %mul3A_342 = arith.constant 65536 : i32
    %mul3A_343 = arith.muli %add3A_341, %mul3A_342 : i32
    %mul3A_344 = arith.constant 60 : i32
    %mul3A_345 = arith.muli %select_n3A_243, %mul3A_344 : i32
    %add3A_346 = arith.addi %mul3A_345, %select_n3A_275 : i32
    %add3A_347 = arith.constant 18 : i32
    %add3A_348 = arith.addi %add3A_346, %add3A_347 : i32
    %mul3A_349 = arith.constant 4 : i32
    %mul3A_350 = arith.muli %add3A_348, %mul3A_349 : i32
    %add3A_351 = arith.addi %mul3A_350, %add3A_219 : i32
    %mul3A_352 = arith.constant 65536 : i32
    %mul3A_353 = arith.muli %add3A_351, %mul3A_352 : i32
    %multiple_of3A_354 = tpu.assume_multiple %mul3A_293, 65536 : i32
    %dma_start3A_355 = tpu.memref_slice %arg3[%multiple_of3A_354] : memref<62914560xf32, #tpu.memory_space<hbm>> -> memref<65536xf32, #tpu.memory_space<hbm>>
    %dma_start3A_356 = arith.constant 0 : i32
    %dma_start3A_357 = tpu.memref_slice %arg4[%arg1, %dma_start3A_356] : memref<16x65536xf32, #tpu.memory_space<vmem_shared>> -> memref<1x65536xf32, #tpu.memory_space<vmem_shared>>
    %dma_start3A_358 = tpu.memref_squeeze %dma_start3A_357 : memref<1x65536xf32, #tpu.memory_space<vmem_shared>> -> memref<65536xf32, #tpu.memory_space<vmem_shared>>
    tpu.enqueue_dma source(%dma_start3A_358 : memref<65536xf32, #tpu.memory_space<vmem_shared>>) target(%dma_start3A_355 : memref<65536xf32, #tpu.memory_space<hbm>>) target_semaphore(%arg8 : memref<!tpu.dma_semaphore, #tpu.memory_space<semaphore_mem>>)
    %multiple_of3A_359 = tpu.assume_multiple %mul3A_303, 65536 : i32
    %dma_start3A_360 = tpu.memref_slice %arg3[%multiple_of3A_359] : memref<62914560xf32, #tpu.memory_space<hbm>> -> memref<65536xf32, #tpu.memory_space<hbm>>
    %dma_start3A_361 = arith.constant 0 : i32
    %dma_start3A_362 = tpu.memref_slice %arg4[%arg1, %dma_start3A_361] : memref<16x65536xf32, #tpu.memory_space<vmem_shared>> -> memref<1x65536xf32, #tpu.memory_space<vmem_shared>>
    %dma_start3A_363 = tpu.memref_squeeze %dma_start3A_362 : memref<1x65536xf32, #tpu.memory_space<vmem_shared>> -> memref<65536xf32, #tpu.memory_space<vmem_shared>>
    tpu.enqueue_dma source(%dma_start3A_363 : memref<65536xf32, #tpu.memory_space<vmem_shared>>) target(%dma_start3A_360 : memref<65536xf32, #tpu.memory_space<hbm>>) target_semaphore(%arg8 : memref<!tpu.dma_semaphore, #tpu.memory_space<semaphore_mem>>)
    %multiple_of3A_364 = tpu.assume_multiple %mul3A_313, 65536 : i32
    %dma_start3A_365 = tpu.memref_slice %arg3[%multiple_of3A_364] : memref<62914560xf32, #tpu.memory_space<hbm>> -> memref<65536xf32, #tpu.memory_space<hbm>>
    %dma_start3A_366 = arith.constant 0 : i32
    %dma_start3A_367 = tpu.memref_slice %arg4[%arg1, %dma_start3A_366] : memref<16x65536xf32, #tpu.memory_space<vmem_shared>> -> memref<1x65536xf32, #tpu.memory_space<vmem_shared>>
    %dma_start3A_368 = tpu.memref_squeeze %dma_start3A_367 : memref<1x65536xf32, #tpu.memory_space<vmem_shared>> -> memref<65536xf32, #tpu.memory_space<vmem_shared>>
    tpu.enqueue_dma source(%dma_start3A_368 : memref<65536xf32, #tpu.memory_space<vmem_shared>>) target(%dma_start3A_365 : memref<65536xf32, #tpu.memory_space<hbm>>) target_semaphore(%arg8 : memref<!tpu.dma_semaphore, #tpu.memory_space<semaphore_mem>>)
    %multiple_of3A_369 = tpu.assume_multiple %mul3A_323, 65536 : i32
    %dma_start3A_370 = tpu.memref_slice %arg3[%multiple_of3A_369] : memref<62914560xf32, #tpu.memory_space<hbm>> -> memref<65536xf32, #tpu.memory_space<hbm>>
    %dma_start3A_371 = arith.constant 0 : i32
    %dma_start3A_372 = tpu.memref_slice %arg4[%arg1, %dma_start3A_371] : memref<16x65536xf32, #tpu.memory_space<vmem_shared>> -> memref<1x65536xf32, #tpu.memory_space<vmem_shared>>
    %dma_start3A_373 = tpu.memref_squeeze %dma_start3A_372 : memref<1x65536xf32, #tpu.memory_space<vmem_shared>> -> memref<65536xf32, #tpu.memory_space<vmem_shared>>
    tpu.enqueue_dma source(%dma_start3A_373 : memref<65536xf32, #tpu.memory_space<vmem_shared>>) target(%dma_start3A_370 : memref<65536xf32, #tpu.memory_space<hbm>>) target_semaphore(%arg8 : memref<!tpu.dma_semaphore, #tpu.memory_space<semaphore_mem>>)
    %multiple_of3A_374 = tpu.assume_multiple %mul3A_333, 65536 : i32
    %dma_start3A_375 = tpu.memref_slice %arg3[%multiple_of3A_374] : memref<62914560xf32, #tpu.memory_space<hbm>> -> memref<65536xf32, #tpu.memory_space<hbm>>
    %dma_start3A_376 = arith.constant 0 : i32
    %dma_start3A_377 = tpu.memref_slice %arg4[%arg1, %dma_start3A_376] : memref<16x65536xf32, #tpu.memory_space<vmem_shared>> -> memref<1x65536xf32, #tpu.memory_space<vmem_shared>>
    %dma_start3A_378 = tpu.memref_squeeze %dma_start3A_377 : memref<1x65536xf32, #tpu.memory_space<vmem_shared>> -> memref<65536xf32, #tpu.memory_space<vmem_shared>>
    tpu.enqueue_dma source(%dma_start3A_378 : memref<65536xf32, #tpu.memory_space<vmem_shared>>) target(%dma_start3A_375 : memref<65536xf32, #tpu.memory_space<hbm>>) target_semaphore(%arg8 : memref<!tpu.dma_semaphore, #tpu.memory_space<semaphore_mem>>)
    %multiple_of3A_379 = tpu.assume_multiple %mul3A_343, 65536 : i32
    %dma_start3A_380 = tpu.memref_slice %arg3[%multiple_of3A_379] : memref<62914560xf32, #tpu.memory_space<hbm>> -> memref<65536xf32, #tpu.memory_space<hbm>>
    %dma_start3A_381 = arith.constant 0 : i32
    %dma_start3A_382 = tpu.memref_slice %arg4[%arg1, %dma_start3A_381] : memref<16x65536xf32, #tpu.memory_space<vmem_shared>> -> memref<1x65536xf32, #tpu.memory_space<vmem_shared>>
    %dma_start3A_383 = tpu.memref_squeeze %dma_start3A_382 : memref<1x65536xf32, #tpu.memory_space<vmem_shared>> -> memref<65536xf32, #tpu.memory_space<vmem_shared>>
    tpu.enqueue_dma source(%dma_start3A_383 : memref<65536xf32, #tpu.memory_space<vmem_shared>>) target(%dma_start3A_380 : memref<65536xf32, #tpu.memory_space<hbm>>) target_semaphore(%arg8 : memref<!tpu.dma_semaphore, #tpu.memory_space<semaphore_mem>>)
    %multiple_of3A_384 = tpu.assume_multiple %mul3A_353, 65536 : i32
    %dma_start3A_385 = tpu.memref_slice %arg3[%multiple_of3A_384] : memref<62914560xf32, #tpu.memory_space<hbm>> -> memref<65536xf32, #tpu.memory_space<hbm>>
    %dma_start3A_386 = arith.constant 0 : i32
    %dma_start3A_387 = tpu.memref_slice %arg4[%arg1, %dma_start3A_386] : memref<16x65536xf32, #tpu.memory_space<vmem_shared>> -> memref<1x65536xf32, #tpu.memory_space<vmem_shared>>
    %dma_start3A_388 = tpu.memref_squeeze %dma_start3A_387 : memref<1x65536xf32, #tpu.memory_space<vmem_shared>> -> memref<65536xf32, #tpu.memory_space<vmem_shared>>
    tpu.enqueue_dma source(%dma_start3A_388 : memref<65536xf32, #tpu.memory_space<vmem_shared>>) target(%dma_start3A_385 : memref<65536xf32, #tpu.memory_space<hbm>>) target_semaphore(%arg8 : memref<!tpu.dma_semaphore, #tpu.memory_space<semaphore_mem>>)
    %jit3A_389 = arith.constant 2 : i32
    %div3A_390 = arith.divsi %add3A, %jit3A_389 : i32
    %sign3A_391 = arith.constant 0 : i32
    %sign3A_392 = arith.cmpi sgt, %add3A, %sign3A_391 : i32
    %sign3A_393 = arith.extui %sign3A_392 : i1 to i32
    %sign3A_394 = arith.constant 0 : i32
    %sign3A_395 = arith.cmpi slt, %add3A, %sign3A_394 : i32
    %sign3A_396 = arith.extui %sign3A_395 : i1 to i32
    %sign3A_397 = arith.subi %sign3A_393, %sign3A_396 : i32
    %sign3A_398 = arith.constant 0 : i32
    %sign3A_399 = arith.cmpi sgt, %jit3A_389, %sign3A_398 : i32
    %sign3A_400 = arith.extui %sign3A_399 : i1 to i32
    %sign3A_401 = arith.constant 0 : i32
    %sign3A_402 = arith.cmpi slt, %jit3A_389, %sign3A_401 : i32
    %sign3A_403 = arith.extui %sign3A_402 : i1 to i32
    %sign3A_404 = arith.subi %sign3A_400, %sign3A_403 : i32
    %ne3A_405 = arith.cmpi ne, %sign3A_397, %sign3A_404 : i32
    %rem3A_406 = arith.remsi %add3A, %jit3A_389 : i32
    %ne3A_407 = arith.constant 0 : i32
    %ne3A_408 = arith.cmpi ne, %rem3A_406, %ne3A_407 : i32
    %and3A_409 = arith.andi %ne3A_405, %ne3A_408 : i1
    %sub3A_410 = arith.constant 1 : i32
    %sub3A_411 = arith.subi %div3A_390, %sub3A_410 : i32
    %select_n3A_412 = arith.select %and3A_409, %sub3A_411, %div3A_390 : i32
    %jit3A_413 = arith.constant 2 : i32
    %eq3A_414 = arith.constant 0 : i32
    %eq3A_415 = arith.cmpi eq, %jit3A_413, %eq3A_414 : i32
    %jit3A_416 = arith.constant 1 : i32
    %select_n3A_417 = arith.select %eq3A_415, %jit3A_416, %jit3A_413 : i32
    %rem3A_418 = arith.remsi %add3A, %select_n3A_417 : i32
    %ne3A_419 = arith.constant 0 : i32
    %ne3A_420 = arith.cmpi ne, %rem3A_418, %ne3A_419 : i32
    %lt3A_421 = arith.constant 0 : i32
    %lt3A_422 = arith.cmpi slt, %rem3A_418, %lt3A_421 : i32
    %lt3A_423 = arith.constant 0 : i32
    %lt3A_424 = arith.cmpi slt, %select_n3A_417, %lt3A_423 : i32
    %ne3A_425 = arith.xori %lt3A_422, %lt3A_424 : i1
    %and3A_426 = arith.andi %ne3A_425, %ne3A_420 : i1
    %add3A_427 = arith.addi %rem3A_418, %select_n3A_417 : i32
    %select_n3A_428 = arith.select %and3A_426, %add3A_427, %rem3A_418 : i32
    %mul3A_429 = arith.constant 2 : i32
    %mul3A_430 = arith.muli %mul3A_429, %select_n3A_428 : i32
    %add3A_431 = arith.constant 1 : i32
    %add3A_432 = arith.addi %mul3A_430, %add3A_431 : i32
    %jit3A_433 = arith.constant 4 : i32
    %div3A_434 = arith.divsi %select_n3A_412, %jit3A_433 : i32
    %sign3A_435 = arith.constant 0 : i32
    %sign3A_436 = arith.cmpi sgt, %select_n3A_412, %sign3A_435 : i32
    %sign3A_437 = arith.extui %sign3A_436 : i1 to i32
    %sign3A_438 = arith.constant 0 : i32
    %sign3A_439 = arith.cmpi slt, %select_n3A_412, %sign3A_438 : i32
    %sign3A_440 = arith.extui %sign3A_439 : i1 to i32
    %sign3A_441 = arith.subi %sign3A_437, %sign3A_440 : i32
    %sign3A_442 = arith.constant 0 : i32
    %sign3A_443 = arith.cmpi sgt, %jit3A_433, %sign3A_442 : i32
    %sign3A_444 = arith.extui %sign3A_443 : i1 to i32
    %sign3A_445 = arith.constant 0 : i32
    %sign3A_446 = arith.cmpi slt, %jit3A_433, %sign3A_445 : i32
    %sign3A_447 = arith.extui %sign3A_446 : i1 to i32
    %sign3A_448 = arith.subi %sign3A_444, %sign3A_447 : i32
    %ne3A_449 = arith.cmpi ne, %sign3A_441, %sign3A_448 : i32
    %rem3A_450 = arith.remsi %select_n3A_412, %jit3A_433 : i32
    %ne3A_451 = arith.constant 0 : i32
    %ne3A_452 = arith.cmpi ne, %rem3A_450, %ne3A_451 : i32
    %and3A_453 = arith.andi %ne3A_449, %ne3A_452 : i1
    %sub3A_454 = arith.constant 1 : i32
    %sub3A_455 = arith.subi %div3A_434, %sub3A_454 : i32
    %select_n3A_456 = arith.select %and3A_453, %sub3A_455, %div3A_434 : i32
    %jit3A_457 = arith.constant 4 : i32
    %eq3A_458 = arith.constant 0 : i32
    %eq3A_459 = arith.cmpi eq, %jit3A_457, %eq3A_458 : i32
    %jit3A_460 = arith.constant 1 : i32
    %select_n3A_461 = arith.select %eq3A_459, %jit3A_460, %jit3A_457 : i32
    %rem3A_462 = arith.remsi %select_n3A_412, %select_n3A_461 : i32
    %ne3A_463 = arith.constant 0 : i32
    %ne3A_464 = arith.cmpi ne, %rem3A_462, %ne3A_463 : i32
    %lt3A_465 = arith.constant 0 : i32
    %lt3A_466 = arith.cmpi slt, %rem3A_462, %lt3A_465 : i32
    %lt3A_467 = arith.constant 0 : i32
    %lt3A_468 = arith.cmpi slt, %select_n3A_461, %lt3A_467 : i32
    %ne3A_469 = arith.xori %lt3A_466, %lt3A_468 : i1
    %and3A_470 = arith.andi %ne3A_469, %ne3A_464 : i1
    %add3A_471 = arith.addi %rem3A_462, %select_n3A_461 : i32
    %select_n3A_472 = arith.select %and3A_470, %add3A_471, %rem3A_462 : i32
    %lt3A_473 = arith.constant 2 : i32
    %lt3A_474 = arith.cmpi slt, %select_n3A_472, %lt3A_473 : i32
    %add3A_475 = arith.constant 6 : i32
    %add3A_476 = arith.addi %add3A_475, %select_n3A_472 : i32
    %mul3A_477 = arith.constant 3 : i32
    %mul3A_478 = arith.muli %mul3A_477, %select_n3A_472 : i32
    %sub3A_479 = arith.constant 4 : i32
    %sub3A_480 = arith.subi %mul3A_478, %sub3A_479 : i32
    %select_n3A_481 = arith.select %lt3A_474, %add3A_476, %sub3A_480 : i32
    %lt3A_482 = arith.constant 2 : i32
    %lt3A_483 = arith.cmpi slt, %select_n3A_472, %lt3A_482 : i32
    %add3A_484 = arith.constant 9 : i32
    %add3A_485 = arith.addi %add3A_484, %select_n3A_472 : i32
    %add3A_486 = arith.constant 37 : i32
    %add3A_487 = arith.addi %add3A_486, %select_n3A_472 : i32
    %select_n3A_488 = arith.select %lt3A_483, %add3A_485, %add3A_487 : i32
    %mul3A_489 = arith.constant 16 : i32
    %mul3A_490 = arith.muli %select_n3A_456, %mul3A_489 : i32
    %add3A_491 = arith.addi %mul3A_490, %select_n3A_481 : i32
    %mul3A_492 = arith.constant 4 : i32
    %mul3A_493 = arith.muli %add3A_491, %mul3A_492 : i32
    %add3A_494 = arith.addi %mul3A_493, %add3A_432 : i32
    %mul3A_495 = arith.constant 65536 : i32
    %mul3A_496 = arith.muli %add3A_494, %mul3A_495 : i32
    %mul3A_497 = arith.constant 60 : i32
    %mul3A_498 = arith.muli %select_n3A_456, %mul3A_497 : i32
    %add3A_499 = arith.addi %mul3A_498, %select_n3A_488 : i32
    %add3A_500 = arith.constant 0 : i32
    %add3A_501 = arith.addi %add3A_499, %add3A_500 : i32
    %mul3A_502 = arith.constant 4 : i32
    %mul3A_503 = arith.muli %add3A_501, %mul3A_502 : i32
    %add3A_504 = arith.addi %mul3A_503, %add3A_432 : i32
    %mul3A_505 = arith.constant 65536 : i32
    %mul3A_506 = arith.muli %add3A_504, %mul3A_505 : i32
    %mul3A_507 = arith.constant 60 : i32
    %mul3A_508 = arith.muli %select_n3A_456, %mul3A_507 : i32
    %add3A_509 = arith.addi %mul3A_508, %select_n3A_488 : i32
    %add3A_510 = arith.constant 3 : i32
    %add3A_511 = arith.addi %add3A_509, %add3A_510 : i32
    %mul3A_512 = arith.constant 4 : i32
    %mul3A_513 = arith.muli %add3A_511, %mul3A_512 : i32
    %add3A_514 = arith.addi %mul3A_513, %add3A_432 : i32
    %mul3A_515 = arith.constant 65536 : i32
    %mul3A_516 = arith.muli %add3A_514, %mul3A_515 : i32
    %mul3A_517 = arith.constant 60 : i32
    %mul3A_518 = arith.muli %select_n3A_456, %mul3A_517 : i32
    %add3A_519 = arith.addi %mul3A_518, %select_n3A_488 : i32
    %add3A_520 = arith.constant 6 : i32
    %add3A_521 = arith.addi %add3A_519, %add3A_520 : i32
    %mul3A_522 = arith.constant 4 : i32
    %mul3A_523 = arith.muli %add3A_521, %mul3A_522 : i32
    %add3A_524 = arith.addi %mul3A_523, %add3A_432 : i32
    %mul3A_525 = arith.constant 65536 : i32
    %mul3A_526 = arith.muli %add3A_524, %mul3A_525 : i32
    %mul3A_527 = arith.constant 60 : i32
    %mul3A_528 = arith.muli %select_n3A_456, %mul3A_527 : i32
    %add3A_529 = arith.addi %mul3A_528, %select_n3A_488 : i32
    %add3A_530 = arith.constant 9 : i32
    %add3A_531 = arith.addi %add3A_529, %add3A_530 : i32
    %mul3A_532 = arith.constant 4 : i32
    %mul3A_533 = arith.muli %add3A_531, %mul3A_532 : i32
    %add3A_534 = arith.addi %mul3A_533, %add3A_432 : i32
    %mul3A_535 = arith.constant 65536 : i32
    %mul3A_536 = arith.muli %add3A_534, %mul3A_535 : i32
    %mul3A_537 = arith.constant 60 : i32
    %mul3A_538 = arith.muli %select_n3A_456, %mul3A_537 : i32
    %add3A_539 = arith.addi %mul3A_538, %select_n3A_488 : i32
    %add3A_540 = arith.constant 12 : i32
    %add3A_541 = arith.addi %add3A_539, %add3A_540 : i32
    %mul3A_542 = arith.constant 4 : i32
    %mul3A_543 = arith.muli %add3A_541, %mul3A_542 : i32
    %add3A_544 = arith.addi %mul3A_543, %add3A_432 : i32
    %mul3A_545 = arith.constant 65536 : i32
    %mul3A_546 = arith.muli %add3A_544, %mul3A_545 : i32
    %mul3A_547 = arith.constant 60 : i32
    %mul3A_548 = arith.muli %select_n3A_456, %mul3A_547 : i32
    %add3A_549 = arith.addi %mul3A_548, %select_n3A_488 : i32
    %add3A_550 = arith.constant 15 : i32
    %add3A_551 = arith.addi %add3A_549, %add3A_550 : i32
    %mul3A_552 = arith.constant 4 : i32
    %mul3A_553 = arith.muli %add3A_551, %mul3A_552 : i32
    %add3A_554 = arith.addi %mul3A_553, %add3A_432 : i32
    %mul3A_555 = arith.constant 65536 : i32
    %mul3A_556 = arith.muli %add3A_554, %mul3A_555 : i32
    %mul3A_557 = arith.constant 60 : i32
    %mul3A_558 = arith.muli %select_n3A_456, %mul3A_557 : i32
    %add3A_559 = arith.addi %mul3A_558, %select_n3A_488 : i32
    %add3A_560 = arith.constant 18 : i32
    %add3A_561 = arith.addi %add3A_559, %add3A_560 : i32
    %mul3A_562 = arith.constant 4 : i32
    %mul3A_563 = arith.muli %add3A_561, %mul3A_562 : i32
    %add3A_564 = arith.addi %mul3A_563, %add3A_432 : i32
    %mul3A_565 = arith.constant 65536 : i32
    %mul3A_566 = arith.muli %add3A_564, %mul3A_565 : i32
    %multiple_of3A_567 = tpu.assume_multiple %mul3A_496, 65536 : i32
    %dma_start3A_568 = tpu.memref_slice %arg2[%multiple_of3A_567] : memref<16777216xf32, #tpu.memory_space<hbm>> -> memref<65536xf32, #tpu.memory_space<hbm>>
    %dma_start3A_569 = tpu.memref_slice %arg2[%multiple_of3A_567] : memref<16777216xf32, #tpu.memory_space<hbm>> -> memref<65536xf32, #tpu.memory_space<hbm>>
    tpu.enqueue_dma source(%dma_start3A_569 : memref<65536xf32, #tpu.memory_space<hbm>>) target(%arg5 : memref<65536xf32, #tpu.memory_space<vmem>>) target_semaphore(%arg7 : memref<!tpu.dma_semaphore, #tpu.memory_space<semaphore_mem>>)
    %dma_wait3A_570 = arith.constant 0 : i32
    %dma_wait3A_571 = tpu.memref_slice %arg2[%dma_wait3A_570] : memref<16777216xf32, #tpu.memory_space<hbm>> -> memref<65536xf32, #tpu.memory_space<hbm>>
    %dma_wait3A_572 = arith.constant 0 : i32
    %dma_wait3A_573 = tpu.memref_slice %arg2[%dma_wait3A_572] : memref<16777216xf32, #tpu.memory_space<hbm>> -> memref<65536xf32, #tpu.memory_space<hbm>>
    tpu.wait_dma2 semaphore(%arg7 : memref<!tpu.dma_semaphore, #tpu.memory_space<semaphore_mem>>) src(%dma_wait3A_573 : memref<65536xf32, #tpu.memory_space<hbm>>) dst(%arg5 : memref<65536xf32, #tpu.memory_space<vmem>>)
    %jit3A_574 = arith.constant 2 : i32
    %div3A_575 = arith.divsi %add3A, %jit3A_574 : i32
    %sign3A_576 = arith.constant 0 : i32
    %sign3A_577 = arith.cmpi sgt, %add3A, %sign3A_576 : i32
    %sign3A_578 = arith.extui %sign3A_577 : i1 to i32
    %sign3A_579 = arith.constant 0 : i32
    %sign3A_580 = arith.cmpi slt, %add3A, %sign3A_579 : i32
    %sign3A_581 = arith.extui %sign3A_580 : i1 to i32
    %sign3A_582 = arith.subi %sign3A_578, %sign3A_581 : i32
    %sign3A_583 = arith.constant 0 : i32
    %sign3A_584 = arith.cmpi sgt, %jit3A_574, %sign3A_583 : i32
    %sign3A_585 = arith.extui %sign3A_584 : i1 to i32
    %sign3A_586 = arith.constant 0 : i32
    %sign3A_587 = arith.cmpi slt, %jit3A_574, %sign3A_586 : i32
    %sign3A_588 = arith.extui %sign3A_587 : i1 to i32
    %sign3A_589 = arith.subi %sign3A_585, %sign3A_588 : i32
    %ne3A_590 = arith.cmpi ne, %sign3A_582, %sign3A_589 : i32
    %rem3A_591 = arith.remsi %add3A, %jit3A_574 : i32
    %ne3A_592 = arith.constant 0 : i32
    %ne3A_593 = arith.cmpi ne, %rem3A_591, %ne3A_592 : i32
    %and3A_594 = arith.andi %ne3A_590, %ne3A_593 : i1
    %sub3A_595 = arith.constant 1 : i32
    %sub3A_596 = arith.subi %div3A_575, %sub3A_595 : i32
    %select_n3A_597 = arith.select %and3A_594, %sub3A_596, %div3A_575 : i32
    %jit3A_598 = arith.constant 2 : i32
    %eq3A_599 = arith.constant 0 : i32
    %eq3A_600 = arith.cmpi eq, %jit3A_598, %eq3A_599 : i32
    %jit3A_601 = arith.constant 1 : i32
    %select_n3A_602 = arith.select %eq3A_600, %jit3A_601, %jit3A_598 : i32
    %rem3A_603 = arith.remsi %add3A, %select_n3A_602 : i32
    %ne3A_604 = arith.constant 0 : i32
    %ne3A_605 = arith.cmpi ne, %rem3A_603, %ne3A_604 : i32
    %lt3A_606 = arith.constant 0 : i32
    %lt3A_607 = arith.cmpi slt, %rem3A_603, %lt3A_606 : i32
    %lt3A_608 = arith.constant 0 : i32
    %lt3A_609 = arith.cmpi slt, %select_n3A_602, %lt3A_608 : i32
    %ne3A_610 = arith.xori %lt3A_607, %lt3A_609 : i1
    %and3A_611 = arith.andi %ne3A_610, %ne3A_605 : i1
    %add3A_612 = arith.addi %rem3A_603, %select_n3A_602 : i32
    %select_n3A_613 = arith.select %and3A_611, %add3A_612, %rem3A_603 : i32
    %mul3A_614 = arith.constant 2 : i32
    %mul3A_615 = arith.muli %mul3A_614, %select_n3A_613 : i32
    %add3A_616 = arith.constant 1 : i32
    %add3A_617 = arith.addi %mul3A_615, %add3A_616 : i32
    %jit3A_618 = arith.constant 4 : i32
    %div3A_619 = arith.divsi %select_n3A_597, %jit3A_618 : i32
    %sign3A_620 = arith.constant 0 : i32
    %sign3A_621 = arith.cmpi sgt, %select_n3A_597, %sign3A_620 : i32
    %sign3A_622 = arith.extui %sign3A_621 : i1 to i32
    %sign3A_623 = arith.constant 0 : i32
    %sign3A_624 = arith.cmpi slt, %select_n3A_597, %sign3A_623 : i32
    %sign3A_625 = arith.extui %sign3A_624 : i1 to i32
    %sign3A_626 = arith.subi %sign3A_622, %sign3A_625 : i32
    %sign3A_627 = arith.constant 0 : i32
    %sign3A_628 = arith.cmpi sgt, %jit3A_618, %sign3A_627 : i32
    %sign3A_629 = arith.extui %sign3A_628 : i1 to i32
    %sign3A_630 = arith.constant 0 : i32
    %sign3A_631 = arith.cmpi slt, %jit3A_618, %sign3A_630 : i32
    %sign3A_632 = arith.extui %sign3A_631 : i1 to i32
    %sign3A_633 = arith.subi %sign3A_629, %sign3A_632 : i32
    %ne3A_634 = arith.cmpi ne, %sign3A_626, %sign3A_633 : i32
    %rem3A_635 = arith.remsi %select_n3A_597, %jit3A_618 : i32
    %ne3A_636 = arith.constant 0 : i32
    %ne3A_637 = arith.cmpi ne, %rem3A_635, %ne3A_636 : i32
    %and3A_638 = arith.andi %ne3A_634, %ne3A_637 : i1
    %sub3A_639 = arith.constant 1 : i32
    %sub3A_640 = arith.subi %div3A_619, %sub3A_639 : i32
    %select_n3A_641 = arith.select %and3A_638, %sub3A_640, %div3A_619 : i32
    %jit3A_642 = arith.constant 4 : i32
    %eq3A_643 = arith.constant 0 : i32
    %eq3A_644 = arith.cmpi eq, %jit3A_642, %eq3A_643 : i32
    %jit3A_645 = arith.constant 1 : i32
    %select_n3A_646 = arith.select %eq3A_644, %jit3A_645, %jit3A_642 : i32
    %rem3A_647 = arith.remsi %select_n3A_597, %select_n3A_646 : i32
    %ne3A_648 = arith.constant 0 : i32
    %ne3A_649 = arith.cmpi ne, %rem3A_647, %ne3A_648 : i32
    %lt3A_650 = arith.constant 0 : i32
    %lt3A_651 = arith.cmpi slt, %rem3A_647, %lt3A_650 : i32
    %lt3A_652 = arith.constant 0 : i32
    %lt3A_653 = arith.cmpi slt, %select_n3A_646, %lt3A_652 : i32
    %ne3A_654 = arith.xori %lt3A_651, %lt3A_653 : i1
    %and3A_655 = arith.andi %ne3A_654, %ne3A_649 : i1
    %add3A_656 = arith.addi %rem3A_647, %select_n3A_646 : i32
    %select_n3A_657 = arith.select %and3A_655, %add3A_656, %rem3A_647 : i32
    %lt3A_658 = arith.constant 2 : i32
    %lt3A_659 = arith.cmpi slt, %select_n3A_657, %lt3A_658 : i32
    %add3A_660 = arith.constant 6 : i32
    %add3A_661 = arith.addi %add3A_660, %select_n3A_657 : i32
    %mul3A_662 = arith.constant 3 : i32
    %mul3A_663 = arith.muli %mul3A_662, %select_n3A_657 : i32
    %sub3A_664 = arith.constant 4 : i32
    %sub3A_665 = arith.subi %mul3A_663, %sub3A_664 : i32
    %select_n3A_666 = arith.select %lt3A_659, %add3A_661, %sub3A_665 : i32
    %lt3A_667 = arith.constant 2 : i32
    %lt3A_668 = arith.cmpi slt, %select_n3A_657, %lt3A_667 : i32
    %add3A_669 = arith.constant 9 : i32
    %add3A_670 = arith.addi %add3A_669, %select_n3A_657 : i32
    %add3A_671 = arith.constant 37 : i32
    %add3A_672 = arith.addi %add3A_671, %select_n3A_657 : i32
    %select_n3A_673 = arith.select %lt3A_668, %add3A_670, %add3A_672 : i32
    %mul3A_674 = arith.constant 16 : i32
    %mul3A_675 = arith.muli %select_n3A_641, %mul3A_674 : i32
    %add3A_676 = arith.addi %mul3A_675, %select_n3A_666 : i32
    %mul3A_677 = arith.constant 4 : i32
    %mul3A_678 = arith.muli %add3A_676, %mul3A_677 : i32
    %add3A_679 = arith.addi %mul3A_678, %add3A_617 : i32
    %mul3A_680 = arith.constant 65536 : i32
    %mul3A_681 = arith.muli %add3A_679, %mul3A_680 : i32
    %mul3A_682 = arith.constant 60 : i32
    %mul3A_683 = arith.muli %select_n3A_641, %mul3A_682 : i32
    %add3A_684 = arith.addi %mul3A_683, %select_n3A_673 : i32
    %add3A_685 = arith.constant 0 : i32
    %add3A_686 = arith.addi %add3A_684, %add3A_685 : i32
    %mul3A_687 = arith.constant 4 : i32
    %mul3A_688 = arith.muli %add3A_686, %mul3A_687 : i32
    %add3A_689 = arith.addi %mul3A_688, %add3A_617 : i32
    %mul3A_690 = arith.constant 65536 : i32
    %mul3A_691 = arith.muli %add3A_689, %mul3A_690 : i32
    %mul3A_692 = arith.constant 60 : i32
    %mul3A_693 = arith.muli %select_n3A_641, %mul3A_692 : i32
    %add3A_694 = arith.addi %mul3A_693, %select_n3A_673 : i32
    %add3A_695 = arith.constant 3 : i32
    %add3A_696 = arith.addi %add3A_694, %add3A_695 : i32
    %mul3A_697 = arith.constant 4 : i32
    %mul3A_698 = arith.muli %add3A_696, %mul3A_697 : i32
    %add3A_699 = arith.addi %mul3A_698, %add3A_617 : i32
    %mul3A_700 = arith.constant 65536 : i32
    %mul3A_701 = arith.muli %add3A_699, %mul3A_700 : i32
    %mul3A_702 = arith.constant 60 : i32
    %mul3A_703 = arith.muli %select_n3A_641, %mul3A_702 : i32
    %add3A_704 = arith.addi %mul3A_703, %select_n3A_673 : i32
    %add3A_705 = arith.constant 6 : i32
    %add3A_706 = arith.addi %add3A_704, %add3A_705 : i32
    %mul3A_707 = arith.constant 4 : i32
    %mul3A_708 = arith.muli %add3A_706, %mul3A_707 : i32
    %add3A_709 = arith.addi %mul3A_708, %add3A_617 : i32
    %mul3A_710 = arith.constant 65536 : i32
    %mul3A_711 = arith.muli %add3A_709, %mul3A_710 : i32
    %mul3A_712 = arith.constant 60 : i32
    %mul3A_713 = arith.muli %select_n3A_641, %mul3A_712 : i32
    %add3A_714 = arith.addi %mul3A_713, %select_n3A_673 : i32
    %add3A_715 = arith.constant 9 : i32
    %add3A_716 = arith.addi %add3A_714, %add3A_715 : i32
    %mul3A_717 = arith.constant 4 : i32
    %mul3A_718 = arith.muli %add3A_716, %mul3A_717 : i32
    %add3A_719 = arith.addi %mul3A_718, %add3A_617 : i32
    %mul3A_720 = arith.constant 65536 : i32
    %mul3A_721 = arith.muli %add3A_719, %mul3A_720 : i32
    %mul3A_722 = arith.constant 60 : i32
    %mul3A_723 = arith.muli %select_n3A_641, %mul3A_722 : i32
    %add3A_724 = arith.addi %mul3A_723, %select_n3A_673 : i32
    %add3A_725 = arith.constant 12 : i32
    %add3A_726 = arith.addi %add3A_724, %add3A_725 : i32
    %mul3A_727 = arith.constant 4 : i32
    %mul3A_728 = arith.muli %add3A_726, %mul3A_727 : i32
    %add3A_729 = arith.addi %mul3A_728, %add3A_617 : i32
    %mul3A_730 = arith.constant 65536 : i32
    %mul3A_731 = arith.muli %add3A_729, %mul3A_730 : i32
    %mul3A_732 = arith.constant 60 : i32
    %mul3A_733 = arith.muli %select_n3A_641, %mul3A_732 : i32
    %add3A_734 = arith.addi %mul3A_733, %select_n3A_673 : i32
    %add3A_735 = arith.constant 15 : i32
    %add3A_736 = arith.addi %add3A_734, %add3A_735 : i32
    %mul3A_737 = arith.constant 4 : i32
    %mul3A_738 = arith.muli %add3A_736, %mul3A_737 : i32
    %add3A_739 = arith.addi %mul3A_738, %add3A_617 : i32
    %mul3A_740 = arith.constant 65536 : i32
    %mul3A_741 = arith.muli %add3A_739, %mul3A_740 : i32
    %mul3A_742 = arith.constant 60 : i32
    %mul3A_743 = arith.muli %select_n3A_641, %mul3A_742 : i32
    %add3A_744 = arith.addi %mul3A_743, %select_n3A_673 : i32
    %add3A_745 = arith.constant 18 : i32
    %add3A_746 = arith.addi %add3A_744, %add3A_745 : i32
    %mul3A_747 = arith.constant 4 : i32
    %mul3A_748 = arith.muli %add3A_746, %mul3A_747 : i32
    %add3A_749 = arith.addi %mul3A_748, %add3A_617 : i32
    %mul3A_750 = arith.constant 65536 : i32
    %mul3A_751 = arith.muli %add3A_749, %mul3A_750 : i32
    %multiple_of3A_752 = tpu.assume_multiple %mul3A_691, 65536 : i32
    %dma_start3A_753 = tpu.memref_slice %arg3[%multiple_of3A_752] : memref<62914560xf32, #tpu.memory_space<hbm>> -> memref<65536xf32, #tpu.memory_space<hbm>>
    %dma_start3A_754 = tpu.memref_slice %arg3[%multiple_of3A_752] : memref<62914560xf32, #tpu.memory_space<hbm>> -> memref<65536xf32, #tpu.memory_space<hbm>>
    tpu.enqueue_dma source(%arg5 : memref<65536xf32, #tpu.memory_space<vmem>>) target(%dma_start3A_754 : memref<65536xf32, #tpu.memory_space<hbm>>) target_semaphore(%arg9 : memref<!tpu.dma_semaphore, #tpu.memory_space<semaphore_mem>>)
    %multiple_of3A_755 = tpu.assume_multiple %mul3A_701, 65536 : i32
    %dma_start3A_756 = tpu.memref_slice %arg3[%multiple_of3A_755] : memref<62914560xf32, #tpu.memory_space<hbm>> -> memref<65536xf32, #tpu.memory_space<hbm>>
    %dma_start3A_757 = tpu.memref_slice %arg3[%multiple_of3A_755] : memref<62914560xf32, #tpu.memory_space<hbm>> -> memref<65536xf32, #tpu.memory_space<hbm>>
    tpu.enqueue_dma source(%arg5 : memref<65536xf32, #tpu.memory_space<vmem>>) target(%dma_start3A_757 : memref<65536xf32, #tpu.memory_space<hbm>>) target_semaphore(%arg9 : memref<!tpu.dma_semaphore, #tpu.memory_space<semaphore_mem>>)
    %multiple_of3A_758 = tpu.assume_multiple %mul3A_711, 65536 : i32
    %dma_start3A_759 = tpu.memref_slice %arg3[%multiple_of3A_758] : memref<62914560xf32, #tpu.memory_space<hbm>> -> memref<65536xf32, #tpu.memory_space<hbm>>
    %dma_start3A_760 = tpu.memref_slice %arg3[%multiple_of3A_758] : memref<62914560xf32, #tpu.memory_space<hbm>> -> memref<65536xf32, #tpu.memory_space<hbm>>
    tpu.enqueue_dma source(%arg5 : memref<65536xf32, #tpu.memory_space<vmem>>) target(%dma_start3A_760 : memref<65536xf32, #tpu.memory_space<hbm>>) target_semaphore(%arg9 : memref<!tpu.dma_semaphore, #tpu.memory_space<semaphore_mem>>)
    %multiple_of3A_761 = tpu.assume_multiple %mul3A_721, 65536 : i32
    %dma_start3A_762 = tpu.memref_slice %arg3[%multiple_of3A_761] : memref<62914560xf32, #tpu.memory_space<hbm>> -> memref<65536xf32, #tpu.memory_space<hbm>>
    %dma_start3A_763 = tpu.memref_slice %arg3[%multiple_of3A_761] : memref<62914560xf32, #tpu.memory_space<hbm>> -> memref<65536xf32, #tpu.memory_space<hbm>>
    tpu.enqueue_dma source(%arg5 : memref<65536xf32, #tpu.memory_space<vmem>>) target(%dma_start3A_763 : memref<65536xf32, #tpu.memory_space<hbm>>) target_semaphore(%arg9 : memref<!tpu.dma_semaphore, #tpu.memory_space<semaphore_mem>>)
    %multiple_of3A_764 = tpu.assume_multiple %mul3A_731, 65536 : i32
    %dma_start3A_765 = tpu.memref_slice %arg3[%multiple_of3A_764] : memref<62914560xf32, #tpu.memory_space<hbm>> -> memref<65536xf32, #tpu.memory_space<hbm>>
    %dma_start3A_766 = tpu.memref_slice %arg3[%multiple_of3A_764] : memref<62914560xf32, #tpu.memory_space<hbm>> -> memref<65536xf32, #tpu.memory_space<hbm>>
    tpu.enqueue_dma source(%arg5 : memref<65536xf32, #tpu.memory_space<vmem>>) target(%dma_start3A_766 : memref<65536xf32, #tpu.memory_space<hbm>>) target_semaphore(%arg9 : memref<!tpu.dma_semaphore, #tpu.memory_space<semaphore_mem>>)
    %multiple_of3A_767 = tpu.assume_multiple %mul3A_741, 65536 : i32
    %dma_start3A_768 = tpu.memref_slice %arg3[%multiple_of3A_767] : memref<62914560xf32, #tpu.memory_space<hbm>> -> memref<65536xf32, #tpu.memory_space<hbm>>
    %dma_start3A_769 = tpu.memref_slice %arg3[%multiple_of3A_767] : memref<62914560xf32, #tpu.memory_space<hbm>> -> memref<65536xf32, #tpu.memory_space<hbm>>
    tpu.enqueue_dma source(%arg5 : memref<65536xf32, #tpu.memory_space<vmem>>) target(%dma_start3A_769 : memref<65536xf32, #tpu.memory_space<hbm>>) target_semaphore(%arg9 : memref<!tpu.dma_semaphore, #tpu.memory_space<semaphore_mem>>)
    %multiple_of3A_770 = tpu.assume_multiple %mul3A_751, 65536 : i32
    %dma_start3A_771 = tpu.memref_slice %arg3[%multiple_of3A_770] : memref<62914560xf32, #tpu.memory_space<hbm>> -> memref<65536xf32, #tpu.memory_space<hbm>>
    %dma_start3A_772 = tpu.memref_slice %arg3[%multiple_of3A_770] : memref<62914560xf32, #tpu.memory_space<hbm>> -> memref<65536xf32, #tpu.memory_space<hbm>>
    tpu.enqueue_dma source(%arg5 : memref<65536xf32, #tpu.memory_space<vmem>>) target(%dma_start3A_772 : memref<65536xf32, #tpu.memory_space<hbm>>) target_semaphore(%arg9 : memref<!tpu.dma_semaphore, #tpu.memory_space<semaphore_mem>>)
    %dma_wait3A_773 = arith.constant 0 : i32
    %dma_wait3A_774 = tpu.memref_slice %arg3[%dma_wait3A_773] : memref<62914560xf32, #tpu.memory_space<hbm>> -> memref<65536xf32, #tpu.memory_space<hbm>>
    %dma_wait3A_775 = arith.constant 0 : i32
    %dma_wait3A_776 = tpu.memref_slice %arg4[%arg1, %dma_wait3A_775] : memref<16x65536xf32, #tpu.memory_space<vmem_shared>> -> memref<1x65536xf32, #tpu.memory_space<vmem_shared>>
    %dma_wait3A_777 = tpu.memref_squeeze %dma_wait3A_776 : memref<1x65536xf32, #tpu.memory_space<vmem_shared>> -> memref<65536xf32, #tpu.memory_space<vmem_shared>>
    tpu.wait_dma2 semaphore(%arg8 : memref<!tpu.dma_semaphore, #tpu.memory_space<semaphore_mem>>) src(%dma_wait3A_777 : memref<65536xf32, #tpu.memory_space<vmem_shared>>) dst(%dma_wait3A_774 : memref<65536xf32, #tpu.memory_space<hbm>>)
    %dma_wait3A_778 = arith.constant 0 : i32
    %dma_wait3A_779 = tpu.memref_slice %arg3[%dma_wait3A_778] : memref<62914560xf32, #tpu.memory_space<hbm>> -> memref<65536xf32, #tpu.memory_space<hbm>>
    %dma_wait3A_780 = arith.constant 0 : i32
    %dma_wait3A_781 = tpu.memref_slice %arg4[%arg1, %dma_wait3A_780] : memref<16x65536xf32, #tpu.memory_space<vmem_shared>> -> memref<1x65536xf32, #tpu.memory_space<vmem_shared>>
    %dma_wait3A_782 = tpu.memref_squeeze %dma_wait3A_781 : memref<1x65536xf32, #tpu.memory_space<vmem_shared>> -> memref<65536xf32, #tpu.memory_space<vmem_shared>>
    tpu.wait_dma2 semaphore(%arg8 : memref<!tpu.dma_semaphore, #tpu.memory_space<semaphore_mem>>) src(%dma_wait3A_782 : memref<65536xf32, #tpu.memory_space<vmem_shared>>) dst(%dma_wait3A_779 : memref<65536xf32, #tpu.memory_space<hbm>>)
    %dma_wait3A_783 = arith.constant 0 : i32
    %dma_wait3A_784 = tpu.memref_slice %arg3[%dma_wait3A_783] : memref<62914560xf32, #tpu.memory_space<hbm>> -> memref<65536xf32, #tpu.memory_space<hbm>>
    %dma_wait3A_785 = arith.constant 0 : i32
    %dma_wait3A_786 = tpu.memref_slice %arg4[%arg1, %dma_wait3A_785] : memref<16x65536xf32, #tpu.memory_space<vmem_shared>> -> memref<1x65536xf32, #tpu.memory_space<vmem_shared>>
    %dma_wait3A_787 = tpu.memref_squeeze %dma_wait3A_786 : memref<1x65536xf32, #tpu.memory_space<vmem_shared>> -> memref<65536xf32, #tpu.memory_space<vmem_shared>>
    tpu.wait_dma2 semaphore(%arg8 : memref<!tpu.dma_semaphore, #tpu.memory_space<semaphore_mem>>) src(%dma_wait3A_787 : memref<65536xf32, #tpu.memory_space<vmem_shared>>) dst(%dma_wait3A_784 : memref<65536xf32, #tpu.memory_space<hbm>>)
    %dma_wait3A_788 = arith.constant 0 : i32
    %dma_wait3A_789 = tpu.memref_slice %arg3[%dma_wait3A_788] : memref<62914560xf32, #tpu.memory_space<hbm>> -> memref<65536xf32, #tpu.memory_space<hbm>>
    %dma_wait3A_790 = arith.constant 0 : i32
    %dma_wait3A_791 = tpu.memref_slice %arg4[%arg1, %dma_wait3A_790] : memref<16x65536xf32, #tpu.memory_space<vmem_shared>> -> memref<1x65536xf32, #tpu.memory_space<vmem_shared>>
    %dma_wait3A_792 = tpu.memref_squeeze %dma_wait3A_791 : memref<1x65536xf32, #tpu.memory_space<vmem_shared>> -> memref<65536xf32, #tpu.memory_space<vmem_shared>>
    tpu.wait_dma2 semaphore(%arg8 : memref<!tpu.dma_semaphore, #tpu.memory_space<semaphore_mem>>) src(%dma_wait3A_792 : memref<65536xf32, #tpu.memory_space<vmem_shared>>) dst(%dma_wait3A_789 : memref<65536xf32, #tpu.memory_space<hbm>>)
    %dma_wait3A_793 = arith.constant 0 : i32
    %dma_wait3A_794 = tpu.memref_slice %arg3[%dma_wait3A_793] : memref<62914560xf32, #tpu.memory_space<hbm>> -> memref<65536xf32, #tpu.memory_space<hbm>>
    %dma_wait3A_795 = arith.constant 0 : i32
    %dma_wait3A_796 = tpu.memref_slice %arg4[%arg1, %dma_wait3A_795] : memref<16x65536xf32, #tpu.memory_space<vmem_shared>> -> memref<1x65536xf32, #tpu.memory_space<vmem_shared>>
    %dma_wait3A_797 = tpu.memref_squeeze %dma_wait3A_796 : memref<1x65536xf32, #tpu.memory_space<vmem_shared>> -> memref<65536xf32, #tpu.memory_space<vmem_shared>>
    tpu.wait_dma2 semaphore(%arg8 : memref<!tpu.dma_semaphore, #tpu.memory_space<semaphore_mem>>) src(%dma_wait3A_797 : memref<65536xf32, #tpu.memory_space<vmem_shared>>) dst(%dma_wait3A_794 : memref<65536xf32, #tpu.memory_space<hbm>>)
    %dma_wait3A_798 = arith.constant 0 : i32
    %dma_wait3A_799 = tpu.memref_slice %arg3[%dma_wait3A_798] : memref<62914560xf32, #tpu.memory_space<hbm>> -> memref<65536xf32, #tpu.memory_space<hbm>>
    %dma_wait3A_800 = arith.constant 0 : i32
    %dma_wait3A_801 = tpu.memref_slice %arg4[%arg1, %dma_wait3A_800] : memref<16x65536xf32, #tpu.memory_space<vmem_shared>> -> memref<1x65536xf32, #tpu.memory_space<vmem_shared>>
    %dma_wait3A_802 = tpu.memref_squeeze %dma_wait3A_801 : memref<1x65536xf32, #tpu.memory_space<vmem_shared>> -> memref<65536xf32, #tpu.memory_space<vmem_shared>>
    tpu.wait_dma2 semaphore(%arg8 : memref<!tpu.dma_semaphore, #tpu.memory_space<semaphore_mem>>) src(%dma_wait3A_802 : memref<65536xf32, #tpu.memory_space<vmem_shared>>) dst(%dma_wait3A_799 : memref<65536xf32, #tpu.memory_space<hbm>>)
    %dma_wait3A_803 = arith.constant 0 : i32
    %dma_wait3A_804 = tpu.memref_slice %arg3[%dma_wait3A_803] : memref<62914560xf32, #tpu.memory_space<hbm>> -> memref<65536xf32, #tpu.memory_space<hbm>>
    %dma_wait3A_805 = arith.constant 0 : i32
    %dma_wait3A_806 = tpu.memref_slice %arg4[%arg1, %dma_wait3A_805] : memref<16x65536xf32, #tpu.memory_space<vmem_shared>> -> memref<1x65536xf32, #tpu.memory_space<vmem_shared>>
    %dma_wait3A_807 = tpu.memref_squeeze %dma_wait3A_806 : memref<1x65536xf32, #tpu.memory_space<vmem_shared>> -> memref<65536xf32, #tpu.memory_space<vmem_shared>>
    tpu.wait_dma2 semaphore(%arg8 : memref<!tpu.dma_semaphore, #tpu.memory_space<semaphore_mem>>) src(%dma_wait3A_807 : memref<65536xf32, #tpu.memory_space<vmem_shared>>) dst(%dma_wait3A_804 : memref<65536xf32, #tpu.memory_space<hbm>>)
    %mul3A_808 = arith.constant 2 : i32
    %mul3A_809 = arith.muli %mul3A_808, %add3A : i32
    %add3A_810 = arith.constant 0 : i32
    %add3A_811 = arith.addi %mul3A_809, %add3A_810 : i32
    %jit3A_812 = arith.constant 16 : i32
    %div3A_813 = arith.divsi %add3A_811, %jit3A_812 : i32
    %sign3A_814 = arith.constant 0 : i32
    %sign3A_815 = arith.cmpi sgt, %add3A_811, %sign3A_814 : i32
    %sign3A_816 = arith.extui %sign3A_815 : i1 to i32
    %sign3A_817 = arith.constant 0 : i32
    %sign3A_818 = arith.cmpi slt, %add3A_811, %sign3A_817 : i32
    %sign3A_819 = arith.extui %sign3A_818 : i1 to i32
    %sign3A_820 = arith.subi %sign3A_816, %sign3A_819 : i32
    %sign3A_821 = arith.constant 0 : i32
    %sign3A_822 = arith.cmpi sgt, %jit3A_812, %sign3A_821 : i32
    %sign3A_823 = arith.extui %sign3A_822 : i1 to i32
    %sign3A_824 = arith.constant 0 : i32
    %sign3A_825 = arith.cmpi slt, %jit3A_812, %sign3A_824 : i32
    %sign3A_826 = arith.extui %sign3A_825 : i1 to i32
    %sign3A_827 = arith.subi %sign3A_823, %sign3A_826 : i32
    %ne3A_828 = arith.cmpi ne, %sign3A_820, %sign3A_827 : i32
    %rem3A_829 = arith.remsi %add3A_811, %jit3A_812 : i32
    %ne3A_830 = arith.constant 0 : i32
    %ne3A_831 = arith.cmpi ne, %rem3A_829, %ne3A_830 : i32
    %and3A_832 = arith.andi %ne3A_828, %ne3A_831 : i1
    %sub3A_833 = arith.constant 1 : i32
    %sub3A_834 = arith.subi %div3A_813, %sub3A_833 : i32
    %select_n3A_835 = arith.select %and3A_832, %sub3A_834, %div3A_813 : i32
    %jit3A_836 = arith.constant 16 : i32
    %eq3A_837 = arith.constant 0 : i32
    %eq3A_838 = arith.cmpi eq, %jit3A_836, %eq3A_837 : i32
    %jit3A_839 = arith.constant 1 : i32
    %select_n3A_840 = arith.select %eq3A_838, %jit3A_839, %jit3A_836 : i32
    %rem3A_841 = arith.remsi %add3A_811, %select_n3A_840 : i32
    %ne3A_842 = arith.constant 0 : i32
    %ne3A_843 = arith.cmpi ne, %rem3A_841, %ne3A_842 : i32
    %lt3A_844 = arith.constant 0 : i32
    %lt3A_845 = arith.cmpi slt, %rem3A_841, %lt3A_844 : i32
    %lt3A_846 = arith.constant 0 : i32
    %lt3A_847 = arith.cmpi slt, %select_n3A_840, %lt3A_846 : i32
    %ne3A_848 = arith.xori %lt3A_845, %lt3A_847 : i1
    %and3A_849 = arith.andi %ne3A_848, %ne3A_843 : i1
    %add3A_850 = arith.addi %rem3A_841, %select_n3A_840 : i32
    %select_n3A_851 = arith.select %and3A_849, %add3A_850, %rem3A_841 : i32
    %mul3A_852 = arith.constant 16 : i32
    %mul3A_853 = arith.muli %select_n3A_835, %mul3A_852 : i32
    %add3A_854 = arith.addi %mul3A_853, %select_n3A_851 : i32
    %mul3A_855 = arith.constant 4 : i32
    %mul3A_856 = arith.muli %add3A_854, %mul3A_855 : i32
    %add3A_857 = arith.constant 0 : i32
    %add3A_858 = arith.addi %mul3A_856, %add3A_857 : i32
    %mul3A_859 = arith.constant 65536 : i32
    %mul3A_860 = arith.muli %add3A_858, %mul3A_859 : i32
    %lt3A_861 = arith.constant 9 : i32
    %lt3A_862 = arith.cmpi slt, %select_n3A_851, %lt3A_861 : i32
    %mul3A_863 = arith.constant 3 : i32
    %mul3A_864 = arith.muli %mul3A_863, %select_n3A_851 : i32
    %sub3A_865 = arith.constant 16 : i32
    %sub3A_866 = arith.subi %mul3A_864, %sub3A_865 : i32
    %select_n3A_867 = arith.select %lt3A_862, %select_n3A_851, %sub3A_866 : i32
    %lt3A_868 = arith.constant 9 : i32
    %lt3A_869 = arith.cmpi slt, %select_n3A_851, %lt3A_868 : i32
    %jit3A_870 = arith.constant 3 : i32
    %eq3A_871 = arith.constant 0 : i32
    %eq3A_872 = arith.cmpi eq, %jit3A_870, %eq3A_871 : i32
    %jit3A_873 = arith.constant 1 : i32
    %select_n3A_874 = arith.select %eq3A_872, %jit3A_873, %jit3A_870 : i32
    %rem3A_875 = arith.remsi %select_n3A_851, %select_n3A_874 : i32
    %ne3A_876 = arith.constant 0 : i32
    %ne3A_877 = arith.cmpi ne, %rem3A_875, %ne3A_876 : i32
    %lt3A_878 = arith.constant 0 : i32
    %lt3A_879 = arith.cmpi slt, %rem3A_875, %lt3A_878 : i32
    %lt3A_880 = arith.constant 0 : i32
    %lt3A_881 = arith.cmpi slt, %select_n3A_874, %lt3A_880 : i32
    %ne3A_882 = arith.xori %lt3A_879, %lt3A_881 : i1
    %and3A_883 = arith.andi %ne3A_882, %ne3A_877 : i1
    %add3A_884 = arith.addi %rem3A_875, %select_n3A_874 : i32
    %select_n3A_885 = arith.select %and3A_883, %add3A_884, %rem3A_875 : i32
    %mul3A_886 = arith.constant 3 : i32
    %mul3A_887 = arith.muli %mul3A_886, %select_n3A_885 : i32
    %add3A_888 = arith.constant 30 : i32
    %add3A_889 = arith.addi %add3A_888, %mul3A_887 : i32
    %jit3A_890 = arith.constant 3 : i32
    %div3A_891 = arith.divsi %select_n3A_851, %jit3A_890 : i32
    %sign3A_892 = arith.constant 0 : i32
    %sign3A_893 = arith.cmpi sgt, %select_n3A_851, %sign3A_892 : i32
    %sign3A_894 = arith.extui %sign3A_893 : i1 to i32
    %sign3A_895 = arith.constant 0 : i32
    %sign3A_896 = arith.cmpi slt, %select_n3A_851, %sign3A_895 : i32
    %sign3A_897 = arith.extui %sign3A_896 : i1 to i32
    %sign3A_898 = arith.subi %sign3A_894, %sign3A_897 : i32
    %sign3A_899 = arith.constant 0 : i32
    %sign3A_900 = arith.cmpi sgt, %jit3A_890, %sign3A_899 : i32
    %sign3A_901 = arith.extui %sign3A_900 : i1 to i32
    %sign3A_902 = arith.constant 0 : i32
    %sign3A_903 = arith.cmpi slt, %jit3A_890, %sign3A_902 : i32
    %sign3A_904 = arith.extui %sign3A_903 : i1 to i32
    %sign3A_905 = arith.subi %sign3A_901, %sign3A_904 : i32
    %ne3A_906 = arith.cmpi ne, %sign3A_898, %sign3A_905 : i32
    %rem3A_907 = arith.remsi %select_n3A_851, %jit3A_890 : i32
    %ne3A_908 = arith.constant 0 : i32
    %ne3A_909 = arith.cmpi ne, %rem3A_907, %ne3A_908 : i32
    %and3A_910 = arith.andi %ne3A_906, %ne3A_909 : i1
    %sub3A_911 = arith.constant 1 : i32
    %sub3A_912 = arith.subi %div3A_891, %sub3A_911 : i32
    %select_n3A_913 = arith.select %and3A_910, %sub3A_912, %div3A_891 : i32
    %add3A_914 = arith.addi %add3A_889, %select_n3A_913 : i32
    %mul3A_915 = arith.constant 3 : i32
    %mul3A_916 = arith.muli %mul3A_915, %select_n3A_851 : i32
    %add3A_917 = arith.constant 14 : i32
    %add3A_918 = arith.addi %mul3A_916, %add3A_917 : i32
    %select_n3A_919 = arith.select %lt3A_869, %add3A_914, %add3A_918 : i32
    %mul3A_920 = arith.constant 60 : i32
    %mul3A_921 = arith.muli %select_n3A_835, %mul3A_920 : i32
    %add3A_922 = arith.addi %mul3A_921, %select_n3A_867 : i32
    %mul3A_923 = arith.constant 4 : i32
    %mul3A_924 = arith.muli %add3A_922, %mul3A_923 : i32
    %add3A_925 = arith.constant 0 : i32
    %add3A_926 = arith.addi %mul3A_924, %add3A_925 : i32
    %mul3A_927 = arith.constant 65536 : i32
    %mul3A_928 = arith.muli %add3A_926, %mul3A_927 : i32
    %mul3A_929 = arith.constant 60 : i32
    %mul3A_930 = arith.muli %select_n3A_835, %mul3A_929 : i32
    %add3A_931 = arith.addi %mul3A_930, %select_n3A_919 : i32
    %mul3A_932 = arith.constant 4 : i32
    %mul3A_933 = arith.muli %add3A_931, %mul3A_932 : i32
    %add3A_934 = arith.constant 0 : i32
    %add3A_935 = arith.addi %mul3A_933, %add3A_934 : i32
    %mul3A_936 = arith.constant 65536 : i32
    %mul3A_937 = arith.muli %add3A_935, %mul3A_936 : i32
    %multiple_of3A_938 = tpu.assume_multiple %mul3A_860, 65536 : i32
    %dma_start3A_939 = arith.constant 0 : i32
    %dma_start3A_940 = tpu.memref_slice %arg4[%arg1, %dma_start3A_939] : memref<16x65536xf32, #tpu.memory_space<vmem_shared>> -> memref<1x65536xf32, #tpu.memory_space<vmem_shared>>
    %dma_start3A_941 = tpu.memref_squeeze %dma_start3A_940 : memref<1x65536xf32, #tpu.memory_space<vmem_shared>> -> memref<65536xf32, #tpu.memory_space<vmem_shared>>
    %dma_start3A_942 = tpu.memref_slice %arg2[%multiple_of3A_938] : memref<16777216xf32, #tpu.memory_space<hbm>> -> memref<65536xf32, #tpu.memory_space<hbm>>
    tpu.enqueue_dma source(%dma_start3A_942 : memref<65536xf32, #tpu.memory_space<hbm>>) target(%dma_start3A_941 : memref<65536xf32, #tpu.memory_space<vmem_shared>>) target_semaphore(%arg6 : memref<!tpu.dma_semaphore, #tpu.memory_space<semaphore_mem>>)
    %dma_wait3A_943 = arith.constant 0 : i32
    %dma_wait3A_944 = tpu.memref_slice %arg4[%arg1, %dma_wait3A_943] : memref<16x65536xf32, #tpu.memory_space<vmem_shared>> -> memref<1x65536xf32, #tpu.memory_space<vmem_shared>>
    %dma_wait3A_945 = tpu.memref_squeeze %dma_wait3A_944 : memref<1x65536xf32, #tpu.memory_space<vmem_shared>> -> memref<65536xf32, #tpu.memory_space<vmem_shared>>
    %dma_wait3A_946 = arith.constant 0 : i32
    %dma_wait3A_947 = tpu.memref_slice %arg2[%dma_wait3A_946] : memref<16777216xf32, #tpu.memory_space<hbm>> -> memref<65536xf32, #tpu.memory_space<hbm>>
    tpu.wait_dma2 semaphore(%arg6 : memref<!tpu.dma_semaphore, #tpu.memory_space<semaphore_mem>>) src(%dma_wait3A_947 : memref<65536xf32, #tpu.memory_space<hbm>>) dst(%dma_wait3A_945 : memref<65536xf32, #tpu.memory_space<vmem_shared>>)
    %mul3A_948 = arith.constant 2 : i32
    %mul3A_949 = arith.muli %mul3A_948, %add3A : i32
    %add3A_950 = arith.constant 0 : i32
    %add3A_951 = arith.addi %mul3A_949, %add3A_950 : i32
    %jit3A_952 = arith.constant 16 : i32
    %div3A_953 = arith.divsi %add3A_951, %jit3A_952 : i32
    %sign3A_954 = arith.constant 0 : i32
    %sign3A_955 = arith.cmpi sgt, %add3A_951, %sign3A_954 : i32
    %sign3A_956 = arith.extui %sign3A_955 : i1 to i32
    %sign3A_957 = arith.constant 0 : i32
    %sign3A_958 = arith.cmpi slt, %add3A_951, %sign3A_957 : i32
    %sign3A_959 = arith.extui %sign3A_958 : i1 to i32
    %sign3A_960 = arith.subi %sign3A_956, %sign3A_959 : i32
    %sign3A_961 = arith.constant 0 : i32
    %sign3A_962 = arith.cmpi sgt, %jit3A_952, %sign3A_961 : i32
    %sign3A_963 = arith.extui %sign3A_962 : i1 to i32
    %sign3A_964 = arith.constant 0 : i32
    %sign3A_965 = arith.cmpi slt, %jit3A_952, %sign3A_964 : i32
    %sign3A_966 = arith.extui %sign3A_965 : i1 to i32
    %sign3A_967 = arith.subi %sign3A_963, %sign3A_966 : i32
    %ne3A_968 = arith.cmpi ne, %sign3A_960, %sign3A_967 : i32
    %rem3A_969 = arith.remsi %add3A_951, %jit3A_952 : i32
    %ne3A_970 = arith.constant 0 : i32
    %ne3A_971 = arith.cmpi ne, %rem3A_969, %ne3A_970 : i32
    %and3A_972 = arith.andi %ne3A_968, %ne3A_971 : i1
    %sub3A_973 = arith.constant 1 : i32
    %sub3A_974 = arith.subi %div3A_953, %sub3A_973 : i32
    %select_n3A_975 = arith.select %and3A_972, %sub3A_974, %div3A_953 : i32
    %jit3A_976 = arith.constant 16 : i32
    %eq3A_977 = arith.constant 0 : i32
    %eq3A_978 = arith.cmpi eq, %jit3A_976, %eq3A_977 : i32
    %jit3A_979 = arith.constant 1 : i32
    %select_n3A_980 = arith.select %eq3A_978, %jit3A_979, %jit3A_976 : i32
    %rem3A_981 = arith.remsi %add3A_951, %select_n3A_980 : i32
    %ne3A_982 = arith.constant 0 : i32
    %ne3A_983 = arith.cmpi ne, %rem3A_981, %ne3A_982 : i32
    %lt3A_984 = arith.constant 0 : i32
    %lt3A_985 = arith.cmpi slt, %rem3A_981, %lt3A_984 : i32
    %lt3A_986 = arith.constant 0 : i32
    %lt3A_987 = arith.cmpi slt, %select_n3A_980, %lt3A_986 : i32
    %ne3A_988 = arith.xori %lt3A_985, %lt3A_987 : i1
    %and3A_989 = arith.andi %ne3A_988, %ne3A_983 : i1
    %add3A_990 = arith.addi %rem3A_981, %select_n3A_980 : i32
    %select_n3A_991 = arith.select %and3A_989, %add3A_990, %rem3A_981 : i32
    %mul3A_992 = arith.constant 16 : i32
    %mul3A_993 = arith.muli %select_n3A_975, %mul3A_992 : i32
    %add3A_994 = arith.addi %mul3A_993, %select_n3A_991 : i32
    %mul3A_995 = arith.constant 4 : i32
    %mul3A_996 = arith.muli %add3A_994, %mul3A_995 : i32
    %add3A_997 = arith.constant 0 : i32
    %add3A_998 = arith.addi %mul3A_996, %add3A_997 : i32
    %mul3A_999 = arith.constant 65536 : i32
    %mul3A_1000 = arith.muli %add3A_998, %mul3A_999 : i32
    %lt3A_1001 = arith.constant 9 : i32
    %lt3A_1002 = arith.cmpi slt, %select_n3A_991, %lt3A_1001 : i32
    %mul3A_1003 = arith.constant 3 : i32
    %mul3A_1004 = arith.muli %mul3A_1003, %select_n3A_991 : i32
    %sub3A_1005 = arith.constant 16 : i32
    %sub3A_1006 = arith.subi %mul3A_1004, %sub3A_1005 : i32
    %select_n3A_1007 = arith.select %lt3A_1002, %select_n3A_991, %sub3A_1006 : i32
    %lt3A_1008 = arith.constant 9 : i32
    %lt3A_1009 = arith.cmpi slt, %select_n3A_991, %lt3A_1008 : i32
    %jit3A_1010 = arith.constant 3 : i32
    %eq3A_1011 = arith.constant 0 : i32
    %eq3A_1012 = arith.cmpi eq, %jit3A_1010, %eq3A_1011 : i32
    %jit3A_1013 = arith.constant 1 : i32
    %select_n3A_1014 = arith.select %eq3A_1012, %jit3A_1013, %jit3A_1010 : i32
    %rem3A_1015 = arith.remsi %select_n3A_991, %select_n3A_1014 : i32
    %ne3A_1016 = arith.constant 0 : i32
    %ne3A_1017 = arith.cmpi ne, %rem3A_1015, %ne3A_1016 : i32
    %lt3A_1018 = arith.constant 0 : i32
    %lt3A_1019 = arith.cmpi slt, %rem3A_1015, %lt3A_1018 : i32
    %lt3A_1020 = arith.constant 0 : i32
    %lt3A_1021 = arith.cmpi slt, %select_n3A_1014, %lt3A_1020 : i32
    %ne3A_1022 = arith.xori %lt3A_1019, %lt3A_1021 : i1
    %and3A_1023 = arith.andi %ne3A_1022, %ne3A_1017 : i1
    %add3A_1024 = arith.addi %rem3A_1015, %select_n3A_1014 : i32
    %select_n3A_1025 = arith.select %and3A_1023, %add3A_1024, %rem3A_1015 : i32
    %mul3A_1026 = arith.constant 3 : i32
    %mul3A_1027 = arith.muli %mul3A_1026, %select_n3A_1025 : i32
    %add3A_1028 = arith.constant 30 : i32
    %add3A_1029 = arith.addi %add3A_1028, %mul3A_1027 : i32
    %jit3A_1030 = arith.constant 3 : i32
    %div3A_1031 = arith.divsi %select_n3A_991, %jit3A_1030 : i32
    %sign3A_1032 = arith.constant 0 : i32
    %sign3A_1033 = arith.cmpi sgt, %select_n3A_991, %sign3A_1032 : i32
    %sign3A_1034 = arith.extui %sign3A_1033 : i1 to i32
    %sign3A_1035 = arith.constant 0 : i32
    %sign3A_1036 = arith.cmpi slt, %select_n3A_991, %sign3A_1035 : i32
    %sign3A_1037 = arith.extui %sign3A_1036 : i1 to i32
    %sign3A_1038 = arith.subi %sign3A_1034, %sign3A_1037 : i32
    %sign3A_1039 = arith.constant 0 : i32
    %sign3A_1040 = arith.cmpi sgt, %jit3A_1030, %sign3A_1039 : i32
    %sign3A_1041 = arith.extui %sign3A_1040 : i1 to i32
    %sign3A_1042 = arith.constant 0 : i32
    %sign3A_1043 = arith.cmpi slt, %jit3A_1030, %sign3A_1042 : i32
    %sign3A_1044 = arith.extui %sign3A_1043 : i1 to i32
    %sign3A_1045 = arith.subi %sign3A_1041, %sign3A_1044 : i32
    %ne3A_1046 = arith.cmpi ne, %sign3A_1038, %sign3A_1045 : i32
    %rem3A_1047 = arith.remsi %select_n3A_991, %jit3A_1030 : i32
    %ne3A_1048 = arith.constant 0 : i32
    %ne3A_1049 = arith.cmpi ne, %rem3A_1047, %ne3A_1048 : i32
    %and3A_1050 = arith.andi %ne3A_1046, %ne3A_1049 : i1
    %sub3A_1051 = arith.constant 1 : i32
    %sub3A_1052 = arith.subi %div3A_1031, %sub3A_1051 : i32
    %select_n3A_1053 = arith.select %and3A_1050, %sub3A_1052, %div3A_1031 : i32
    %add3A_1054 = arith.addi %add3A_1029, %select_n3A_1053 : i32
    %mul3A_1055 = arith.constant 3 : i32
    %mul3A_1056 = arith.muli %mul3A_1055, %select_n3A_991 : i32
    %add3A_1057 = arith.constant 14 : i32
    %add3A_1058 = arith.addi %mul3A_1056, %add3A_1057 : i32
    %select_n3A_1059 = arith.select %lt3A_1009, %add3A_1054, %add3A_1058 : i32
    %mul3A_1060 = arith.constant 60 : i32
    %mul3A_1061 = arith.muli %select_n3A_975, %mul3A_1060 : i32
    %add3A_1062 = arith.addi %mul3A_1061, %select_n3A_1007 : i32
    %mul3A_1063 = arith.constant 4 : i32
    %mul3A_1064 = arith.muli %add3A_1062, %mul3A_1063 : i32
    %add3A_1065 = arith.constant 0 : i32
    %add3A_1066 = arith.addi %mul3A_1064, %add3A_1065 : i32
    %mul3A_1067 = arith.constant 65536 : i32
    %mul3A_1068 = arith.muli %add3A_1066, %mul3A_1067 : i32
    %mul3A_1069 = arith.constant 60 : i32
    %mul3A_1070 = arith.muli %select_n3A_975, %mul3A_1069 : i32
    %add3A_1071 = arith.addi %mul3A_1070, %select_n3A_1059 : i32
    %mul3A_1072 = arith.constant 4 : i32
    %mul3A_1073 = arith.muli %add3A_1071, %mul3A_1072 : i32
    %add3A_1074 = arith.constant 0 : i32
    %add3A_1075 = arith.addi %mul3A_1073, %add3A_1074 : i32
    %mul3A_1076 = arith.constant 65536 : i32
    %mul3A_1077 = arith.muli %add3A_1075, %mul3A_1076 : i32
    %multiple_of3A_1078 = tpu.assume_multiple %mul3A_1068, 65536 : i32
    %dma_start3A_1079 = tpu.memref_slice %arg3[%multiple_of3A_1078] : memref<62914560xf32, #tpu.memory_space<hbm>> -> memref<65536xf32, #tpu.memory_space<hbm>>
    %dma_start3A_1080 = arith.constant 0 : i32
    %dma_start3A_1081 = tpu.memref_slice %arg4[%arg1, %dma_start3A_1080] : memref<16x65536xf32, #tpu.memory_space<vmem_shared>> -> memref<1x65536xf32, #tpu.memory_space<vmem_shared>>
    %dma_start3A_1082 = tpu.memref_squeeze %dma_start3A_1081 : memref<1x65536xf32, #tpu.memory_space<vmem_shared>> -> memref<65536xf32, #tpu.memory_space<vmem_shared>>
    tpu.enqueue_dma source(%dma_start3A_1082 : memref<65536xf32, #tpu.memory_space<vmem_shared>>) target(%dma_start3A_1079 : memref<65536xf32, #tpu.memory_space<hbm>>) target_semaphore(%arg8 : memref<!tpu.dma_semaphore, #tpu.memory_space<semaphore_mem>>)
    %multiple_of3A_1083 = tpu.assume_multiple %mul3A_1077, 65536 : i32
    %dma_start3A_1084 = tpu.memref_slice %arg3[%multiple_of3A_1083] : memref<62914560xf32, #tpu.memory_space<hbm>> -> memref<65536xf32, #tpu.memory_space<hbm>>
    %dma_start3A_1085 = arith.constant 0 : i32
    %dma_start3A_1086 = tpu.memref_slice %arg4[%arg1, %dma_start3A_1085] : memref<16x65536xf32, #tpu.memory_space<vmem_shared>> -> memref<1x65536xf32, #tpu.memory_space<vmem_shared>>
    %dma_start3A_1087 = tpu.memref_squeeze %dma_start3A_1086 : memref<1x65536xf32, #tpu.memory_space<vmem_shared>> -> memref<65536xf32, #tpu.memory_space<vmem_shared>>
    tpu.enqueue_dma source(%dma_start3A_1087 : memref<65536xf32, #tpu.memory_space<vmem_shared>>) target(%dma_start3A_1084 : memref<65536xf32, #tpu.memory_space<hbm>>) target_semaphore(%arg8 : memref<!tpu.dma_semaphore, #tpu.memory_space<semaphore_mem>>)
    %dma_wait3A_1088 = arith.constant 0 : i32
    %dma_wait3A_1089 = tpu.memref_slice %arg3[%dma_wait3A_1088] : memref<62914560xf32, #tpu.memory_space<hbm>> -> memref<65536xf32, #tpu.memory_space<hbm>>
    %dma_wait3A_1090 = arith.constant 0 : i32
    %dma_wait3A_1091 = tpu.memref_slice %arg3[%dma_wait3A_1090] : memref<62914560xf32, #tpu.memory_space<hbm>> -> memref<65536xf32, #tpu.memory_space<hbm>>
    tpu.wait_dma2 semaphore(%arg9 : memref<!tpu.dma_semaphore, #tpu.memory_space<semaphore_mem>>) src(%arg5 : memref<65536xf32, #tpu.memory_space<vmem>>) dst(%dma_wait3A_1091 : memref<65536xf32, #tpu.memory_space<hbm>>)
    %dma_wait3A_1092 = arith.constant 0 : i32
    %dma_wait3A_1093 = tpu.memref_slice %arg3[%dma_wait3A_1092] : memref<62914560xf32, #tpu.memory_space<hbm>> -> memref<65536xf32, #tpu.memory_space<hbm>>
    %dma_wait3A_1094 = arith.constant 0 : i32
    %dma_wait3A_1095 = tpu.memref_slice %arg3[%dma_wait3A_1094] : memref<62914560xf32, #tpu.memory_space<hbm>> -> memref<65536xf32, #tpu.memory_space<hbm>>
    tpu.wait_dma2 semaphore(%arg9 : memref<!tpu.dma_semaphore, #tpu.memory_space<semaphore_mem>>) src(%arg5 : memref<65536xf32, #tpu.memory_space<vmem>>) dst(%dma_wait3A_1095 : memref<65536xf32, #tpu.memory_space<hbm>>)
    %dma_wait3A_1096 = arith.constant 0 : i32
    %dma_wait3A_1097 = tpu.memref_slice %arg3[%dma_wait3A_1096] : memref<62914560xf32, #tpu.memory_space<hbm>> -> memref<65536xf32, #tpu.memory_space<hbm>>
    %dma_wait3A_1098 = arith.constant 0 : i32
    %dma_wait3A_1099 = tpu.memref_slice %arg3[%dma_wait3A_1098] : memref<62914560xf32, #tpu.memory_space<hbm>> -> memref<65536xf32, #tpu.memory_space<hbm>>
    tpu.wait_dma2 semaphore(%arg9 : memref<!tpu.dma_semaphore, #tpu.memory_space<semaphore_mem>>) src(%arg5 : memref<65536xf32, #tpu.memory_space<vmem>>) dst(%dma_wait3A_1099 : memref<65536xf32, #tpu.memory_space<hbm>>)
    %dma_wait3A_1100 = arith.constant 0 : i32
    %dma_wait3A_1101 = tpu.memref_slice %arg3[%dma_wait3A_1100] : memref<62914560xf32, #tpu.memory_space<hbm>> -> memref<65536xf32, #tpu.memory_space<hbm>>
    %dma_wait3A_1102 = arith.constant 0 : i32
    %dma_wait3A_1103 = tpu.memref_slice %arg3[%dma_wait3A_1102] : memref<62914560xf32, #tpu.memory_space<hbm>> -> memref<65536xf32, #tpu.memory_space<hbm>>
    tpu.wait_dma2 semaphore(%arg9 : memref<!tpu.dma_semaphore, #tpu.memory_space<semaphore_mem>>) src(%arg5 : memref<65536xf32, #tpu.memory_space<vmem>>) dst(%dma_wait3A_1103 : memref<65536xf32, #tpu.memory_space<hbm>>)
    %dma_wait3A_1104 = arith.constant 0 : i32
    %dma_wait3A_1105 = tpu.memref_slice %arg3[%dma_wait3A_1104] : memref<62914560xf32, #tpu.memory_space<hbm>> -> memref<65536xf32, #tpu.memory_space<hbm>>
    %dma_wait3A_1106 = arith.constant 0 : i32
    %dma_wait3A_1107 = tpu.memref_slice %arg3[%dma_wait3A_1106] : memref<62914560xf32, #tpu.memory_space<hbm>> -> memref<65536xf32, #tpu.memory_space<hbm>>
    tpu.wait_dma2 semaphore(%arg9 : memref<!tpu.dma_semaphore, #tpu.memory_space<semaphore_mem>>) src(%arg5 : memref<65536xf32, #tpu.memory_space<vmem>>) dst(%dma_wait3A_1107 : memref<65536xf32, #tpu.memory_space<hbm>>)
    %dma_wait3A_1108 = arith.constant 0 : i32
    %dma_wait3A_1109 = tpu.memref_slice %arg3[%dma_wait3A_1108] : memref<62914560xf32, #tpu.memory_space<hbm>> -> memref<65536xf32, #tpu.memory_space<hbm>>
    %dma_wait3A_1110 = arith.constant 0 : i32
    %dma_wait3A_1111 = tpu.memref_slice %arg3[%dma_wait3A_1110] : memref<62914560xf32, #tpu.memory_space<hbm>> -> memref<65536xf32, #tpu.memory_space<hbm>>
    tpu.wait_dma2 semaphore(%arg9 : memref<!tpu.dma_semaphore, #tpu.memory_space<semaphore_mem>>) src(%arg5 : memref<65536xf32, #tpu.memory_space<vmem>>) dst(%dma_wait3A_1111 : memref<65536xf32, #tpu.memory_space<hbm>>)
    %dma_wait3A_1112 = arith.constant 0 : i32
    %dma_wait3A_1113 = tpu.memref_slice %arg3[%dma_wait3A_1112] : memref<62914560xf32, #tpu.memory_space<hbm>> -> memref<65536xf32, #tpu.memory_space<hbm>>
    %dma_wait3A_1114 = arith.constant 0 : i32
    %dma_wait3A_1115 = tpu.memref_slice %arg3[%dma_wait3A_1114] : memref<62914560xf32, #tpu.memory_space<hbm>> -> memref<65536xf32, #tpu.memory_space<hbm>>
    tpu.wait_dma2 semaphore(%arg9 : memref<!tpu.dma_semaphore, #tpu.memory_space<semaphore_mem>>) src(%arg5 : memref<65536xf32, #tpu.memory_space<vmem>>) dst(%dma_wait3A_1115 : memref<65536xf32, #tpu.memory_space<hbm>>)
    %mul3A_1116 = arith.constant 2 : i32
    %mul3A_1117 = arith.muli %mul3A_1116, %add3A : i32
    %add3A_1118 = arith.constant 0 : i32
    %add3A_1119 = arith.addi %mul3A_1117, %add3A_1118 : i32
    %jit3A_1120 = arith.constant 16 : i32
    %div3A_1121 = arith.divsi %add3A_1119, %jit3A_1120 : i32
    %sign3A_1122 = arith.constant 0 : i32
    %sign3A_1123 = arith.cmpi sgt, %add3A_1119, %sign3A_1122 : i32
    %sign3A_1124 = arith.extui %sign3A_1123 : i1 to i32
    %sign3A_1125 = arith.constant 0 : i32
    %sign3A_1126 = arith.cmpi slt, %add3A_1119, %sign3A_1125 : i32
    %sign3A_1127 = arith.extui %sign3A_1126 : i1 to i32
    %sign3A_1128 = arith.subi %sign3A_1124, %sign3A_1127 : i32
    %sign3A_1129 = arith.constant 0 : i32
    %sign3A_1130 = arith.cmpi sgt, %jit3A_1120, %sign3A_1129 : i32
    %sign3A_1131 = arith.extui %sign3A_1130 : i1 to i32
    %sign3A_1132 = arith.constant 0 : i32
    %sign3A_1133 = arith.cmpi slt, %jit3A_1120, %sign3A_1132 : i32
    %sign3A_1134 = arith.extui %sign3A_1133 : i1 to i32
    %sign3A_1135 = arith.subi %sign3A_1131, %sign3A_1134 : i32
    %ne3A_1136 = arith.cmpi ne, %sign3A_1128, %sign3A_1135 : i32
    %rem3A_1137 = arith.remsi %add3A_1119, %jit3A_1120 : i32
    %ne3A_1138 = arith.constant 0 : i32
    %ne3A_1139 = arith.cmpi ne, %rem3A_1137, %ne3A_1138 : i32
    %and3A_1140 = arith.andi %ne3A_1136, %ne3A_1139 : i1
    %sub3A_1141 = arith.constant 1 : i32
    %sub3A_1142 = arith.subi %div3A_1121, %sub3A_1141 : i32
    %select_n3A_1143 = arith.select %and3A_1140, %sub3A_1142, %div3A_1121 : i32
    %jit3A_1144 = arith.constant 16 : i32
    %eq3A_1145 = arith.constant 0 : i32
    %eq3A_1146 = arith.cmpi eq, %jit3A_1144, %eq3A_1145 : i32
    %jit3A_1147 = arith.constant 1 : i32
    %select_n3A_1148 = arith.select %eq3A_1146, %jit3A_1147, %jit3A_1144 : i32
    %rem3A_1149 = arith.remsi %add3A_1119, %select_n3A_1148 : i32
    %ne3A_1150 = arith.constant 0 : i32
    %ne3A_1151 = arith.cmpi ne, %rem3A_1149, %ne3A_1150 : i32
    %lt3A_1152 = arith.constant 0 : i32
    %lt3A_1153 = arith.cmpi slt, %rem3A_1149, %lt3A_1152 : i32
    %lt3A_1154 = arith.constant 0 : i32
    %lt3A_1155 = arith.cmpi slt, %select_n3A_1148, %lt3A_1154 : i32
    %ne3A_1156 = arith.xori %lt3A_1153, %lt3A_1155 : i1
    %and3A_1157 = arith.andi %ne3A_1156, %ne3A_1151 : i1
    %add3A_1158 = arith.addi %rem3A_1149, %select_n3A_1148 : i32
    %select_n3A_1159 = arith.select %and3A_1157, %add3A_1158, %rem3A_1149 : i32
    %mul3A_1160 = arith.constant 16 : i32
    %mul3A_1161 = arith.muli %select_n3A_1143, %mul3A_1160 : i32
    %add3A_1162 = arith.addi %mul3A_1161, %select_n3A_1159 : i32
    %mul3A_1163 = arith.constant 4 : i32
    %mul3A_1164 = arith.muli %add3A_1162, %mul3A_1163 : i32
    %add3A_1165 = arith.constant 1 : i32
    %add3A_1166 = arith.addi %mul3A_1164, %add3A_1165 : i32
    %mul3A_1167 = arith.constant 65536 : i32
    %mul3A_1168 = arith.muli %add3A_1166, %mul3A_1167 : i32
    %lt3A_1169 = arith.constant 9 : i32
    %lt3A_1170 = arith.cmpi slt, %select_n3A_1159, %lt3A_1169 : i32
    %mul3A_1171 = arith.constant 3 : i32
    %mul3A_1172 = arith.muli %mul3A_1171, %select_n3A_1159 : i32
    %sub3A_1173 = arith.constant 16 : i32
    %sub3A_1174 = arith.subi %mul3A_1172, %sub3A_1173 : i32
    %select_n3A_1175 = arith.select %lt3A_1170, %select_n3A_1159, %sub3A_1174 : i32
    %lt3A_1176 = arith.constant 9 : i32
    %lt3A_1177 = arith.cmpi slt, %select_n3A_1159, %lt3A_1176 : i32
    %jit3A_1178 = arith.constant 3 : i32
    %eq3A_1179 = arith.constant 0 : i32
    %eq3A_1180 = arith.cmpi eq, %jit3A_1178, %eq3A_1179 : i32
    %jit3A_1181 = arith.constant 1 : i32
    %select_n3A_1182 = arith.select %eq3A_1180, %jit3A_1181, %jit3A_1178 : i32
    %rem3A_1183 = arith.remsi %select_n3A_1159, %select_n3A_1182 : i32
    %ne3A_1184 = arith.constant 0 : i32
    %ne3A_1185 = arith.cmpi ne, %rem3A_1183, %ne3A_1184 : i32
    %lt3A_1186 = arith.constant 0 : i32
    %lt3A_1187 = arith.cmpi slt, %rem3A_1183, %lt3A_1186 : i32
    %lt3A_1188 = arith.constant 0 : i32
    %lt3A_1189 = arith.cmpi slt, %select_n3A_1182, %lt3A_1188 : i32
    %ne3A_1190 = arith.xori %lt3A_1187, %lt3A_1189 : i1
    %and3A_1191 = arith.andi %ne3A_1190, %ne3A_1185 : i1
    %add3A_1192 = arith.addi %rem3A_1183, %select_n3A_1182 : i32
    %select_n3A_1193 = arith.select %and3A_1191, %add3A_1192, %rem3A_1183 : i32
    %mul3A_1194 = arith.constant 3 : i32
    %mul3A_1195 = arith.muli %mul3A_1194, %select_n3A_1193 : i32
    %add3A_1196 = arith.constant 30 : i32
    %add3A_1197 = arith.addi %add3A_1196, %mul3A_1195 : i32
    %jit3A_1198 = arith.constant 3 : i32
    %div3A_1199 = arith.divsi %select_n3A_1159, %jit3A_1198 : i32
    %sign3A_1200 = arith.constant 0 : i32
    %sign3A_1201 = arith.cmpi sgt, %select_n3A_1159, %sign3A_1200 : i32
    %sign3A_1202 = arith.extui %sign3A_1201 : i1 to i32
    %sign3A_1203 = arith.constant 0 : i32
    %sign3A_1204 = arith.cmpi slt, %select_n3A_1159, %sign3A_1203 : i32
    %sign3A_1205 = arith.extui %sign3A_1204 : i1 to i32
    %sign3A_1206 = arith.subi %sign3A_1202, %sign3A_1205 : i32
    %sign3A_1207 = arith.constant 0 : i32
    %sign3A_1208 = arith.cmpi sgt, %jit3A_1198, %sign3A_1207 : i32
    %sign3A_1209 = arith.extui %sign3A_1208 : i1 to i32
    %sign3A_1210 = arith.constant 0 : i32
    %sign3A_1211 = arith.cmpi slt, %jit3A_1198, %sign3A_1210 : i32
    %sign3A_1212 = arith.extui %sign3A_1211 : i1 to i32
    %sign3A_1213 = arith.subi %sign3A_1209, %sign3A_1212 : i32
    %ne3A_1214 = arith.cmpi ne, %sign3A_1206, %sign3A_1213 : i32
    %rem3A_1215 = arith.remsi %select_n3A_1159, %jit3A_1198 : i32
    %ne3A_1216 = arith.constant 0 : i32
    %ne3A_1217 = arith.cmpi ne, %rem3A_1215, %ne3A_1216 : i32
    %and3A_1218 = arith.andi %ne3A_1214, %ne3A_1217 : i1
    %sub3A_1219 = arith.constant 1 : i32
    %sub3A_1220 = arith.subi %div3A_1199, %sub3A_1219 : i32
    %select_n3A_1221 = arith.select %and3A_1218, %sub3A_1220, %div3A_1199 : i32
    %add3A_1222 = arith.addi %add3A_1197, %select_n3A_1221 : i32
    %mul3A_1223 = arith.constant 3 : i32
    %mul3A_1224 = arith.muli %mul3A_1223, %select_n3A_1159 : i32
    %add3A_1225 = arith.constant 14 : i32
    %add3A_1226 = arith.addi %mul3A_1224, %add3A_1225 : i32
    %select_n3A_1227 = arith.select %lt3A_1177, %add3A_1222, %add3A_1226 : i32
    %mul3A_1228 = arith.constant 60 : i32
    %mul3A_1229 = arith.muli %select_n3A_1143, %mul3A_1228 : i32
    %add3A_1230 = arith.addi %mul3A_1229, %select_n3A_1175 : i32
    %mul3A_1231 = arith.constant 4 : i32
    %mul3A_1232 = arith.muli %add3A_1230, %mul3A_1231 : i32
    %add3A_1233 = arith.constant 1 : i32
    %add3A_1234 = arith.addi %mul3A_1232, %add3A_1233 : i32
    %mul3A_1235 = arith.constant 65536 : i32
    %mul3A_1236 = arith.muli %add3A_1234, %mul3A_1235 : i32
    %mul3A_1237 = arith.constant 60 : i32
    %mul3A_1238 = arith.muli %select_n3A_1143, %mul3A_1237 : i32
    %add3A_1239 = arith.addi %mul3A_1238, %select_n3A_1227 : i32
    %mul3A_1240 = arith.constant 4 : i32
    %mul3A_1241 = arith.muli %add3A_1239, %mul3A_1240 : i32
    %add3A_1242 = arith.constant 1 : i32
    %add3A_1243 = arith.addi %mul3A_1241, %add3A_1242 : i32
    %mul3A_1244 = arith.constant 65536 : i32
    %mul3A_1245 = arith.muli %add3A_1243, %mul3A_1244 : i32
    %multiple_of3A_1246 = tpu.assume_multiple %mul3A_1168, 65536 : i32
    %dma_start3A_1247 = tpu.memref_slice %arg2[%multiple_of3A_1246] : memref<16777216xf32, #tpu.memory_space<hbm>> -> memref<65536xf32, #tpu.memory_space<hbm>>
    %dma_start3A_1248 = tpu.memref_slice %arg2[%multiple_of3A_1246] : memref<16777216xf32, #tpu.memory_space<hbm>> -> memref<65536xf32, #tpu.memory_space<hbm>>
    tpu.enqueue_dma source(%dma_start3A_1248 : memref<65536xf32, #tpu.memory_space<hbm>>) target(%arg5 : memref<65536xf32, #tpu.memory_space<vmem>>) target_semaphore(%arg7 : memref<!tpu.dma_semaphore, #tpu.memory_space<semaphore_mem>>)
    %dma_wait3A_1249 = arith.constant 0 : i32
    %dma_wait3A_1250 = tpu.memref_slice %arg2[%dma_wait3A_1249] : memref<16777216xf32, #tpu.memory_space<hbm>> -> memref<65536xf32, #tpu.memory_space<hbm>>
    %dma_wait3A_1251 = arith.constant 0 : i32
    %dma_wait3A_1252 = tpu.memref_slice %arg2[%dma_wait3A_1251] : memref<16777216xf32, #tpu.memory_space<hbm>> -> memref<65536xf32, #tpu.memory_space<hbm>>
    tpu.wait_dma2 semaphore(%arg7 : memref<!tpu.dma_semaphore, #tpu.memory_space<semaphore_mem>>) src(%dma_wait3A_1252 : memref<65536xf32, #tpu.memory_space<hbm>>) dst(%arg5 : memref<65536xf32, #tpu.memory_space<vmem>>)
    %mul3A_1253 = arith.constant 2 : i32
    %mul3A_1254 = arith.muli %mul3A_1253, %add3A : i32
    %add3A_1255 = arith.constant 0 : i32
    %add3A_1256 = arith.addi %mul3A_1254, %add3A_1255 : i32
    %jit3A_1257 = arith.constant 16 : i32
    %div3A_1258 = arith.divsi %add3A_1256, %jit3A_1257 : i32
    %sign3A_1259 = arith.constant 0 : i32
    %sign3A_1260 = arith.cmpi sgt, %add3A_1256, %sign3A_1259 : i32
    %sign3A_1261 = arith.extui %sign3A_1260 : i1 to i32
    %sign3A_1262 = arith.constant 0 : i32
    %sign3A_1263 = arith.cmpi slt, %add3A_1256, %sign3A_1262 : i32
    %sign3A_1264 = arith.extui %sign3A_1263 : i1 to i32
    %sign3A_1265 = arith.subi %sign3A_1261, %sign3A_1264 : i32
    %sign3A_1266 = arith.constant 0 : i32
    %sign3A_1267 = arith.cmpi sgt, %jit3A_1257, %sign3A_1266 : i32
    %sign3A_1268 = arith.extui %sign3A_1267 : i1 to i32
    %sign3A_1269 = arith.constant 0 : i32
    %sign3A_1270 = arith.cmpi slt, %jit3A_1257, %sign3A_1269 : i32
    %sign3A_1271 = arith.extui %sign3A_1270 : i1 to i32
    %sign3A_1272 = arith.subi %sign3A_1268, %sign3A_1271 : i32
    %ne3A_1273 = arith.cmpi ne, %sign3A_1265, %sign3A_1272 : i32
    %rem3A_1274 = arith.remsi %add3A_1256, %jit3A_1257 : i32
    %ne3A_1275 = arith.constant 0 : i32
    %ne3A_1276 = arith.cmpi ne, %rem3A_1274, %ne3A_1275 : i32
    %and3A_1277 = arith.andi %ne3A_1273, %ne3A_1276 : i1
    %sub3A_1278 = arith.constant 1 : i32
    %sub3A_1279 = arith.subi %div3A_1258, %sub3A_1278 : i32
    %select_n3A_1280 = arith.select %and3A_1277, %sub3A_1279, %div3A_1258 : i32
    %jit3A_1281 = arith.constant 16 : i32
    %eq3A_1282 = arith.constant 0 : i32
    %eq3A_1283 = arith.cmpi eq, %jit3A_1281, %eq3A_1282 : i32
    %jit3A_1284 = arith.constant 1 : i32
    %select_n3A_1285 = arith.select %eq3A_1283, %jit3A_1284, %jit3A_1281 : i32
    %rem3A_1286 = arith.remsi %add3A_1256, %select_n3A_1285 : i32
    %ne3A_1287 = arith.constant 0 : i32
    %ne3A_1288 = arith.cmpi ne, %rem3A_1286, %ne3A_1287 : i32
    %lt3A_1289 = arith.constant 0 : i32
    %lt3A_1290 = arith.cmpi slt, %rem3A_1286, %lt3A_1289 : i32
    %lt3A_1291 = arith.constant 0 : i32
    %lt3A_1292 = arith.cmpi slt, %select_n3A_1285, %lt3A_1291 : i32
    %ne3A_1293 = arith.xori %lt3A_1290, %lt3A_1292 : i1
    %and3A_1294 = arith.andi %ne3A_1293, %ne3A_1288 : i1
    %add3A_1295 = arith.addi %rem3A_1286, %select_n3A_1285 : i32
    %select_n3A_1296 = arith.select %and3A_1294, %add3A_1295, %rem3A_1286 : i32
    %mul3A_1297 = arith.constant 16 : i32
    %mul3A_1298 = arith.muli %select_n3A_1280, %mul3A_1297 : i32
    %add3A_1299 = arith.addi %mul3A_1298, %select_n3A_1296 : i32
    %mul3A_1300 = arith.constant 4 : i32
    %mul3A_1301 = arith.muli %add3A_1299, %mul3A_1300 : i32
    %add3A_1302 = arith.constant 1 : i32
    %add3A_1303 = arith.addi %mul3A_1301, %add3A_1302 : i32
    %mul3A_1304 = arith.constant 65536 : i32
    %mul3A_1305 = arith.muli %add3A_1303, %mul3A_1304 : i32
    %lt3A_1306 = arith.constant 9 : i32
    %lt3A_1307 = arith.cmpi slt, %select_n3A_1296, %lt3A_1306 : i32
    %mul3A_1308 = arith.constant 3 : i32
    %mul3A_1309 = arith.muli %mul3A_1308, %select_n3A_1296 : i32
    %sub3A_1310 = arith.constant 16 : i32
    %sub3A_1311 = arith.subi %mul3A_1309, %sub3A_1310 : i32
    %select_n3A_1312 = arith.select %lt3A_1307, %select_n3A_1296, %sub3A_1311 : i32
    %lt3A_1313 = arith.constant 9 : i32
    %lt3A_1314 = arith.cmpi slt, %select_n3A_1296, %lt3A_1313 : i32
    %jit3A_1315 = arith.constant 3 : i32
    %eq3A_1316 = arith.constant 0 : i32
    %eq3A_1317 = arith.cmpi eq, %jit3A_1315, %eq3A_1316 : i32
    %jit3A_1318 = arith.constant 1 : i32
    %select_n3A_1319 = arith.select %eq3A_1317, %jit3A_1318, %jit3A_1315 : i32
    %rem3A_1320 = arith.remsi %select_n3A_1296, %select_n3A_1319 : i32
    %ne3A_1321 = arith.constant 0 : i32
    %ne3A_1322 = arith.cmpi ne, %rem3A_1320, %ne3A_1321 : i32
    %lt3A_1323 = arith.constant 0 : i32
    %lt3A_1324 = arith.cmpi slt, %rem3A_1320, %lt3A_1323 : i32
    %lt3A_1325 = arith.constant 0 : i32
    %lt3A_1326 = arith.cmpi slt, %select_n3A_1319, %lt3A_1325 : i32
    %ne3A_1327 = arith.xori %lt3A_1324, %lt3A_1326 : i1
    %and3A_1328 = arith.andi %ne3A_1327, %ne3A_1322 : i1
    %add3A_1329 = arith.addi %rem3A_1320, %select_n3A_1319 : i32
    %select_n3A_1330 = arith.select %and3A_1328, %add3A_1329, %rem3A_1320 : i32
    %mul3A_1331 = arith.constant 3 : i32
    %mul3A_1332 = arith.muli %mul3A_1331, %select_n3A_1330 : i32
    %add3A_1333 = arith.constant 30 : i32
    %add3A_1334 = arith.addi %add3A_1333, %mul3A_1332 : i32
    %jit3A_1335 = arith.constant 3 : i32
    %div3A_1336 = arith.divsi %select_n3A_1296, %jit3A_1335 : i32
    %sign3A_1337 = arith.constant 0 : i32
    %sign3A_1338 = arith.cmpi sgt, %select_n3A_1296, %sign3A_1337 : i32
    %sign3A_1339 = arith.extui %sign3A_1338 : i1 to i32
    %sign3A_1340 = arith.constant 0 : i32
    %sign3A_1341 = arith.cmpi slt, %select_n3A_1296, %sign3A_1340 : i32
    %sign3A_1342 = arith.extui %sign3A_1341 : i1 to i32
    %sign3A_1343 = arith.subi %sign3A_1339, %sign3A_1342 : i32
    %sign3A_1344 = arith.constant 0 : i32
    %sign3A_1345 = arith.cmpi sgt, %jit3A_1335, %sign3A_1344 : i32
    %sign3A_1346 = arith.extui %sign3A_1345 : i1 to i32
    %sign3A_1347 = arith.constant 0 : i32
    %sign3A_1348 = arith.cmpi slt, %jit3A_1335, %sign3A_1347 : i32
    %sign3A_1349 = arith.extui %sign3A_1348 : i1 to i32
    %sign3A_1350 = arith.subi %sign3A_1346, %sign3A_1349 : i32
    %ne3A_1351 = arith.cmpi ne, %sign3A_1343, %sign3A_1350 : i32
    %rem3A_1352 = arith.remsi %select_n3A_1296, %jit3A_1335 : i32
    %ne3A_1353 = arith.constant 0 : i32
    %ne3A_1354 = arith.cmpi ne, %rem3A_1352, %ne3A_1353 : i32
    %and3A_1355 = arith.andi %ne3A_1351, %ne3A_1354 : i1
    %sub3A_1356 = arith.constant 1 : i32
    %sub3A_1357 = arith.subi %div3A_1336, %sub3A_1356 : i32
    %select_n3A_1358 = arith.select %and3A_1355, %sub3A_1357, %div3A_1336 : i32
    %add3A_1359 = arith.addi %add3A_1334, %select_n3A_1358 : i32
    %mul3A_1360 = arith.constant 3 : i32
    %mul3A_1361 = arith.muli %mul3A_1360, %select_n3A_1296 : i32
    %add3A_1362 = arith.constant 14 : i32
    %add3A_1363 = arith.addi %mul3A_1361, %add3A_1362 : i32
    %select_n3A_1364 = arith.select %lt3A_1314, %add3A_1359, %add3A_1363 : i32
    %mul3A_1365 = arith.constant 60 : i32
    %mul3A_1366 = arith.muli %select_n3A_1280, %mul3A_1365 : i32
    %add3A_1367 = arith.addi %mul3A_1366, %select_n3A_1312 : i32
    %mul3A_1368 = arith.constant 4 : i32
    %mul3A_1369 = arith.muli %add3A_1367, %mul3A_1368 : i32
    %add3A_1370 = arith.constant 1 : i32
    %add3A_1371 = arith.addi %mul3A_1369, %add3A_1370 : i32
    %mul3A_1372 = arith.constant 65536 : i32
    %mul3A_1373 = arith.muli %add3A_1371, %mul3A_1372 : i32
    %mul3A_1374 = arith.constant 60 : i32
    %mul3A_1375 = arith.muli %select_n3A_1280, %mul3A_1374 : i32
    %add3A_1376 = arith.addi %mul3A_1375, %select_n3A_1364 : i32
    %mul3A_1377 = arith.constant 4 : i32
    %mul3A_1378 = arith.muli %add3A_1376, %mul3A_1377 : i32
    %add3A_1379 = arith.constant 1 : i32
    %add3A_1380 = arith.addi %mul3A_1378, %add3A_1379 : i32
    %mul3A_1381 = arith.constant 65536 : i32
    %mul3A_1382 = arith.muli %add3A_1380, %mul3A_1381 : i32
    %multiple_of3A_1383 = tpu.assume_multiple %mul3A_1373, 65536 : i32
    %dma_start3A_1384 = tpu.memref_slice %arg3[%multiple_of3A_1383] : memref<62914560xf32, #tpu.memory_space<hbm>> -> memref<65536xf32, #tpu.memory_space<hbm>>
    %dma_start3A_1385 = tpu.memref_slice %arg3[%multiple_of3A_1383] : memref<62914560xf32, #tpu.memory_space<hbm>> -> memref<65536xf32, #tpu.memory_space<hbm>>
    tpu.enqueue_dma source(%arg5 : memref<65536xf32, #tpu.memory_space<vmem>>) target(%dma_start3A_1385 : memref<65536xf32, #tpu.memory_space<hbm>>) target_semaphore(%arg9 : memref<!tpu.dma_semaphore, #tpu.memory_space<semaphore_mem>>)
    %multiple_of3A_1386 = tpu.assume_multiple %mul3A_1382, 65536 : i32
    %dma_start3A_1387 = tpu.memref_slice %arg3[%multiple_of3A_1386] : memref<62914560xf32, #tpu.memory_space<hbm>> -> memref<65536xf32, #tpu.memory_space<hbm>>
    %dma_start3A_1388 = tpu.memref_slice %arg3[%multiple_of3A_1386] : memref<62914560xf32, #tpu.memory_space<hbm>> -> memref<65536xf32, #tpu.memory_space<hbm>>
    tpu.enqueue_dma source(%arg5 : memref<65536xf32, #tpu.memory_space<vmem>>) target(%dma_start3A_1388 : memref<65536xf32, #tpu.memory_space<hbm>>) target_semaphore(%arg9 : memref<!tpu.dma_semaphore, #tpu.memory_space<semaphore_mem>>)
    %dma_wait3A_1389 = arith.constant 0 : i32
    %dma_wait3A_1390 = tpu.memref_slice %arg3[%dma_wait3A_1389] : memref<62914560xf32, #tpu.memory_space<hbm>> -> memref<65536xf32, #tpu.memory_space<hbm>>
    %dma_wait3A_1391 = arith.constant 0 : i32
    %dma_wait3A_1392 = tpu.memref_slice %arg4[%arg1, %dma_wait3A_1391] : memref<16x65536xf32, #tpu.memory_space<vmem_shared>> -> memref<1x65536xf32, #tpu.memory_space<vmem_shared>>
    %dma_wait3A_1393 = tpu.memref_squeeze %dma_wait3A_1392 : memref<1x65536xf32, #tpu.memory_space<vmem_shared>> -> memref<65536xf32, #tpu.memory_space<vmem_shared>>
    tpu.wait_dma2 semaphore(%arg8 : memref<!tpu.dma_semaphore, #tpu.memory_space<semaphore_mem>>) src(%dma_wait3A_1393 : memref<65536xf32, #tpu.memory_space<vmem_shared>>) dst(%dma_wait3A_1390 : memref<65536xf32, #tpu.memory_space<hbm>>)
    %dma_wait3A_1394 = arith.constant 0 : i32
    %dma_wait3A_1395 = tpu.memref_slice %arg3[%dma_wait3A_1394] : memref<62914560xf32, #tpu.memory_space<hbm>> -> memref<65536xf32, #tpu.memory_space<hbm>>
    %dma_wait3A_1396 = arith.constant 0 : i32
    %dma_wait3A_1397 = tpu.memref_slice %arg4[%arg1, %dma_wait3A_1396] : memref<16x65536xf32, #tpu.memory_space<vmem_shared>> -> memref<1x65536xf32, #tpu.memory_space<vmem_shared>>
    %dma_wait3A_1398 = tpu.memref_squeeze %dma_wait3A_1397 : memref<1x65536xf32, #tpu.memory_space<vmem_shared>> -> memref<65536xf32, #tpu.memory_space<vmem_shared>>
    tpu.wait_dma2 semaphore(%arg8 : memref<!tpu.dma_semaphore, #tpu.memory_space<semaphore_mem>>) src(%dma_wait3A_1398 : memref<65536xf32, #tpu.memory_space<vmem_shared>>) dst(%dma_wait3A_1395 : memref<65536xf32, #tpu.memory_space<hbm>>)
    %mul3A_1399 = arith.constant 2 : i32
    %mul3A_1400 = arith.muli %mul3A_1399, %add3A : i32
    %add3A_1401 = arith.constant 0 : i32
    %add3A_1402 = arith.addi %mul3A_1400, %add3A_1401 : i32
    %jit3A_1403 = arith.constant 16 : i32
    %div3A_1404 = arith.divsi %add3A_1402, %jit3A_1403 : i32
    %sign3A_1405 = arith.constant 0 : i32
    %sign3A_1406 = arith.cmpi sgt, %add3A_1402, %sign3A_1405 : i32
    %sign3A_1407 = arith.extui %sign3A_1406 : i1 to i32
    %sign3A_1408 = arith.constant 0 : i32
    %sign3A_1409 = arith.cmpi slt, %add3A_1402, %sign3A_1408 : i32
    %sign3A_1410 = arith.extui %sign3A_1409 : i1 to i32
    %sign3A_1411 = arith.subi %sign3A_1407, %sign3A_1410 : i32
    %sign3A_1412 = arith.constant 0 : i32
    %sign3A_1413 = arith.cmpi sgt, %jit3A_1403, %sign3A_1412 : i32
    %sign3A_1414 = arith.extui %sign3A_1413 : i1 to i32
    %sign3A_1415 = arith.constant 0 : i32
    %sign3A_1416 = arith.cmpi slt, %jit3A_1403, %sign3A_1415 : i32
    %sign3A_1417 = arith.extui %sign3A_1416 : i1 to i32
    %sign3A_1418 = arith.subi %sign3A_1414, %sign3A_1417 : i32
    %ne3A_1419 = arith.cmpi ne, %sign3A_1411, %sign3A_1418 : i32
    %rem3A_1420 = arith.remsi %add3A_1402, %jit3A_1403 : i32
    %ne3A_1421 = arith.constant 0 : i32
    %ne3A_1422 = arith.cmpi ne, %rem3A_1420, %ne3A_1421 : i32
    %and3A_1423 = arith.andi %ne3A_1419, %ne3A_1422 : i1
    %sub3A_1424 = arith.constant 1 : i32
    %sub3A_1425 = arith.subi %div3A_1404, %sub3A_1424 : i32
    %select_n3A_1426 = arith.select %and3A_1423, %sub3A_1425, %div3A_1404 : i32
    %jit3A_1427 = arith.constant 16 : i32
    %eq3A_1428 = arith.constant 0 : i32
    %eq3A_1429 = arith.cmpi eq, %jit3A_1427, %eq3A_1428 : i32
    %jit3A_1430 = arith.constant 1 : i32
    %select_n3A_1431 = arith.select %eq3A_1429, %jit3A_1430, %jit3A_1427 : i32
    %rem3A_1432 = arith.remsi %add3A_1402, %select_n3A_1431 : i32
    %ne3A_1433 = arith.constant 0 : i32
    %ne3A_1434 = arith.cmpi ne, %rem3A_1432, %ne3A_1433 : i32
    %lt3A_1435 = arith.constant 0 : i32
    %lt3A_1436 = arith.cmpi slt, %rem3A_1432, %lt3A_1435 : i32
    %lt3A_1437 = arith.constant 0 : i32
    %lt3A_1438 = arith.cmpi slt, %select_n3A_1431, %lt3A_1437 : i32
    %ne3A_1439 = arith.xori %lt3A_1436, %lt3A_1438 : i1
    %and3A_1440 = arith.andi %ne3A_1439, %ne3A_1434 : i1
    %add3A_1441 = arith.addi %rem3A_1432, %select_n3A_1431 : i32
    %select_n3A_1442 = arith.select %and3A_1440, %add3A_1441, %rem3A_1432 : i32
    %mul3A_1443 = arith.constant 16 : i32
    %mul3A_1444 = arith.muli %select_n3A_1426, %mul3A_1443 : i32
    %add3A_1445 = arith.addi %mul3A_1444, %select_n3A_1442 : i32
    %mul3A_1446 = arith.constant 4 : i32
    %mul3A_1447 = arith.muli %add3A_1445, %mul3A_1446 : i32
    %add3A_1448 = arith.constant 2 : i32
    %add3A_1449 = arith.addi %mul3A_1447, %add3A_1448 : i32
    %mul3A_1450 = arith.constant 65536 : i32
    %mul3A_1451 = arith.muli %add3A_1449, %mul3A_1450 : i32
    %lt3A_1452 = arith.constant 9 : i32
    %lt3A_1453 = arith.cmpi slt, %select_n3A_1442, %lt3A_1452 : i32
    %mul3A_1454 = arith.constant 3 : i32
    %mul3A_1455 = arith.muli %mul3A_1454, %select_n3A_1442 : i32
    %sub3A_1456 = arith.constant 16 : i32
    %sub3A_1457 = arith.subi %mul3A_1455, %sub3A_1456 : i32
    %select_n3A_1458 = arith.select %lt3A_1453, %select_n3A_1442, %sub3A_1457 : i32
    %lt3A_1459 = arith.constant 9 : i32
    %lt3A_1460 = arith.cmpi slt, %select_n3A_1442, %lt3A_1459 : i32
    %jit3A_1461 = arith.constant 3 : i32
    %eq3A_1462 = arith.constant 0 : i32
    %eq3A_1463 = arith.cmpi eq, %jit3A_1461, %eq3A_1462 : i32
    %jit3A_1464 = arith.constant 1 : i32
    %select_n3A_1465 = arith.select %eq3A_1463, %jit3A_1464, %jit3A_1461 : i32
    %rem3A_1466 = arith.remsi %select_n3A_1442, %select_n3A_1465 : i32
    %ne3A_1467 = arith.constant 0 : i32
    %ne3A_1468 = arith.cmpi ne, %rem3A_1466, %ne3A_1467 : i32
    %lt3A_1469 = arith.constant 0 : i32
    %lt3A_1470 = arith.cmpi slt, %rem3A_1466, %lt3A_1469 : i32
    %lt3A_1471 = arith.constant 0 : i32
    %lt3A_1472 = arith.cmpi slt, %select_n3A_1465, %lt3A_1471 : i32
    %ne3A_1473 = arith.xori %lt3A_1470, %lt3A_1472 : i1
    %and3A_1474 = arith.andi %ne3A_1473, %ne3A_1468 : i1
    %add3A_1475 = arith.addi %rem3A_1466, %select_n3A_1465 : i32
    %select_n3A_1476 = arith.select %and3A_1474, %add3A_1475, %rem3A_1466 : i32
    %mul3A_1477 = arith.constant 3 : i32
    %mul3A_1478 = arith.muli %mul3A_1477, %select_n3A_1476 : i32
    %add3A_1479 = arith.constant 30 : i32
    %add3A_1480 = arith.addi %add3A_1479, %mul3A_1478 : i32
    %jit3A_1481 = arith.constant 3 : i32
    %div3A_1482 = arith.divsi %select_n3A_1442, %jit3A_1481 : i32
    %sign3A_1483 = arith.constant 0 : i32
    %sign3A_1484 = arith.cmpi sgt, %select_n3A_1442, %sign3A_1483 : i32
    %sign3A_1485 = arith.extui %sign3A_1484 : i1 to i32
    %sign3A_1486 = arith.constant 0 : i32
    %sign3A_1487 = arith.cmpi slt, %select_n3A_1442, %sign3A_1486 : i32
    %sign3A_1488 = arith.extui %sign3A_1487 : i1 to i32
    %sign3A_1489 = arith.subi %sign3A_1485, %sign3A_1488 : i32
    %sign3A_1490 = arith.constant 0 : i32
    %sign3A_1491 = arith.cmpi sgt, %jit3A_1481, %sign3A_1490 : i32
    %sign3A_1492 = arith.extui %sign3A_1491 : i1 to i32
    %sign3A_1493 = arith.constant 0 : i32
    %sign3A_1494 = arith.cmpi slt, %jit3A_1481, %sign3A_1493 : i32
    %sign3A_1495 = arith.extui %sign3A_1494 : i1 to i32
    %sign3A_1496 = arith.subi %sign3A_1492, %sign3A_1495 : i32
    %ne3A_1497 = arith.cmpi ne, %sign3A_1489, %sign3A_1496 : i32
    %rem3A_1498 = arith.remsi %select_n3A_1442, %jit3A_1481 : i32
    %ne3A_1499 = arith.constant 0 : i32
    %ne3A_1500 = arith.cmpi ne, %rem3A_1498, %ne3A_1499 : i32
    %and3A_1501 = arith.andi %ne3A_1497, %ne3A_1500 : i1
    %sub3A_1502 = arith.constant 1 : i32
    %sub3A_1503 = arith.subi %div3A_1482, %sub3A_1502 : i32
    %select_n3A_1504 = arith.select %and3A_1501, %sub3A_1503, %div3A_1482 : i32
    %add3A_1505 = arith.addi %add3A_1480, %select_n3A_1504 : i32
    %mul3A_1506 = arith.constant 3 : i32
    %mul3A_1507 = arith.muli %mul3A_1506, %select_n3A_1442 : i32
    %add3A_1508 = arith.constant 14 : i32
    %add3A_1509 = arith.addi %mul3A_1507, %add3A_1508 : i32
    %select_n3A_1510 = arith.select %lt3A_1460, %add3A_1505, %add3A_1509 : i32
    %mul3A_1511 = arith.constant 60 : i32
    %mul3A_1512 = arith.muli %select_n3A_1426, %mul3A_1511 : i32
    %add3A_1513 = arith.addi %mul3A_1512, %select_n3A_1458 : i32
    %mul3A_1514 = arith.constant 4 : i32
    %mul3A_1515 = arith.muli %add3A_1513, %mul3A_1514 : i32
    %add3A_1516 = arith.constant 2 : i32
    %add3A_1517 = arith.addi %mul3A_1515, %add3A_1516 : i32
    %mul3A_1518 = arith.constant 65536 : i32
    %mul3A_1519 = arith.muli %add3A_1517, %mul3A_1518 : i32
    %mul3A_1520 = arith.constant 60 : i32
    %mul3A_1521 = arith.muli %select_n3A_1426, %mul3A_1520 : i32
    %add3A_1522 = arith.addi %mul3A_1521, %select_n3A_1510 : i32
    %mul3A_1523 = arith.constant 4 : i32
    %mul3A_1524 = arith.muli %add3A_1522, %mul3A_1523 : i32
    %add3A_1525 = arith.constant 2 : i32
    %add3A_1526 = arith.addi %mul3A_1524, %add3A_1525 : i32
    %mul3A_1527 = arith.constant 65536 : i32
    %mul3A_1528 = arith.muli %add3A_1526, %mul3A_1527 : i32
    %multiple_of3A_1529 = tpu.assume_multiple %mul3A_1451, 65536 : i32
    %dma_start3A_1530 = arith.constant 0 : i32
    %dma_start3A_1531 = tpu.memref_slice %arg4[%arg1, %dma_start3A_1530] : memref<16x65536xf32, #tpu.memory_space<vmem_shared>> -> memref<1x65536xf32, #tpu.memory_space<vmem_shared>>
    %dma_start3A_1532 = tpu.memref_squeeze %dma_start3A_1531 : memref<1x65536xf32, #tpu.memory_space<vmem_shared>> -> memref<65536xf32, #tpu.memory_space<vmem_shared>>
    %dma_start3A_1533 = tpu.memref_slice %arg2[%multiple_of3A_1529] : memref<16777216xf32, #tpu.memory_space<hbm>> -> memref<65536xf32, #tpu.memory_space<hbm>>
    tpu.enqueue_dma source(%dma_start3A_1533 : memref<65536xf32, #tpu.memory_space<hbm>>) target(%dma_start3A_1532 : memref<65536xf32, #tpu.memory_space<vmem_shared>>) target_semaphore(%arg6 : memref<!tpu.dma_semaphore, #tpu.memory_space<semaphore_mem>>)
    %dma_wait3A_1534 = arith.constant 0 : i32
    %dma_wait3A_1535 = tpu.memref_slice %arg4[%arg1, %dma_wait3A_1534] : memref<16x65536xf32, #tpu.memory_space<vmem_shared>> -> memref<1x65536xf32, #tpu.memory_space<vmem_shared>>
    %dma_wait3A_1536 = tpu.memref_squeeze %dma_wait3A_1535 : memref<1x65536xf32, #tpu.memory_space<vmem_shared>> -> memref<65536xf32, #tpu.memory_space<vmem_shared>>
    %dma_wait3A_1537 = arith.constant 0 : i32
    %dma_wait3A_1538 = tpu.memref_slice %arg2[%dma_wait3A_1537] : memref<16777216xf32, #tpu.memory_space<hbm>> -> memref<65536xf32, #tpu.memory_space<hbm>>
    tpu.wait_dma2 semaphore(%arg6 : memref<!tpu.dma_semaphore, #tpu.memory_space<semaphore_mem>>) src(%dma_wait3A_1538 : memref<65536xf32, #tpu.memory_space<hbm>>) dst(%dma_wait3A_1536 : memref<65536xf32, #tpu.memory_space<vmem_shared>>)
    %mul3A_1539 = arith.constant 2 : i32
    %mul3A_1540 = arith.muli %mul3A_1539, %add3A : i32
    %add3A_1541 = arith.constant 0 : i32
    %add3A_1542 = arith.addi %mul3A_1540, %add3A_1541 : i32
    %jit3A_1543 = arith.constant 16 : i32
    %div3A_1544 = arith.divsi %add3A_1542, %jit3A_1543 : i32
    %sign3A_1545 = arith.constant 0 : i32
    %sign3A_1546 = arith.cmpi sgt, %add3A_1542, %sign3A_1545 : i32
    %sign3A_1547 = arith.extui %sign3A_1546 : i1 to i32
    %sign3A_1548 = arith.constant 0 : i32
    %sign3A_1549 = arith.cmpi slt, %add3A_1542, %sign3A_1548 : i32
    %sign3A_1550 = arith.extui %sign3A_1549 : i1 to i32
    %sign3A_1551 = arith.subi %sign3A_1547, %sign3A_1550 : i32
    %sign3A_1552 = arith.constant 0 : i32
    %sign3A_1553 = arith.cmpi sgt, %jit3A_1543, %sign3A_1552 : i32
    %sign3A_1554 = arith.extui %sign3A_1553 : i1 to i32
    %sign3A_1555 = arith.constant 0 : i32
    %sign3A_1556 = arith.cmpi slt, %jit3A_1543, %sign3A_1555 : i32
    %sign3A_1557 = arith.extui %sign3A_1556 : i1 to i32
    %sign3A_1558 = arith.subi %sign3A_1554, %sign3A_1557 : i32
    %ne3A_1559 = arith.cmpi ne, %sign3A_1551, %sign3A_1558 : i32
    %rem3A_1560 = arith.remsi %add3A_1542, %jit3A_1543 : i32
    %ne3A_1561 = arith.constant 0 : i32
    %ne3A_1562 = arith.cmpi ne, %rem3A_1560, %ne3A_1561 : i32
    %and3A_1563 = arith.andi %ne3A_1559, %ne3A_1562 : i1
    %sub3A_1564 = arith.constant 1 : i32
    %sub3A_1565 = arith.subi %div3A_1544, %sub3A_1564 : i32
    %select_n3A_1566 = arith.select %and3A_1563, %sub3A_1565, %div3A_1544 : i32
    %jit3A_1567 = arith.constant 16 : i32
    %eq3A_1568 = arith.constant 0 : i32
    %eq3A_1569 = arith.cmpi eq, %jit3A_1567, %eq3A_1568 : i32
    %jit3A_1570 = arith.constant 1 : i32
    %select_n3A_1571 = arith.select %eq3A_1569, %jit3A_1570, %jit3A_1567 : i32
    %rem3A_1572 = arith.remsi %add3A_1542, %select_n3A_1571 : i32
    %ne3A_1573 = arith.constant 0 : i32
    %ne3A_1574 = arith.cmpi ne, %rem3A_1572, %ne3A_1573 : i32
    %lt3A_1575 = arith.constant 0 : i32
    %lt3A_1576 = arith.cmpi slt, %rem3A_1572, %lt3A_1575 : i32
    %lt3A_1577 = arith.constant 0 : i32
    %lt3A_1578 = arith.cmpi slt, %select_n3A_1571, %lt3A_1577 : i32
    %ne3A_1579 = arith.xori %lt3A_1576, %lt3A_1578 : i1
    %and3A_1580 = arith.andi %ne3A_1579, %ne3A_1574 : i1
    %add3A_1581 = arith.addi %rem3A_1572, %select_n3A_1571 : i32
    %select_n3A_1582 = arith.select %and3A_1580, %add3A_1581, %rem3A_1572 : i32
    %mul3A_1583 = arith.constant 16 : i32
    %mul3A_1584 = arith.muli %select_n3A_1566, %mul3A_1583 : i32
    %add3A_1585 = arith.addi %mul3A_1584, %select_n3A_1582 : i32
    %mul3A_1586 = arith.constant 4 : i32
    %mul3A_1587 = arith.muli %add3A_1585, %mul3A_1586 : i32
    %add3A_1588 = arith.constant 2 : i32
    %add3A_1589 = arith.addi %mul3A_1587, %add3A_1588 : i32
    %mul3A_1590 = arith.constant 65536 : i32
    %mul3A_1591 = arith.muli %add3A_1589, %mul3A_1590 : i32
    %lt3A_1592 = arith.constant 9 : i32
    %lt3A_1593 = arith.cmpi slt, %select_n3A_1582, %lt3A_1592 : i32
    %mul3A_1594 = arith.constant 3 : i32
    %mul3A_1595 = arith.muli %mul3A_1594, %select_n3A_1582 : i32
    %sub3A_1596 = arith.constant 16 : i32
    %sub3A_1597 = arith.subi %mul3A_1595, %sub3A_1596 : i32
    %select_n3A_1598 = arith.select %lt3A_1593, %select_n3A_1582, %sub3A_1597 : i32
    %lt3A_1599 = arith.constant 9 : i32
    %lt3A_1600 = arith.cmpi slt, %select_n3A_1582, %lt3A_1599 : i32
    %jit3A_1601 = arith.constant 3 : i32
    %eq3A_1602 = arith.constant 0 : i32
    %eq3A_1603 = arith.cmpi eq, %jit3A_1601, %eq3A_1602 : i32
    %jit3A_1604 = arith.constant 1 : i32
    %select_n3A_1605 = arith.select %eq3A_1603, %jit3A_1604, %jit3A_1601 : i32
    %rem3A_1606 = arith.remsi %select_n3A_1582, %select_n3A_1605 : i32
    %ne3A_1607 = arith.constant 0 : i32
    %ne3A_1608 = arith.cmpi ne, %rem3A_1606, %ne3A_1607 : i32
    %lt3A_1609 = arith.constant 0 : i32
    %lt3A_1610 = arith.cmpi slt, %rem3A_1606, %lt3A_1609 : i32
    %lt3A_1611 = arith.constant 0 : i32
    %lt3A_1612 = arith.cmpi slt, %select_n3A_1605, %lt3A_1611 : i32
    %ne3A_1613 = arith.xori %lt3A_1610, %lt3A_1612 : i1
    %and3A_1614 = arith.andi %ne3A_1613, %ne3A_1608 : i1
    %add3A_1615 = arith.addi %rem3A_1606, %select_n3A_1605 : i32
    %select_n3A_1616 = arith.select %and3A_1614, %add3A_1615, %rem3A_1606 : i32
    %mul3A_1617 = arith.constant 3 : i32
    %mul3A_1618 = arith.muli %mul3A_1617, %select_n3A_1616 : i32
    %add3A_1619 = arith.constant 30 : i32
    %add3A_1620 = arith.addi %add3A_1619, %mul3A_1618 : i32
    %jit3A_1621 = arith.constant 3 : i32
    %div3A_1622 = arith.divsi %select_n3A_1582, %jit3A_1621 : i32
    %sign3A_1623 = arith.constant 0 : i32
    %sign3A_1624 = arith.cmpi sgt, %select_n3A_1582, %sign3A_1623 : i32
    %sign3A_1625 = arith.extui %sign3A_1624 : i1 to i32
    %sign3A_1626 = arith.constant 0 : i32
    %sign3A_1627 = arith.cmpi slt, %select_n3A_1582, %sign3A_1626 : i32
    %sign3A_1628 = arith.extui %sign3A_1627 : i1 to i32
    %sign3A_1629 = arith.subi %sign3A_1625, %sign3A_1628 : i32
    %sign3A_1630 = arith.constant 0 : i32
    %sign3A_1631 = arith.cmpi sgt, %jit3A_1621, %sign3A_1630 : i32
    %sign3A_1632 = arith.extui %sign3A_1631 : i1 to i32
    %sign3A_1633 = arith.constant 0 : i32
    %sign3A_1634 = arith.cmpi slt, %jit3A_1621, %sign3A_1633 : i32
    %sign3A_1635 = arith.extui %sign3A_1634 : i1 to i32
    %sign3A_1636 = arith.subi %sign3A_1632, %sign3A_1635 : i32
    %ne3A_1637 = arith.cmpi ne, %sign3A_1629, %sign3A_1636 : i32
    %rem3A_1638 = arith.remsi %select_n3A_1582, %jit3A_1621 : i32
    %ne3A_1639 = arith.constant 0 : i32
    %ne3A_1640 = arith.cmpi ne, %rem3A_1638, %ne3A_1639 : i32
    %and3A_1641 = arith.andi %ne3A_1637, %ne3A_1640 : i1
    %sub3A_1642 = arith.constant 1 : i32
    %sub3A_1643 = arith.subi %div3A_1622, %sub3A_1642 : i32
    %select_n3A_1644 = arith.select %and3A_1641, %sub3A_1643, %div3A_1622 : i32
    %add3A_1645 = arith.addi %add3A_1620, %select_n3A_1644 : i32
    %mul3A_1646 = arith.constant 3 : i32
    %mul3A_1647 = arith.muli %mul3A_1646, %select_n3A_1582 : i32
    %add3A_1648 = arith.constant 14 : i32
    %add3A_1649 = arith.addi %mul3A_1647, %add3A_1648 : i32
    %select_n3A_1650 = arith.select %lt3A_1600, %add3A_1645, %add3A_1649 : i32
    %mul3A_1651 = arith.constant 60 : i32
    %mul3A_1652 = arith.muli %select_n3A_1566, %mul3A_1651 : i32
    %add3A_1653 = arith.addi %mul3A_1652, %select_n3A_1598 : i32
    %mul3A_1654 = arith.constant 4 : i32
    %mul3A_1655 = arith.muli %add3A_1653, %mul3A_1654 : i32
    %add3A_1656 = arith.constant 2 : i32
    %add3A_1657 = arith.addi %mul3A_1655, %add3A_1656 : i32
    %mul3A_1658 = arith.constant 65536 : i32
    %mul3A_1659 = arith.muli %add3A_1657, %mul3A_1658 : i32
    %mul3A_1660 = arith.constant 60 : i32
    %mul3A_1661 = arith.muli %select_n3A_1566, %mul3A_1660 : i32
    %add3A_1662 = arith.addi %mul3A_1661, %select_n3A_1650 : i32
    %mul3A_1663 = arith.constant 4 : i32
    %mul3A_1664 = arith.muli %add3A_1662, %mul3A_1663 : i32
    %add3A_1665 = arith.constant 2 : i32
    %add3A_1666 = arith.addi %mul3A_1664, %add3A_1665 : i32
    %mul3A_1667 = arith.constant 65536 : i32
    %mul3A_1668 = arith.muli %add3A_1666, %mul3A_1667 : i32
    %multiple_of3A_1669 = tpu.assume_multiple %mul3A_1659, 65536 : i32
    %dma_start3A_1670 = tpu.memref_slice %arg3[%multiple_of3A_1669] : memref<62914560xf32, #tpu.memory_space<hbm>> -> memref<65536xf32, #tpu.memory_space<hbm>>
    %dma_start3A_1671 = arith.constant 0 : i32
    %dma_start3A_1672 = tpu.memref_slice %arg4[%arg1, %dma_start3A_1671] : memref<16x65536xf32, #tpu.memory_space<vmem_shared>> -> memref<1x65536xf32, #tpu.memory_space<vmem_shared>>
    %dma_start3A_1673 = tpu.memref_squeeze %dma_start3A_1672 : memref<1x65536xf32, #tpu.memory_space<vmem_shared>> -> memref<65536xf32, #tpu.memory_space<vmem_shared>>
    tpu.enqueue_dma source(%dma_start3A_1673 : memref<65536xf32, #tpu.memory_space<vmem_shared>>) target(%dma_start3A_1670 : memref<65536xf32, #tpu.memory_space<hbm>>) target_semaphore(%arg8 : memref<!tpu.dma_semaphore, #tpu.memory_space<semaphore_mem>>)
    %multiple_of3A_1674 = tpu.assume_multiple %mul3A_1668, 65536 : i32
    %dma_start3A_1675 = tpu.memref_slice %arg3[%multiple_of3A_1674] : memref<62914560xf32, #tpu.memory_space<hbm>> -> memref<65536xf32, #tpu.memory_space<hbm>>
    %dma_start3A_1676 = arith.constant 0 : i32
    %dma_start3A_1677 = tpu.memref_slice %arg4[%arg1, %dma_start3A_1676] : memref<16x65536xf32, #tpu.memory_space<vmem_shared>> -> memref<1x65536xf32, #tpu.memory_space<vmem_shared>>
    %dma_start3A_1678 = tpu.memref_squeeze %dma_start3A_1677 : memref<1x65536xf32, #tpu.memory_space<vmem_shared>> -> memref<65536xf32, #tpu.memory_space<vmem_shared>>
    tpu.enqueue_dma source(%dma_start3A_1678 : memref<65536xf32, #tpu.memory_space<vmem_shared>>) target(%dma_start3A_1675 : memref<65536xf32, #tpu.memory_space<hbm>>) target_semaphore(%arg8 : memref<!tpu.dma_semaphore, #tpu.memory_space<semaphore_mem>>)
    %dma_wait3A_1679 = arith.constant 0 : i32
    %dma_wait3A_1680 = tpu.memref_slice %arg3[%dma_wait3A_1679] : memref<62914560xf32, #tpu.memory_space<hbm>> -> memref<65536xf32, #tpu.memory_space<hbm>>
    %dma_wait3A_1681 = arith.constant 0 : i32
    %dma_wait3A_1682 = tpu.memref_slice %arg3[%dma_wait3A_1681] : memref<62914560xf32, #tpu.memory_space<hbm>> -> memref<65536xf32, #tpu.memory_space<hbm>>
    tpu.wait_dma2 semaphore(%arg9 : memref<!tpu.dma_semaphore, #tpu.memory_space<semaphore_mem>>) src(%arg5 : memref<65536xf32, #tpu.memory_space<vmem>>) dst(%dma_wait3A_1682 : memref<65536xf32, #tpu.memory_space<hbm>>)
    %dma_wait3A_1683 = arith.constant 0 : i32
    %dma_wait3A_1684 = tpu.memref_slice %arg3[%dma_wait3A_1683] : memref<62914560xf32, #tpu.memory_space<hbm>> -> memref<65536xf32, #tpu.memory_space<hbm>>
    %dma_wait3A_1685 = arith.constant 0 : i32
    %dma_wait3A_1686 = tpu.memref_slice %arg3[%dma_wait3A_1685] : memref<62914560xf32, #tpu.memory_space<hbm>> -> memref<65536xf32, #tpu.memory_space<hbm>>
    tpu.wait_dma2 semaphore(%arg9 : memref<!tpu.dma_semaphore, #tpu.memory_space<semaphore_mem>>) src(%arg5 : memref<65536xf32, #tpu.memory_space<vmem>>) dst(%dma_wait3A_1686 : memref<65536xf32, #tpu.memory_space<hbm>>)
    %mul3A_1687 = arith.constant 2 : i32
    %mul3A_1688 = arith.muli %mul3A_1687, %add3A : i32
    %add3A_1689 = arith.constant 0 : i32
    %add3A_1690 = arith.addi %mul3A_1688, %add3A_1689 : i32
    %jit3A_1691 = arith.constant 16 : i32
    %div3A_1692 = arith.divsi %add3A_1690, %jit3A_1691 : i32
    %sign3A_1693 = arith.constant 0 : i32
    %sign3A_1694 = arith.cmpi sgt, %add3A_1690, %sign3A_1693 : i32
    %sign3A_1695 = arith.extui %sign3A_1694 : i1 to i32
    %sign3A_1696 = arith.constant 0 : i32
    %sign3A_1697 = arith.cmpi slt, %add3A_1690, %sign3A_1696 : i32
    %sign3A_1698 = arith.extui %sign3A_1697 : i1 to i32
    %sign3A_1699 = arith.subi %sign3A_1695, %sign3A_1698 : i32
    %sign3A_1700 = arith.constant 0 : i32
    %sign3A_1701 = arith.cmpi sgt, %jit3A_1691, %sign3A_1700 : i32
    %sign3A_1702 = arith.extui %sign3A_1701 : i1 to i32
    %sign3A_1703 = arith.constant 0 : i32
    %sign3A_1704 = arith.cmpi slt, %jit3A_1691, %sign3A_1703 : i32
    %sign3A_1705 = arith.extui %sign3A_1704 : i1 to i32
    %sign3A_1706 = arith.subi %sign3A_1702, %sign3A_1705 : i32
    %ne3A_1707 = arith.cmpi ne, %sign3A_1699, %sign3A_1706 : i32
    %rem3A_1708 = arith.remsi %add3A_1690, %jit3A_1691 : i32
    %ne3A_1709 = arith.constant 0 : i32
    %ne3A_1710 = arith.cmpi ne, %rem3A_1708, %ne3A_1709 : i32
    %and3A_1711 = arith.andi %ne3A_1707, %ne3A_1710 : i1
    %sub3A_1712 = arith.constant 1 : i32
    %sub3A_1713 = arith.subi %div3A_1692, %sub3A_1712 : i32
    %select_n3A_1714 = arith.select %and3A_1711, %sub3A_1713, %div3A_1692 : i32
    %jit3A_1715 = arith.constant 16 : i32
    %eq3A_1716 = arith.constant 0 : i32
    %eq3A_1717 = arith.cmpi eq, %jit3A_1715, %eq3A_1716 : i32
    %jit3A_1718 = arith.constant 1 : i32
    %select_n3A_1719 = arith.select %eq3A_1717, %jit3A_1718, %jit3A_1715 : i32
    %rem3A_1720 = arith.remsi %add3A_1690, %select_n3A_1719 : i32
    %ne3A_1721 = arith.constant 0 : i32
    %ne3A_1722 = arith.cmpi ne, %rem3A_1720, %ne3A_1721 : i32
    %lt3A_1723 = arith.constant 0 : i32
    %lt3A_1724 = arith.cmpi slt, %rem3A_1720, %lt3A_1723 : i32
    %lt3A_1725 = arith.constant 0 : i32
    %lt3A_1726 = arith.cmpi slt, %select_n3A_1719, %lt3A_1725 : i32
    %ne3A_1727 = arith.xori %lt3A_1724, %lt3A_1726 : i1
    %and3A_1728 = arith.andi %ne3A_1727, %ne3A_1722 : i1
    %add3A_1729 = arith.addi %rem3A_1720, %select_n3A_1719 : i32
    %select_n3A_1730 = arith.select %and3A_1728, %add3A_1729, %rem3A_1720 : i32
    %mul3A_1731 = arith.constant 16 : i32
    %mul3A_1732 = arith.muli %select_n3A_1714, %mul3A_1731 : i32
    %add3A_1733 = arith.addi %mul3A_1732, %select_n3A_1730 : i32
    %mul3A_1734 = arith.constant 4 : i32
    %mul3A_1735 = arith.muli %add3A_1733, %mul3A_1734 : i32
    %add3A_1736 = arith.constant 3 : i32
    %add3A_1737 = arith.addi %mul3A_1735, %add3A_1736 : i32
    %mul3A_1738 = arith.constant 65536 : i32
    %mul3A_1739 = arith.muli %add3A_1737, %mul3A_1738 : i32
    %lt3A_1740 = arith.constant 9 : i32
    %lt3A_1741 = arith.cmpi slt, %select_n3A_1730, %lt3A_1740 : i32
    %mul3A_1742 = arith.constant 3 : i32
    %mul3A_1743 = arith.muli %mul3A_1742, %select_n3A_1730 : i32
    %sub3A_1744 = arith.constant 16 : i32
    %sub3A_1745 = arith.subi %mul3A_1743, %sub3A_1744 : i32
    %select_n3A_1746 = arith.select %lt3A_1741, %select_n3A_1730, %sub3A_1745 : i32
    %lt3A_1747 = arith.constant 9 : i32
    %lt3A_1748 = arith.cmpi slt, %select_n3A_1730, %lt3A_1747 : i32
    %jit3A_1749 = arith.constant 3 : i32
    %eq3A_1750 = arith.constant 0 : i32
    %eq3A_1751 = arith.cmpi eq, %jit3A_1749, %eq3A_1750 : i32
    %jit3A_1752 = arith.constant 1 : i32
    %select_n3A_1753 = arith.select %eq3A_1751, %jit3A_1752, %jit3A_1749 : i32
    %rem3A_1754 = arith.remsi %select_n3A_1730, %select_n3A_1753 : i32
    %ne3A_1755 = arith.constant 0 : i32
    %ne3A_1756 = arith.cmpi ne, %rem3A_1754, %ne3A_1755 : i32
    %lt3A_1757 = arith.constant 0 : i32
    %lt3A_1758 = arith.cmpi slt, %rem3A_1754, %lt3A_1757 : i32
    %lt3A_1759 = arith.constant 0 : i32
    %lt3A_1760 = arith.cmpi slt, %select_n3A_1753, %lt3A_1759 : i32
    %ne3A_1761 = arith.xori %lt3A_1758, %lt3A_1760 : i1
    %and3A_1762 = arith.andi %ne3A_1761, %ne3A_1756 : i1
    %add3A_1763 = arith.addi %rem3A_1754, %select_n3A_1753 : i32
    %select_n3A_1764 = arith.select %and3A_1762, %add3A_1763, %rem3A_1754 : i32
    %mul3A_1765 = arith.constant 3 : i32
    %mul3A_1766 = arith.muli %mul3A_1765, %select_n3A_1764 : i32
    %add3A_1767 = arith.constant 30 : i32
    %add3A_1768 = arith.addi %add3A_1767, %mul3A_1766 : i32
    %jit3A_1769 = arith.constant 3 : i32
    %div3A_1770 = arith.divsi %select_n3A_1730, %jit3A_1769 : i32
    %sign3A_1771 = arith.constant 0 : i32
    %sign3A_1772 = arith.cmpi sgt, %select_n3A_1730, %sign3A_1771 : i32
    %sign3A_1773 = arith.extui %sign3A_1772 : i1 to i32
    %sign3A_1774 = arith.constant 0 : i32
    %sign3A_1775 = arith.cmpi slt, %select_n3A_1730, %sign3A_1774 : i32
    %sign3A_1776 = arith.extui %sign3A_1775 : i1 to i32
    %sign3A_1777 = arith.subi %sign3A_1773, %sign3A_1776 : i32
    %sign3A_1778 = arith.constant 0 : i32
    %sign3A_1779 = arith.cmpi sgt, %jit3A_1769, %sign3A_1778 : i32
    %sign3A_1780 = arith.extui %sign3A_1779 : i1 to i32
    %sign3A_1781 = arith.constant 0 : i32
    %sign3A_1782 = arith.cmpi slt, %jit3A_1769, %sign3A_1781 : i32
    %sign3A_1783 = arith.extui %sign3A_1782 : i1 to i32
    %sign3A_1784 = arith.subi %sign3A_1780, %sign3A_1783 : i32
    %ne3A_1785 = arith.cmpi ne, %sign3A_1777, %sign3A_1784 : i32
    %rem3A_1786 = arith.remsi %select_n3A_1730, %jit3A_1769 : i32
    %ne3A_1787 = arith.constant 0 : i32
    %ne3A_1788 = arith.cmpi ne, %rem3A_1786, %ne3A_1787 : i32
    %and3A_1789 = arith.andi %ne3A_1785, %ne3A_1788 : i1
    %sub3A_1790 = arith.constant 1 : i32
    %sub3A_1791 = arith.subi %div3A_1770, %sub3A_1790 : i32
    %select_n3A_1792 = arith.select %and3A_1789, %sub3A_1791, %div3A_1770 : i32
    %add3A_1793 = arith.addi %add3A_1768, %select_n3A_1792 : i32
    %mul3A_1794 = arith.constant 3 : i32
    %mul3A_1795 = arith.muli %mul3A_1794, %select_n3A_1730 : i32
    %add3A_1796 = arith.constant 14 : i32
    %add3A_1797 = arith.addi %mul3A_1795, %add3A_1796 : i32
    %select_n3A_1798 = arith.select %lt3A_1748, %add3A_1793, %add3A_1797 : i32
    %mul3A_1799 = arith.constant 60 : i32
    %mul3A_1800 = arith.muli %select_n3A_1714, %mul3A_1799 : i32
    %add3A_1801 = arith.addi %mul3A_1800, %select_n3A_1746 : i32
    %mul3A_1802 = arith.constant 4 : i32
    %mul3A_1803 = arith.muli %add3A_1801, %mul3A_1802 : i32
    %add3A_1804 = arith.constant 3 : i32
    %add3A_1805 = arith.addi %mul3A_1803, %add3A_1804 : i32
    %mul3A_1806 = arith.constant 65536 : i32
    %mul3A_1807 = arith.muli %add3A_1805, %mul3A_1806 : i32
    %mul3A_1808 = arith.constant 60 : i32
    %mul3A_1809 = arith.muli %select_n3A_1714, %mul3A_1808 : i32
    %add3A_1810 = arith.addi %mul3A_1809, %select_n3A_1798 : i32
    %mul3A_1811 = arith.constant 4 : i32
    %mul3A_1812 = arith.muli %add3A_1810, %mul3A_1811 : i32
    %add3A_1813 = arith.constant 3 : i32
    %add3A_1814 = arith.addi %mul3A_1812, %add3A_1813 : i32
    %mul3A_1815 = arith.constant 65536 : i32
    %mul3A_1816 = arith.muli %add3A_1814, %mul3A_1815 : i32
    %multiple_of3A_1817 = tpu.assume_multiple %mul3A_1739, 65536 : i32
    %dma_start3A_1818 = tpu.memref_slice %arg2[%multiple_of3A_1817] : memref<16777216xf32, #tpu.memory_space<hbm>> -> memref<65536xf32, #tpu.memory_space<hbm>>
    %dma_start3A_1819 = tpu.memref_slice %arg2[%multiple_of3A_1817] : memref<16777216xf32, #tpu.memory_space<hbm>> -> memref<65536xf32, #tpu.memory_space<hbm>>
    tpu.enqueue_dma source(%dma_start3A_1819 : memref<65536xf32, #tpu.memory_space<hbm>>) target(%arg5 : memref<65536xf32, #tpu.memory_space<vmem>>) target_semaphore(%arg7 : memref<!tpu.dma_semaphore, #tpu.memory_space<semaphore_mem>>)
    %dma_wait3A_1820 = arith.constant 0 : i32
    %dma_wait3A_1821 = tpu.memref_slice %arg2[%dma_wait3A_1820] : memref<16777216xf32, #tpu.memory_space<hbm>> -> memref<65536xf32, #tpu.memory_space<hbm>>
    %dma_wait3A_1822 = arith.constant 0 : i32
    %dma_wait3A_1823 = tpu.memref_slice %arg2[%dma_wait3A_1822] : memref<16777216xf32, #tpu.memory_space<hbm>> -> memref<65536xf32, #tpu.memory_space<hbm>>
    tpu.wait_dma2 semaphore(%arg7 : memref<!tpu.dma_semaphore, #tpu.memory_space<semaphore_mem>>) src(%dma_wait3A_1823 : memref<65536xf32, #tpu.memory_space<hbm>>) dst(%arg5 : memref<65536xf32, #tpu.memory_space<vmem>>)
    %mul3A_1824 = arith.constant 2 : i32
    %mul3A_1825 = arith.muli %mul3A_1824, %add3A : i32
    %add3A_1826 = arith.constant 0 : i32
    %add3A_1827 = arith.addi %mul3A_1825, %add3A_1826 : i32
    %jit3A_1828 = arith.constant 16 : i32
    %div3A_1829 = arith.divsi %add3A_1827, %jit3A_1828 : i32
    %sign3A_1830 = arith.constant 0 : i32
    %sign3A_1831 = arith.cmpi sgt, %add3A_1827, %sign3A_1830 : i32
    %sign3A_1832 = arith.extui %sign3A_1831 : i1 to i32
    %sign3A_1833 = arith.constant 0 : i32
    %sign3A_1834 = arith.cmpi slt, %add3A_1827, %sign3A_1833 : i32
    %sign3A_1835 = arith.extui %sign3A_1834 : i1 to i32
    %sign3A_1836 = arith.subi %sign3A_1832, %sign3A_1835 : i32
    %sign3A_1837 = arith.constant 0 : i32
    %sign3A_1838 = arith.cmpi sgt, %jit3A_1828, %sign3A_1837 : i32
    %sign3A_1839 = arith.extui %sign3A_1838 : i1 to i32
    %sign3A_1840 = arith.constant 0 : i32
    %sign3A_1841 = arith.cmpi slt, %jit3A_1828, %sign3A_1840 : i32
    %sign3A_1842 = arith.extui %sign3A_1841 : i1 to i32
    %sign3A_1843 = arith.subi %sign3A_1839, %sign3A_1842 : i32
    %ne3A_1844 = arith.cmpi ne, %sign3A_1836, %sign3A_1843 : i32
    %rem3A_1845 = arith.remsi %add3A_1827, %jit3A_1828 : i32
    %ne3A_1846 = arith.constant 0 : i32
    %ne3A_1847 = arith.cmpi ne, %rem3A_1845, %ne3A_1846 : i32
    %and3A_1848 = arith.andi %ne3A_1844, %ne3A_1847 : i1
    %sub3A_1849 = arith.constant 1 : i32
    %sub3A_1850 = arith.subi %div3A_1829, %sub3A_1849 : i32
    %select_n3A_1851 = arith.select %and3A_1848, %sub3A_1850, %div3A_1829 : i32
    %jit3A_1852 = arith.constant 16 : i32
    %eq3A_1853 = arith.constant 0 : i32
    %eq3A_1854 = arith.cmpi eq, %jit3A_1852, %eq3A_1853 : i32
    %jit3A_1855 = arith.constant 1 : i32
    %select_n3A_1856 = arith.select %eq3A_1854, %jit3A_1855, %jit3A_1852 : i32
    %rem3A_1857 = arith.remsi %add3A_1827, %select_n3A_1856 : i32
    %ne3A_1858 = arith.constant 0 : i32
    %ne3A_1859 = arith.cmpi ne, %rem3A_1857, %ne3A_1858 : i32
    %lt3A_1860 = arith.constant 0 : i32
    %lt3A_1861 = arith.cmpi slt, %rem3A_1857, %lt3A_1860 : i32
    %lt3A_1862 = arith.constant 0 : i32
    %lt3A_1863 = arith.cmpi slt, %select_n3A_1856, %lt3A_1862 : i32
    %ne3A_1864 = arith.xori %lt3A_1861, %lt3A_1863 : i1
    %and3A_1865 = arith.andi %ne3A_1864, %ne3A_1859 : i1
    %add3A_1866 = arith.addi %rem3A_1857, %select_n3A_1856 : i32
    %select_n3A_1867 = arith.select %and3A_1865, %add3A_1866, %rem3A_1857 : i32
    %mul3A_1868 = arith.constant 16 : i32
    %mul3A_1869 = arith.muli %select_n3A_1851, %mul3A_1868 : i32
    %add3A_1870 = arith.addi %mul3A_1869, %select_n3A_1867 : i32
    %mul3A_1871 = arith.constant 4 : i32
    %mul3A_1872 = arith.muli %add3A_1870, %mul3A_1871 : i32
    %add3A_1873 = arith.constant 3 : i32
    %add3A_1874 = arith.addi %mul3A_1872, %add3A_1873 : i32
    %mul3A_1875 = arith.constant 65536 : i32
    %mul3A_1876 = arith.muli %add3A_1874, %mul3A_1875 : i32
    %lt3A_1877 = arith.constant 9 : i32
    %lt3A_1878 = arith.cmpi slt, %select_n3A_1867, %lt3A_1877 : i32
    %mul3A_1879 = arith.constant 3 : i32
    %mul3A_1880 = arith.muli %mul3A_1879, %select_n3A_1867 : i32
    %sub3A_1881 = arith.constant 16 : i32
    %sub3A_1882 = arith.subi %mul3A_1880, %sub3A_1881 : i32
    %select_n3A_1883 = arith.select %lt3A_1878, %select_n3A_1867, %sub3A_1882 : i32
    %lt3A_1884 = arith.constant 9 : i32
    %lt3A_1885 = arith.cmpi slt, %select_n3A_1867, %lt3A_1884 : i32
    %jit3A_1886 = arith.constant 3 : i32
    %eq3A_1887 = arith.constant 0 : i32
    %eq3A_1888 = arith.cmpi eq, %jit3A_1886, %eq3A_1887 : i32
    %jit3A_1889 = arith.constant 1 : i32
    %select_n3A_1890 = arith.select %eq3A_1888, %jit3A_1889, %jit3A_1886 : i32
    %rem3A_1891 = arith.remsi %select_n3A_1867, %select_n3A_1890 : i32
    %ne3A_1892 = arith.constant 0 : i32
    %ne3A_1893 = arith.cmpi ne, %rem3A_1891, %ne3A_1892 : i32
    %lt3A_1894 = arith.constant 0 : i32
    %lt3A_1895 = arith.cmpi slt, %rem3A_1891, %lt3A_1894 : i32
    %lt3A_1896 = arith.constant 0 : i32
    %lt3A_1897 = arith.cmpi slt, %select_n3A_1890, %lt3A_1896 : i32
    %ne3A_1898 = arith.xori %lt3A_1895, %lt3A_1897 : i1
    %and3A_1899 = arith.andi %ne3A_1898, %ne3A_1893 : i1
    %add3A_1900 = arith.addi %rem3A_1891, %select_n3A_1890 : i32
    %select_n3A_1901 = arith.select %and3A_1899, %add3A_1900, %rem3A_1891 : i32
    %mul3A_1902 = arith.constant 3 : i32
    %mul3A_1903 = arith.muli %mul3A_1902, %select_n3A_1901 : i32
    %add3A_1904 = arith.constant 30 : i32
    %add3A_1905 = arith.addi %add3A_1904, %mul3A_1903 : i32
    %jit3A_1906 = arith.constant 3 : i32
    %div3A_1907 = arith.divsi %select_n3A_1867, %jit3A_1906 : i32
    %sign3A_1908 = arith.constant 0 : i32
    %sign3A_1909 = arith.cmpi sgt, %select_n3A_1867, %sign3A_1908 : i32
    %sign3A_1910 = arith.extui %sign3A_1909 : i1 to i32
    %sign3A_1911 = arith.constant 0 : i32
    %sign3A_1912 = arith.cmpi slt, %select_n3A_1867, %sign3A_1911 : i32
    %sign3A_1913 = arith.extui %sign3A_1912 : i1 to i32
    %sign3A_1914 = arith.subi %sign3A_1910, %sign3A_1913 : i32
    %sign3A_1915 = arith.constant 0 : i32
    %sign3A_1916 = arith.cmpi sgt, %jit3A_1906, %sign3A_1915 : i32
    %sign3A_1917 = arith.extui %sign3A_1916 : i1 to i32
    %sign3A_1918 = arith.constant 0 : i32
    %sign3A_1919 = arith.cmpi slt, %jit3A_1906, %sign3A_1918 : i32
    %sign3A_1920 = arith.extui %sign3A_1919 : i1 to i32
    %sign3A_1921 = arith.subi %sign3A_1917, %sign3A_1920 : i32
    %ne3A_1922 = arith.cmpi ne, %sign3A_1914, %sign3A_1921 : i32
    %rem3A_1923 = arith.remsi %select_n3A_1867, %jit3A_1906 : i32
    %ne3A_1924 = arith.constant 0 : i32
    %ne3A_1925 = arith.cmpi ne, %rem3A_1923, %ne3A_1924 : i32
    %and3A_1926 = arith.andi %ne3A_1922, %ne3A_1925 : i1
    %sub3A_1927 = arith.constant 1 : i32
    %sub3A_1928 = arith.subi %div3A_1907, %sub3A_1927 : i32
    %select_n3A_1929 = arith.select %and3A_1926, %sub3A_1928, %div3A_1907 : i32
    %add3A_1930 = arith.addi %add3A_1905, %select_n3A_1929 : i32
    %mul3A_1931 = arith.constant 3 : i32
    %mul3A_1932 = arith.muli %mul3A_1931, %select_n3A_1867 : i32
    %add3A_1933 = arith.constant 14 : i32
    %add3A_1934 = arith.addi %mul3A_1932, %add3A_1933 : i32
    %select_n3A_1935 = arith.select %lt3A_1885, %add3A_1930, %add3A_1934 : i32
    %mul3A_1936 = arith.constant 60 : i32
    %mul3A_1937 = arith.muli %select_n3A_1851, %mul3A_1936 : i32
    %add3A_1938 = arith.addi %mul3A_1937, %select_n3A_1883 : i32
    %mul3A_1939 = arith.constant 4 : i32
    %mul3A_1940 = arith.muli %add3A_1938, %mul3A_1939 : i32
    %add3A_1941 = arith.constant 3 : i32
    %add3A_1942 = arith.addi %mul3A_1940, %add3A_1941 : i32
    %mul3A_1943 = arith.constant 65536 : i32
    %mul3A_1944 = arith.muli %add3A_1942, %mul3A_1943 : i32
    %mul3A_1945 = arith.constant 60 : i32
    %mul3A_1946 = arith.muli %select_n3A_1851, %mul3A_1945 : i32
    %add3A_1947 = arith.addi %mul3A_1946, %select_n3A_1935 : i32
    %mul3A_1948 = arith.constant 4 : i32
    %mul3A_1949 = arith.muli %add3A_1947, %mul3A_1948 : i32
    %add3A_1950 = arith.constant 3 : i32
    %add3A_1951 = arith.addi %mul3A_1949, %add3A_1950 : i32
    %mul3A_1952 = arith.constant 65536 : i32
    %mul3A_1953 = arith.muli %add3A_1951, %mul3A_1952 : i32
    %multiple_of3A_1954 = tpu.assume_multiple %mul3A_1944, 65536 : i32
    %dma_start3A_1955 = tpu.memref_slice %arg3[%multiple_of3A_1954] : memref<62914560xf32, #tpu.memory_space<hbm>> -> memref<65536xf32, #tpu.memory_space<hbm>>
    %dma_start3A_1956 = tpu.memref_slice %arg3[%multiple_of3A_1954] : memref<62914560xf32, #tpu.memory_space<hbm>> -> memref<65536xf32, #tpu.memory_space<hbm>>
    tpu.enqueue_dma source(%arg5 : memref<65536xf32, #tpu.memory_space<vmem>>) target(%dma_start3A_1956 : memref<65536xf32, #tpu.memory_space<hbm>>) target_semaphore(%arg9 : memref<!tpu.dma_semaphore, #tpu.memory_space<semaphore_mem>>)
    %multiple_of3A_1957 = tpu.assume_multiple %mul3A_1953, 65536 : i32
    %dma_start3A_1958 = tpu.memref_slice %arg3[%multiple_of3A_1957] : memref<62914560xf32, #tpu.memory_space<hbm>> -> memref<65536xf32, #tpu.memory_space<hbm>>
    %dma_start3A_1959 = tpu.memref_slice %arg3[%multiple_of3A_1957] : memref<62914560xf32, #tpu.memory_space<hbm>> -> memref<65536xf32, #tpu.memory_space<hbm>>
    tpu.enqueue_dma source(%arg5 : memref<65536xf32, #tpu.memory_space<vmem>>) target(%dma_start3A_1959 : memref<65536xf32, #tpu.memory_space<hbm>>) target_semaphore(%arg9 : memref<!tpu.dma_semaphore, #tpu.memory_space<semaphore_mem>>)
    %dma_wait3A_1960 = arith.constant 0 : i32
    %dma_wait3A_1961 = tpu.memref_slice %arg3[%dma_wait3A_1960] : memref<62914560xf32, #tpu.memory_space<hbm>> -> memref<65536xf32, #tpu.memory_space<hbm>>
    %dma_wait3A_1962 = arith.constant 0 : i32
    %dma_wait3A_1963 = tpu.memref_slice %arg4[%arg1, %dma_wait3A_1962] : memref<16x65536xf32, #tpu.memory_space<vmem_shared>> -> memref<1x65536xf32, #tpu.memory_space<vmem_shared>>
    %dma_wait3A_1964 = tpu.memref_squeeze %dma_wait3A_1963 : memref<1x65536xf32, #tpu.memory_space<vmem_shared>> -> memref<65536xf32, #tpu.memory_space<vmem_shared>>
    tpu.wait_dma2 semaphore(%arg8 : memref<!tpu.dma_semaphore, #tpu.memory_space<semaphore_mem>>) src(%dma_wait3A_1964 : memref<65536xf32, #tpu.memory_space<vmem_shared>>) dst(%dma_wait3A_1961 : memref<65536xf32, #tpu.memory_space<hbm>>)
    %dma_wait3A_1965 = arith.constant 0 : i32
    %dma_wait3A_1966 = tpu.memref_slice %arg3[%dma_wait3A_1965] : memref<62914560xf32, #tpu.memory_space<hbm>> -> memref<65536xf32, #tpu.memory_space<hbm>>
    %dma_wait3A_1967 = arith.constant 0 : i32
    %dma_wait3A_1968 = tpu.memref_slice %arg4[%arg1, %dma_wait3A_1967] : memref<16x65536xf32, #tpu.memory_space<vmem_shared>> -> memref<1x65536xf32, #tpu.memory_space<vmem_shared>>
    %dma_wait3A_1969 = tpu.memref_squeeze %dma_wait3A_1968 : memref<1x65536xf32, #tpu.memory_space<vmem_shared>> -> memref<65536xf32, #tpu.memory_space<vmem_shared>>
    tpu.wait_dma2 semaphore(%arg8 : memref<!tpu.dma_semaphore, #tpu.memory_space<semaphore_mem>>) src(%dma_wait3A_1969 : memref<65536xf32, #tpu.memory_space<vmem_shared>>) dst(%dma_wait3A_1966 : memref<65536xf32, #tpu.memory_space<hbm>>)
    %mul3A_1970 = arith.constant 2 : i32
    %mul3A_1971 = arith.muli %mul3A_1970, %add3A : i32
    %add3A_1972 = arith.constant 1 : i32
    %add3A_1973 = arith.addi %mul3A_1971, %add3A_1972 : i32
    %jit3A_1974 = arith.constant 16 : i32
    %div3A_1975 = arith.divsi %add3A_1973, %jit3A_1974 : i32
    %sign3A_1976 = arith.constant 0 : i32
    %sign3A_1977 = arith.cmpi sgt, %add3A_1973, %sign3A_1976 : i32
    %sign3A_1978 = arith.extui %sign3A_1977 : i1 to i32
    %sign3A_1979 = arith.constant 0 : i32
    %sign3A_1980 = arith.cmpi slt, %add3A_1973, %sign3A_1979 : i32
    %sign3A_1981 = arith.extui %sign3A_1980 : i1 to i32
    %sign3A_1982 = arith.subi %sign3A_1978, %sign3A_1981 : i32
    %sign3A_1983 = arith.constant 0 : i32
    %sign3A_1984 = arith.cmpi sgt, %jit3A_1974, %sign3A_1983 : i32
    %sign3A_1985 = arith.extui %sign3A_1984 : i1 to i32
    %sign3A_1986 = arith.constant 0 : i32
    %sign3A_1987 = arith.cmpi slt, %jit3A_1974, %sign3A_1986 : i32
    %sign3A_1988 = arith.extui %sign3A_1987 : i1 to i32
    %sign3A_1989 = arith.subi %sign3A_1985, %sign3A_1988 : i32
    %ne3A_1990 = arith.cmpi ne, %sign3A_1982, %sign3A_1989 : i32
    %rem3A_1991 = arith.remsi %add3A_1973, %jit3A_1974 : i32
    %ne3A_1992 = arith.constant 0 : i32
    %ne3A_1993 = arith.cmpi ne, %rem3A_1991, %ne3A_1992 : i32
    %and3A_1994 = arith.andi %ne3A_1990, %ne3A_1993 : i1
    %sub3A_1995 = arith.constant 1 : i32
    %sub3A_1996 = arith.subi %div3A_1975, %sub3A_1995 : i32
    %select_n3A_1997 = arith.select %and3A_1994, %sub3A_1996, %div3A_1975 : i32
    %jit3A_1998 = arith.constant 16 : i32
    %eq3A_1999 = arith.constant 0 : i32
    %eq3A_2000 = arith.cmpi eq, %jit3A_1998, %eq3A_1999 : i32
    %jit3A_2001 = arith.constant 1 : i32
    %select_n3A_2002 = arith.select %eq3A_2000, %jit3A_2001, %jit3A_1998 : i32
    %rem3A_2003 = arith.remsi %add3A_1973, %select_n3A_2002 : i32
    %ne3A_2004 = arith.constant 0 : i32
    %ne3A_2005 = arith.cmpi ne, %rem3A_2003, %ne3A_2004 : i32
    %lt3A_2006 = arith.constant 0 : i32
    %lt3A_2007 = arith.cmpi slt, %rem3A_2003, %lt3A_2006 : i32
    %lt3A_2008 = arith.constant 0 : i32
    %lt3A_2009 = arith.cmpi slt, %select_n3A_2002, %lt3A_2008 : i32
    %ne3A_2010 = arith.xori %lt3A_2007, %lt3A_2009 : i1
    %and3A_2011 = arith.andi %ne3A_2010, %ne3A_2005 : i1
    %add3A_2012 = arith.addi %rem3A_2003, %select_n3A_2002 : i32
    %select_n3A_2013 = arith.select %and3A_2011, %add3A_2012, %rem3A_2003 : i32
    %mul3A_2014 = arith.constant 16 : i32
    %mul3A_2015 = arith.muli %select_n3A_1997, %mul3A_2014 : i32
    %add3A_2016 = arith.addi %mul3A_2015, %select_n3A_2013 : i32
    %mul3A_2017 = arith.constant 4 : i32
    %mul3A_2018 = arith.muli %add3A_2016, %mul3A_2017 : i32
    %add3A_2019 = arith.constant 0 : i32
    %add3A_2020 = arith.addi %mul3A_2018, %add3A_2019 : i32
    %mul3A_2021 = arith.constant 65536 : i32
    %mul3A_2022 = arith.muli %add3A_2020, %mul3A_2021 : i32
    %lt3A_2023 = arith.constant 9 : i32
    %lt3A_2024 = arith.cmpi slt, %select_n3A_2013, %lt3A_2023 : i32
    %mul3A_2025 = arith.constant 3 : i32
    %mul3A_2026 = arith.muli %mul3A_2025, %select_n3A_2013 : i32
    %sub3A_2027 = arith.constant 16 : i32
    %sub3A_2028 = arith.subi %mul3A_2026, %sub3A_2027 : i32
    %select_n3A_2029 = arith.select %lt3A_2024, %select_n3A_2013, %sub3A_2028 : i32
    %lt3A_2030 = arith.constant 9 : i32
    %lt3A_2031 = arith.cmpi slt, %select_n3A_2013, %lt3A_2030 : i32
    %jit3A_2032 = arith.constant 3 : i32
    %eq3A_2033 = arith.constant 0 : i32
    %eq3A_2034 = arith.cmpi eq, %jit3A_2032, %eq3A_2033 : i32
    %jit3A_2035 = arith.constant 1 : i32
    %select_n3A_2036 = arith.select %eq3A_2034, %jit3A_2035, %jit3A_2032 : i32
    %rem3A_2037 = arith.remsi %select_n3A_2013, %select_n3A_2036 : i32
    %ne3A_2038 = arith.constant 0 : i32
    %ne3A_2039 = arith.cmpi ne, %rem3A_2037, %ne3A_2038 : i32
    %lt3A_2040 = arith.constant 0 : i32
    %lt3A_2041 = arith.cmpi slt, %rem3A_2037, %lt3A_2040 : i32
    %lt3A_2042 = arith.constant 0 : i32
    %lt3A_2043 = arith.cmpi slt, %select_n3A_2036, %lt3A_2042 : i32
    %ne3A_2044 = arith.xori %lt3A_2041, %lt3A_2043 : i1
    %and3A_2045 = arith.andi %ne3A_2044, %ne3A_2039 : i1
    %add3A_2046 = arith.addi %rem3A_2037, %select_n3A_2036 : i32
    %select_n3A_2047 = arith.select %and3A_2045, %add3A_2046, %rem3A_2037 : i32
    %mul3A_2048 = arith.constant 3 : i32
    %mul3A_2049 = arith.muli %mul3A_2048, %select_n3A_2047 : i32
    %add3A_2050 = arith.constant 30 : i32
    %add3A_2051 = arith.addi %add3A_2050, %mul3A_2049 : i32
    %jit3A_2052 = arith.constant 3 : i32
    %div3A_2053 = arith.divsi %select_n3A_2013, %jit3A_2052 : i32
    %sign3A_2054 = arith.constant 0 : i32
    %sign3A_2055 = arith.cmpi sgt, %select_n3A_2013, %sign3A_2054 : i32
    %sign3A_2056 = arith.extui %sign3A_2055 : i1 to i32
    %sign3A_2057 = arith.constant 0 : i32
    %sign3A_2058 = arith.cmpi slt, %select_n3A_2013, %sign3A_2057 : i32
    %sign3A_2059 = arith.extui %sign3A_2058 : i1 to i32
    %sign3A_2060 = arith.subi %sign3A_2056, %sign3A_2059 : i32
    %sign3A_2061 = arith.constant 0 : i32
    %sign3A_2062 = arith.cmpi sgt, %jit3A_2052, %sign3A_2061 : i32
    %sign3A_2063 = arith.extui %sign3A_2062 : i1 to i32
    %sign3A_2064 = arith.constant 0 : i32
    %sign3A_2065 = arith.cmpi slt, %jit3A_2052, %sign3A_2064 : i32
    %sign3A_2066 = arith.extui %sign3A_2065 : i1 to i32
    %sign3A_2067 = arith.subi %sign3A_2063, %sign3A_2066 : i32
    %ne3A_2068 = arith.cmpi ne, %sign3A_2060, %sign3A_2067 : i32
    %rem3A_2069 = arith.remsi %select_n3A_2013, %jit3A_2052 : i32
    %ne3A_2070 = arith.constant 0 : i32
    %ne3A_2071 = arith.cmpi ne, %rem3A_2069, %ne3A_2070 : i32
    %and3A_2072 = arith.andi %ne3A_2068, %ne3A_2071 : i1
    %sub3A_2073 = arith.constant 1 : i32
    %sub3A_2074 = arith.subi %div3A_2053, %sub3A_2073 : i32
    %select_n3A_2075 = arith.select %and3A_2072, %sub3A_2074, %div3A_2053 : i32
    %add3A_2076 = arith.addi %add3A_2051, %select_n3A_2075 : i32
    %mul3A_2077 = arith.constant 3 : i32
    %mul3A_2078 = arith.muli %mul3A_2077, %select_n3A_2013 : i32
    %add3A_2079 = arith.constant 14 : i32
    %add3A_2080 = arith.addi %mul3A_2078, %add3A_2079 : i32
    %select_n3A_2081 = arith.select %lt3A_2031, %add3A_2076, %add3A_2080 : i32
    %mul3A_2082 = arith.constant 60 : i32
    %mul3A_2083 = arith.muli %select_n3A_1997, %mul3A_2082 : i32
    %add3A_2084 = arith.addi %mul3A_2083, %select_n3A_2029 : i32
    %mul3A_2085 = arith.constant 4 : i32
    %mul3A_2086 = arith.muli %add3A_2084, %mul3A_2085 : i32
    %add3A_2087 = arith.constant 0 : i32
    %add3A_2088 = arith.addi %mul3A_2086, %add3A_2087 : i32
    %mul3A_2089 = arith.constant 65536 : i32
    %mul3A_2090 = arith.muli %add3A_2088, %mul3A_2089 : i32
    %mul3A_2091 = arith.constant 60 : i32
    %mul3A_2092 = arith.muli %select_n3A_1997, %mul3A_2091 : i32
    %add3A_2093 = arith.addi %mul3A_2092, %select_n3A_2081 : i32
    %mul3A_2094 = arith.constant 4 : i32
    %mul3A_2095 = arith.muli %add3A_2093, %mul3A_2094 : i32
    %add3A_2096 = arith.constant 0 : i32
    %add3A_2097 = arith.addi %mul3A_2095, %add3A_2096 : i32
    %mul3A_2098 = arith.constant 65536 : i32
    %mul3A_2099 = arith.muli %add3A_2097, %mul3A_2098 : i32
    %multiple_of3A_2100 = tpu.assume_multiple %mul3A_2022, 65536 : i32
    %dma_start3A_2101 = arith.constant 0 : i32
    %dma_start3A_2102 = tpu.memref_slice %arg4[%arg1, %dma_start3A_2101] : memref<16x65536xf32, #tpu.memory_space<vmem_shared>> -> memref<1x65536xf32, #tpu.memory_space<vmem_shared>>
    %dma_start3A_2103 = tpu.memref_squeeze %dma_start3A_2102 : memref<1x65536xf32, #tpu.memory_space<vmem_shared>> -> memref<65536xf32, #tpu.memory_space<vmem_shared>>
    %dma_start3A_2104 = tpu.memref_slice %arg2[%multiple_of3A_2100] : memref<16777216xf32, #tpu.memory_space<hbm>> -> memref<65536xf32, #tpu.memory_space<hbm>>
    tpu.enqueue_dma source(%dma_start3A_2104 : memref<65536xf32, #tpu.memory_space<hbm>>) target(%dma_start3A_2103 : memref<65536xf32, #tpu.memory_space<vmem_shared>>) target_semaphore(%arg6 : memref<!tpu.dma_semaphore, #tpu.memory_space<semaphore_mem>>)
    %dma_wait3A_2105 = arith.constant 0 : i32
    %dma_wait3A_2106 = tpu.memref_slice %arg4[%arg1, %dma_wait3A_2105] : memref<16x65536xf32, #tpu.memory_space<vmem_shared>> -> memref<1x65536xf32, #tpu.memory_space<vmem_shared>>
    %dma_wait3A_2107 = tpu.memref_squeeze %dma_wait3A_2106 : memref<1x65536xf32, #tpu.memory_space<vmem_shared>> -> memref<65536xf32, #tpu.memory_space<vmem_shared>>
    %dma_wait3A_2108 = arith.constant 0 : i32
    %dma_wait3A_2109 = tpu.memref_slice %arg2[%dma_wait3A_2108] : memref<16777216xf32, #tpu.memory_space<hbm>> -> memref<65536xf32, #tpu.memory_space<hbm>>
    tpu.wait_dma2 semaphore(%arg6 : memref<!tpu.dma_semaphore, #tpu.memory_space<semaphore_mem>>) src(%dma_wait3A_2109 : memref<65536xf32, #tpu.memory_space<hbm>>) dst(%dma_wait3A_2107 : memref<65536xf32, #tpu.memory_space<vmem_shared>>)
    %mul3A_2110 = arith.constant 2 : i32
    %mul3A_2111 = arith.muli %mul3A_2110, %add3A : i32
    %add3A_2112 = arith.constant 1 : i32
    %add3A_2113 = arith.addi %mul3A_2111, %add3A_2112 : i32
    %jit3A_2114 = arith.constant 16 : i32
    %div3A_2115 = arith.divsi %add3A_2113, %jit3A_2114 : i32
    %sign3A_2116 = arith.constant 0 : i32
    %sign3A_2117 = arith.cmpi sgt, %add3A_2113, %sign3A_2116 : i32
    %sign3A_2118 = arith.extui %sign3A_2117 : i1 to i32
    %sign3A_2119 = arith.constant 0 : i32
    %sign3A_2120 = arith.cmpi slt, %add3A_2113, %sign3A_2119 : i32
    %sign3A_2121 = arith.extui %sign3A_2120 : i1 to i32
    %sign3A_2122 = arith.subi %sign3A_2118, %sign3A_2121 : i32
    %sign3A_2123 = arith.constant 0 : i32
    %sign3A_2124 = arith.cmpi sgt, %jit3A_2114, %sign3A_2123 : i32
    %sign3A_2125 = arith.extui %sign3A_2124 : i1 to i32
    %sign3A_2126 = arith.constant 0 : i32
    %sign3A_2127 = arith.cmpi slt, %jit3A_2114, %sign3A_2126 : i32
    %sign3A_2128 = arith.extui %sign3A_2127 : i1 to i32
    %sign3A_2129 = arith.subi %sign3A_2125, %sign3A_2128 : i32
    %ne3A_2130 = arith.cmpi ne, %sign3A_2122, %sign3A_2129 : i32
    %rem3A_2131 = arith.remsi %add3A_2113, %jit3A_2114 : i32
    %ne3A_2132 = arith.constant 0 : i32
    %ne3A_2133 = arith.cmpi ne, %rem3A_2131, %ne3A_2132 : i32
    %and3A_2134 = arith.andi %ne3A_2130, %ne3A_2133 : i1
    %sub3A_2135 = arith.constant 1 : i32
    %sub3A_2136 = arith.subi %div3A_2115, %sub3A_2135 : i32
    %select_n3A_2137 = arith.select %and3A_2134, %sub3A_2136, %div3A_2115 : i32
    %jit3A_2138 = arith.constant 16 : i32
    %eq3A_2139 = arith.constant 0 : i32
    %eq3A_2140 = arith.cmpi eq, %jit3A_2138, %eq3A_2139 : i32
    %jit3A_2141 = arith.constant 1 : i32
    %select_n3A_2142 = arith.select %eq3A_2140, %jit3A_2141, %jit3A_2138 : i32
    %rem3A_2143 = arith.remsi %add3A_2113, %select_n3A_2142 : i32
    %ne3A_2144 = arith.constant 0 : i32
    %ne3A_2145 = arith.cmpi ne, %rem3A_2143, %ne3A_2144 : i32
    %lt3A_2146 = arith.constant 0 : i32
    %lt3A_2147 = arith.cmpi slt, %rem3A_2143, %lt3A_2146 : i32
    %lt3A_2148 = arith.constant 0 : i32
    %lt3A_2149 = arith.cmpi slt, %select_n3A_2142, %lt3A_2148 : i32
    %ne3A_2150 = arith.xori %lt3A_2147, %lt3A_2149 : i1
    %and3A_2151 = arith.andi %ne3A_2150, %ne3A_2145 : i1
    %add3A_2152 = arith.addi %rem3A_2143, %select_n3A_2142 : i32
    %select_n3A_2153 = arith.select %and3A_2151, %add3A_2152, %rem3A_2143 : i32
    %mul3A_2154 = arith.constant 16 : i32
    %mul3A_2155 = arith.muli %select_n3A_2137, %mul3A_2154 : i32
    %add3A_2156 = arith.addi %mul3A_2155, %select_n3A_2153 : i32
    %mul3A_2157 = arith.constant 4 : i32
    %mul3A_2158 = arith.muli %add3A_2156, %mul3A_2157 : i32
    %add3A_2159 = arith.constant 0 : i32
    %add3A_2160 = arith.addi %mul3A_2158, %add3A_2159 : i32
    %mul3A_2161 = arith.constant 65536 : i32
    %mul3A_2162 = arith.muli %add3A_2160, %mul3A_2161 : i32
    %lt3A_2163 = arith.constant 9 : i32
    %lt3A_2164 = arith.cmpi slt, %select_n3A_2153, %lt3A_2163 : i32
    %mul3A_2165 = arith.constant 3 : i32
    %mul3A_2166 = arith.muli %mul3A_2165, %select_n3A_2153 : i32
    %sub3A_2167 = arith.constant 16 : i32
    %sub3A_2168 = arith.subi %mul3A_2166, %sub3A_2167 : i32
    %select_n3A_2169 = arith.select %lt3A_2164, %select_n3A_2153, %sub3A_2168 : i32
    %lt3A_2170 = arith.constant 9 : i32
    %lt3A_2171 = arith.cmpi slt, %select_n3A_2153, %lt3A_2170 : i32
    %jit3A_2172 = arith.constant 3 : i32
    %eq3A_2173 = arith.constant 0 : i32
    %eq3A_2174 = arith.cmpi eq, %jit3A_2172, %eq3A_2173 : i32
    %jit3A_2175 = arith.constant 1 : i32
    %select_n3A_2176 = arith.select %eq3A_2174, %jit3A_2175, %jit3A_2172 : i32
    %rem3A_2177 = arith.remsi %select_n3A_2153, %select_n3A_2176 : i32
    %ne3A_2178 = arith.constant 0 : i32
    %ne3A_2179 = arith.cmpi ne, %rem3A_2177, %ne3A_2178 : i32
    %lt3A_2180 = arith.constant 0 : i32
    %lt3A_2181 = arith.cmpi slt, %rem3A_2177, %lt3A_2180 : i32
    %lt3A_2182 = arith.constant 0 : i32
    %lt3A_2183 = arith.cmpi slt, %select_n3A_2176, %lt3A_2182 : i32
    %ne3A_2184 = arith.xori %lt3A_2181, %lt3A_2183 : i1
    %and3A_2185 = arith.andi %ne3A_2184, %ne3A_2179 : i1
    %add3A_2186 = arith.addi %rem3A_2177, %select_n3A_2176 : i32
    %select_n3A_2187 = arith.select %and3A_2185, %add3A_2186, %rem3A_2177 : i32
    %mul3A_2188 = arith.constant 3 : i32
    %mul3A_2189 = arith.muli %mul3A_2188, %select_n3A_2187 : i32
    %add3A_2190 = arith.constant 30 : i32
    %add3A_2191 = arith.addi %add3A_2190, %mul3A_2189 : i32
    %jit3A_2192 = arith.constant 3 : i32
    %div3A_2193 = arith.divsi %select_n3A_2153, %jit3A_2192 : i32
    %sign3A_2194 = arith.constant 0 : i32
    %sign3A_2195 = arith.cmpi sgt, %select_n3A_2153, %sign3A_2194 : i32
    %sign3A_2196 = arith.extui %sign3A_2195 : i1 to i32
    %sign3A_2197 = arith.constant 0 : i32
    %sign3A_2198 = arith.cmpi slt, %select_n3A_2153, %sign3A_2197 : i32
    %sign3A_2199 = arith.extui %sign3A_2198 : i1 to i32
    %sign3A_2200 = arith.subi %sign3A_2196, %sign3A_2199 : i32
    %sign3A_2201 = arith.constant 0 : i32
    %sign3A_2202 = arith.cmpi sgt, %jit3A_2192, %sign3A_2201 : i32
    %sign3A_2203 = arith.extui %sign3A_2202 : i1 to i32
    %sign3A_2204 = arith.constant 0 : i32
    %sign3A_2205 = arith.cmpi slt, %jit3A_2192, %sign3A_2204 : i32
    %sign3A_2206 = arith.extui %sign3A_2205 : i1 to i32
    %sign3A_2207 = arith.subi %sign3A_2203, %sign3A_2206 : i32
    %ne3A_2208 = arith.cmpi ne, %sign3A_2200, %sign3A_2207 : i32
    %rem3A_2209 = arith.remsi %select_n3A_2153, %jit3A_2192 : i32
    %ne3A_2210 = arith.constant 0 : i32
    %ne3A_2211 = arith.cmpi ne, %rem3A_2209, %ne3A_2210 : i32
    %and3A_2212 = arith.andi %ne3A_2208, %ne3A_2211 : i1
    %sub3A_2213 = arith.constant 1 : i32
    %sub3A_2214 = arith.subi %div3A_2193, %sub3A_2213 : i32
    %select_n3A_2215 = arith.select %and3A_2212, %sub3A_2214, %div3A_2193 : i32
    %add3A_2216 = arith.addi %add3A_2191, %select_n3A_2215 : i32
    %mul3A_2217 = arith.constant 3 : i32
    %mul3A_2218 = arith.muli %mul3A_2217, %select_n3A_2153 : i32
    %add3A_2219 = arith.constant 14 : i32
    %add3A_2220 = arith.addi %mul3A_2218, %add3A_2219 : i32
    %select_n3A_2221 = arith.select %lt3A_2171, %add3A_2216, %add3A_2220 : i32
    %mul3A_2222 = arith.constant 60 : i32
    %mul3A_2223 = arith.muli %select_n3A_2137, %mul3A_2222 : i32
    %add3A_2224 = arith.addi %mul3A_2223, %select_n3A_2169 : i32
    %mul3A_2225 = arith.constant 4 : i32
    %mul3A_2226 = arith.muli %add3A_2224, %mul3A_2225 : i32
    %add3A_2227 = arith.constant 0 : i32
    %add3A_2228 = arith.addi %mul3A_2226, %add3A_2227 : i32
    %mul3A_2229 = arith.constant 65536 : i32
    %mul3A_2230 = arith.muli %add3A_2228, %mul3A_2229 : i32
    %mul3A_2231 = arith.constant 60 : i32
    %mul3A_2232 = arith.muli %select_n3A_2137, %mul3A_2231 : i32
    %add3A_2233 = arith.addi %mul3A_2232, %select_n3A_2221 : i32
    %mul3A_2234 = arith.constant 4 : i32
    %mul3A_2235 = arith.muli %add3A_2233, %mul3A_2234 : i32
    %add3A_2236 = arith.constant 0 : i32
    %add3A_2237 = arith.addi %mul3A_2235, %add3A_2236 : i32
    %mul3A_2238 = arith.constant 65536 : i32
    %mul3A_2239 = arith.muli %add3A_2237, %mul3A_2238 : i32
    %multiple_of3A_2240 = tpu.assume_multiple %mul3A_2230, 65536 : i32
    %dma_start3A_2241 = tpu.memref_slice %arg3[%multiple_of3A_2240] : memref<62914560xf32, #tpu.memory_space<hbm>> -> memref<65536xf32, #tpu.memory_space<hbm>>
    %dma_start3A_2242 = arith.constant 0 : i32
    %dma_start3A_2243 = tpu.memref_slice %arg4[%arg1, %dma_start3A_2242] : memref<16x65536xf32, #tpu.memory_space<vmem_shared>> -> memref<1x65536xf32, #tpu.memory_space<vmem_shared>>
    %dma_start3A_2244 = tpu.memref_squeeze %dma_start3A_2243 : memref<1x65536xf32, #tpu.memory_space<vmem_shared>> -> memref<65536xf32, #tpu.memory_space<vmem_shared>>
    tpu.enqueue_dma source(%dma_start3A_2244 : memref<65536xf32, #tpu.memory_space<vmem_shared>>) target(%dma_start3A_2241 : memref<65536xf32, #tpu.memory_space<hbm>>) target_semaphore(%arg8 : memref<!tpu.dma_semaphore, #tpu.memory_space<semaphore_mem>>)
    %multiple_of3A_2245 = tpu.assume_multiple %mul3A_2239, 65536 : i32
    %dma_start3A_2246 = tpu.memref_slice %arg3[%multiple_of3A_2245] : memref<62914560xf32, #tpu.memory_space<hbm>> -> memref<65536xf32, #tpu.memory_space<hbm>>
    %dma_start3A_2247 = arith.constant 0 : i32
    %dma_start3A_2248 = tpu.memref_slice %arg4[%arg1, %dma_start3A_2247] : memref<16x65536xf32, #tpu.memory_space<vmem_shared>> -> memref<1x65536xf32, #tpu.memory_space<vmem_shared>>
    %dma_start3A_2249 = tpu.memref_squeeze %dma_start3A_2248 : memref<1x65536xf32, #tpu.memory_space<vmem_shared>> -> memref<65536xf32, #tpu.memory_space<vmem_shared>>
    tpu.enqueue_dma source(%dma_start3A_2249 : memref<65536xf32, #tpu.memory_space<vmem_shared>>) target(%dma_start3A_2246 : memref<65536xf32, #tpu.memory_space<hbm>>) target_semaphore(%arg8 : memref<!tpu.dma_semaphore, #tpu.memory_space<semaphore_mem>>)
    %dma_wait3A_2250 = arith.constant 0 : i32
    %dma_wait3A_2251 = tpu.memref_slice %arg3[%dma_wait3A_2250] : memref<62914560xf32, #tpu.memory_space<hbm>> -> memref<65536xf32, #tpu.memory_space<hbm>>
    %dma_wait3A_2252 = arith.constant 0 : i32
    %dma_wait3A_2253 = tpu.memref_slice %arg3[%dma_wait3A_2252] : memref<62914560xf32, #tpu.memory_space<hbm>> -> memref<65536xf32, #tpu.memory_space<hbm>>
    tpu.wait_dma2 semaphore(%arg9 : memref<!tpu.dma_semaphore, #tpu.memory_space<semaphore_mem>>) src(%arg5 : memref<65536xf32, #tpu.memory_space<vmem>>) dst(%dma_wait3A_2253 : memref<65536xf32, #tpu.memory_space<hbm>>)
    %dma_wait3A_2254 = arith.constant 0 : i32
    %dma_wait3A_2255 = tpu.memref_slice %arg3[%dma_wait3A_2254] : memref<62914560xf32, #tpu.memory_space<hbm>> -> memref<65536xf32, #tpu.memory_space<hbm>>
    %dma_wait3A_2256 = arith.constant 0 : i32
    %dma_wait3A_2257 = tpu.memref_slice %arg3[%dma_wait3A_2256] : memref<62914560xf32, #tpu.memory_space<hbm>> -> memref<65536xf32, #tpu.memory_space<hbm>>
    tpu.wait_dma2 semaphore(%arg9 : memref<!tpu.dma_semaphore, #tpu.memory_space<semaphore_mem>>) src(%arg5 : memref<65536xf32, #tpu.memory_space<vmem>>) dst(%dma_wait3A_2257 : memref<65536xf32, #tpu.memory_space<hbm>>)
    %mul3A_2258 = arith.constant 2 : i32
    %mul3A_2259 = arith.muli %mul3A_2258, %add3A : i32
    %add3A_2260 = arith.constant 1 : i32
    %add3A_2261 = arith.addi %mul3A_2259, %add3A_2260 : i32
    %jit3A_2262 = arith.constant 16 : i32
    %div3A_2263 = arith.divsi %add3A_2261, %jit3A_2262 : i32
    %sign3A_2264 = arith.constant 0 : i32
    %sign3A_2265 = arith.cmpi sgt, %add3A_2261, %sign3A_2264 : i32
    %sign3A_2266 = arith.extui %sign3A_2265 : i1 to i32
    %sign3A_2267 = arith.constant 0 : i32
    %sign3A_2268 = arith.cmpi slt, %add3A_2261, %sign3A_2267 : i32
    %sign3A_2269 = arith.extui %sign3A_2268 : i1 to i32
    %sign3A_2270 = arith.subi %sign3A_2266, %sign3A_2269 : i32
    %sign3A_2271 = arith.constant 0 : i32
    %sign3A_2272 = arith.cmpi sgt, %jit3A_2262, %sign3A_2271 : i32
    %sign3A_2273 = arith.extui %sign3A_2272 : i1 to i32
    %sign3A_2274 = arith.constant 0 : i32
    %sign3A_2275 = arith.cmpi slt, %jit3A_2262, %sign3A_2274 : i32
    %sign3A_2276 = arith.extui %sign3A_2275 : i1 to i32
    %sign3A_2277 = arith.subi %sign3A_2273, %sign3A_2276 : i32
    %ne3A_2278 = arith.cmpi ne, %sign3A_2270, %sign3A_2277 : i32
    %rem3A_2279 = arith.remsi %add3A_2261, %jit3A_2262 : i32
    %ne3A_2280 = arith.constant 0 : i32
    %ne3A_2281 = arith.cmpi ne, %rem3A_2279, %ne3A_2280 : i32
    %and3A_2282 = arith.andi %ne3A_2278, %ne3A_2281 : i1
    %sub3A_2283 = arith.constant 1 : i32
    %sub3A_2284 = arith.subi %div3A_2263, %sub3A_2283 : i32
    %select_n3A_2285 = arith.select %and3A_2282, %sub3A_2284, %div3A_2263 : i32
    %jit3A_2286 = arith.constant 16 : i32
    %eq3A_2287 = arith.constant 0 : i32
    %eq3A_2288 = arith.cmpi eq, %jit3A_2286, %eq3A_2287 : i32
    %jit3A_2289 = arith.constant 1 : i32
    %select_n3A_2290 = arith.select %eq3A_2288, %jit3A_2289, %jit3A_2286 : i32
    %rem3A_2291 = arith.remsi %add3A_2261, %select_n3A_2290 : i32
    %ne3A_2292 = arith.constant 0 : i32
    %ne3A_2293 = arith.cmpi ne, %rem3A_2291, %ne3A_2292 : i32
    %lt3A_2294 = arith.constant 0 : i32
    %lt3A_2295 = arith.cmpi slt, %rem3A_2291, %lt3A_2294 : i32
    %lt3A_2296 = arith.constant 0 : i32
    %lt3A_2297 = arith.cmpi slt, %select_n3A_2290, %lt3A_2296 : i32
    %ne3A_2298 = arith.xori %lt3A_2295, %lt3A_2297 : i1
    %and3A_2299 = arith.andi %ne3A_2298, %ne3A_2293 : i1
    %add3A_2300 = arith.addi %rem3A_2291, %select_n3A_2290 : i32
    %select_n3A_2301 = arith.select %and3A_2299, %add3A_2300, %rem3A_2291 : i32
    %mul3A_2302 = arith.constant 16 : i32
    %mul3A_2303 = arith.muli %select_n3A_2285, %mul3A_2302 : i32
    %add3A_2304 = arith.addi %mul3A_2303, %select_n3A_2301 : i32
    %mul3A_2305 = arith.constant 4 : i32
    %mul3A_2306 = arith.muli %add3A_2304, %mul3A_2305 : i32
    %add3A_2307 = arith.constant 1 : i32
    %add3A_2308 = arith.addi %mul3A_2306, %add3A_2307 : i32
    %mul3A_2309 = arith.constant 65536 : i32
    %mul3A_2310 = arith.muli %add3A_2308, %mul3A_2309 : i32
    %lt3A_2311 = arith.constant 9 : i32
    %lt3A_2312 = arith.cmpi slt, %select_n3A_2301, %lt3A_2311 : i32
    %mul3A_2313 = arith.constant 3 : i32
    %mul3A_2314 = arith.muli %mul3A_2313, %select_n3A_2301 : i32
    %sub3A_2315 = arith.constant 16 : i32
    %sub3A_2316 = arith.subi %mul3A_2314, %sub3A_2315 : i32
    %select_n3A_2317 = arith.select %lt3A_2312, %select_n3A_2301, %sub3A_2316 : i32
    %lt3A_2318 = arith.constant 9 : i32
    %lt3A_2319 = arith.cmpi slt, %select_n3A_2301, %lt3A_2318 : i32
    %jit3A_2320 = arith.constant 3 : i32
    %eq3A_2321 = arith.constant 0 : i32
    %eq3A_2322 = arith.cmpi eq, %jit3A_2320, %eq3A_2321 : i32
    %jit3A_2323 = arith.constant 1 : i32
    %select_n3A_2324 = arith.select %eq3A_2322, %jit3A_2323, %jit3A_2320 : i32
    %rem3A_2325 = arith.remsi %select_n3A_2301, %select_n3A_2324 : i32
    %ne3A_2326 = arith.constant 0 : i32
    %ne3A_2327 = arith.cmpi ne, %rem3A_2325, %ne3A_2326 : i32
    %lt3A_2328 = arith.constant 0 : i32
    %lt3A_2329 = arith.cmpi slt, %rem3A_2325, %lt3A_2328 : i32
    %lt3A_2330 = arith.constant 0 : i32
    %lt3A_2331 = arith.cmpi slt, %select_n3A_2324, %lt3A_2330 : i32
    %ne3A_2332 = arith.xori %lt3A_2329, %lt3A_2331 : i1
    %and3A_2333 = arith.andi %ne3A_2332, %ne3A_2327 : i1
    %add3A_2334 = arith.addi %rem3A_2325, %select_n3A_2324 : i32
    %select_n3A_2335 = arith.select %and3A_2333, %add3A_2334, %rem3A_2325 : i32
    %mul3A_2336 = arith.constant 3 : i32
    %mul3A_2337 = arith.muli %mul3A_2336, %select_n3A_2335 : i32
    %add3A_2338 = arith.constant 30 : i32
    %add3A_2339 = arith.addi %add3A_2338, %mul3A_2337 : i32
    %jit3A_2340 = arith.constant 3 : i32
    %div3A_2341 = arith.divsi %select_n3A_2301, %jit3A_2340 : i32
    %sign3A_2342 = arith.constant 0 : i32
    %sign3A_2343 = arith.cmpi sgt, %select_n3A_2301, %sign3A_2342 : i32
    %sign3A_2344 = arith.extui %sign3A_2343 : i1 to i32
    %sign3A_2345 = arith.constant 0 : i32
    %sign3A_2346 = arith.cmpi slt, %select_n3A_2301, %sign3A_2345 : i32
    %sign3A_2347 = arith.extui %sign3A_2346 : i1 to i32
    %sign3A_2348 = arith.subi %sign3A_2344, %sign3A_2347 : i32
    %sign3A_2349 = arith.constant 0 : i32
    %sign3A_2350 = arith.cmpi sgt, %jit3A_2340, %sign3A_2349 : i32
    %sign3A_2351 = arith.extui %sign3A_2350 : i1 to i32
    %sign3A_2352 = arith.constant 0 : i32
    %sign3A_2353 = arith.cmpi slt, %jit3A_2340, %sign3A_2352 : i32
    %sign3A_2354 = arith.extui %sign3A_2353 : i1 to i32
    %sign3A_2355 = arith.subi %sign3A_2351, %sign3A_2354 : i32
    %ne3A_2356 = arith.cmpi ne, %sign3A_2348, %sign3A_2355 : i32
    %rem3A_2357 = arith.remsi %select_n3A_2301, %jit3A_2340 : i32
    %ne3A_2358 = arith.constant 0 : i32
    %ne3A_2359 = arith.cmpi ne, %rem3A_2357, %ne3A_2358 : i32
    %and3A_2360 = arith.andi %ne3A_2356, %ne3A_2359 : i1
    %sub3A_2361 = arith.constant 1 : i32
    %sub3A_2362 = arith.subi %div3A_2341, %sub3A_2361 : i32
    %select_n3A_2363 = arith.select %and3A_2360, %sub3A_2362, %div3A_2341 : i32
    %add3A_2364 = arith.addi %add3A_2339, %select_n3A_2363 : i32
    %mul3A_2365 = arith.constant 3 : i32
    %mul3A_2366 = arith.muli %mul3A_2365, %select_n3A_2301 : i32
    %add3A_2367 = arith.constant 14 : i32
    %add3A_2368 = arith.addi %mul3A_2366, %add3A_2367 : i32
    %select_n3A_2369 = arith.select %lt3A_2319, %add3A_2364, %add3A_2368 : i32
    %mul3A_2370 = arith.constant 60 : i32
    %mul3A_2371 = arith.muli %select_n3A_2285, %mul3A_2370 : i32
    %add3A_2372 = arith.addi %mul3A_2371, %select_n3A_2317 : i32
    %mul3A_2373 = arith.constant 4 : i32
    %mul3A_2374 = arith.muli %add3A_2372, %mul3A_2373 : i32
    %add3A_2375 = arith.constant 1 : i32
    %add3A_2376 = arith.addi %mul3A_2374, %add3A_2375 : i32
    %mul3A_2377 = arith.constant 65536 : i32
    %mul3A_2378 = arith.muli %add3A_2376, %mul3A_2377 : i32
    %mul3A_2379 = arith.constant 60 : i32
    %mul3A_2380 = arith.muli %select_n3A_2285, %mul3A_2379 : i32
    %add3A_2381 = arith.addi %mul3A_2380, %select_n3A_2369 : i32
    %mul3A_2382 = arith.constant 4 : i32
    %mul3A_2383 = arith.muli %add3A_2381, %mul3A_2382 : i32
    %add3A_2384 = arith.constant 1 : i32
    %add3A_2385 = arith.addi %mul3A_2383, %add3A_2384 : i32
    %mul3A_2386 = arith.constant 65536 : i32
    %mul3A_2387 = arith.muli %add3A_2385, %mul3A_2386 : i32
    %multiple_of3A_2388 = tpu.assume_multiple %mul3A_2310, 65536 : i32
    %dma_start3A_2389 = tpu.memref_slice %arg2[%multiple_of3A_2388] : memref<16777216xf32, #tpu.memory_space<hbm>> -> memref<65536xf32, #tpu.memory_space<hbm>>
    %dma_start3A_2390 = tpu.memref_slice %arg2[%multiple_of3A_2388] : memref<16777216xf32, #tpu.memory_space<hbm>> -> memref<65536xf32, #tpu.memory_space<hbm>>
    tpu.enqueue_dma source(%dma_start3A_2390 : memref<65536xf32, #tpu.memory_space<hbm>>) target(%arg5 : memref<65536xf32, #tpu.memory_space<vmem>>) target_semaphore(%arg7 : memref<!tpu.dma_semaphore, #tpu.memory_space<semaphore_mem>>)
    %dma_wait3A_2391 = arith.constant 0 : i32
    %dma_wait3A_2392 = tpu.memref_slice %arg2[%dma_wait3A_2391] : memref<16777216xf32, #tpu.memory_space<hbm>> -> memref<65536xf32, #tpu.memory_space<hbm>>
    %dma_wait3A_2393 = arith.constant 0 : i32
    %dma_wait3A_2394 = tpu.memref_slice %arg2[%dma_wait3A_2393] : memref<16777216xf32, #tpu.memory_space<hbm>> -> memref<65536xf32, #tpu.memory_space<hbm>>
    tpu.wait_dma2 semaphore(%arg7 : memref<!tpu.dma_semaphore, #tpu.memory_space<semaphore_mem>>) src(%dma_wait3A_2394 : memref<65536xf32, #tpu.memory_space<hbm>>) dst(%arg5 : memref<65536xf32, #tpu.memory_space<vmem>>)
    %mul3A_2395 = arith.constant 2 : i32
    %mul3A_2396 = arith.muli %mul3A_2395, %add3A : i32
    %add3A_2397 = arith.constant 1 : i32
    %add3A_2398 = arith.addi %mul3A_2396, %add3A_2397 : i32
    %jit3A_2399 = arith.constant 16 : i32
    %div3A_2400 = arith.divsi %add3A_2398, %jit3A_2399 : i32
    %sign3A_2401 = arith.constant 0 : i32
    %sign3A_2402 = arith.cmpi sgt, %add3A_2398, %sign3A_2401 : i32
    %sign3A_2403 = arith.extui %sign3A_2402 : i1 to i32
    %sign3A_2404 = arith.constant 0 : i32
    %sign3A_2405 = arith.cmpi slt, %add3A_2398, %sign3A_2404 : i32
    %sign3A_2406 = arith.extui %sign3A_2405 : i1 to i32
    %sign3A_2407 = arith.subi %sign3A_2403, %sign3A_2406 : i32
    %sign3A_2408 = arith.constant 0 : i32
    %sign3A_2409 = arith.cmpi sgt, %jit3A_2399, %sign3A_2408 : i32
    %sign3A_2410 = arith.extui %sign3A_2409 : i1 to i32
    %sign3A_2411 = arith.constant 0 : i32
    %sign3A_2412 = arith.cmpi slt, %jit3A_2399, %sign3A_2411 : i32
    %sign3A_2413 = arith.extui %sign3A_2412 : i1 to i32
    %sign3A_2414 = arith.subi %sign3A_2410, %sign3A_2413 : i32
    %ne3A_2415 = arith.cmpi ne, %sign3A_2407, %sign3A_2414 : i32
    %rem3A_2416 = arith.remsi %add3A_2398, %jit3A_2399 : i32
    %ne3A_2417 = arith.constant 0 : i32
    %ne3A_2418 = arith.cmpi ne, %rem3A_2416, %ne3A_2417 : i32
    %and3A_2419 = arith.andi %ne3A_2415, %ne3A_2418 : i1
    %sub3A_2420 = arith.constant 1 : i32
    %sub3A_2421 = arith.subi %div3A_2400, %sub3A_2420 : i32
    %select_n3A_2422 = arith.select %and3A_2419, %sub3A_2421, %div3A_2400 : i32
    %jit3A_2423 = arith.constant 16 : i32
    %eq3A_2424 = arith.constant 0 : i32
    %eq3A_2425 = arith.cmpi eq, %jit3A_2423, %eq3A_2424 : i32
    %jit3A_2426 = arith.constant 1 : i32
    %select_n3A_2427 = arith.select %eq3A_2425, %jit3A_2426, %jit3A_2423 : i32
    %rem3A_2428 = arith.remsi %add3A_2398, %select_n3A_2427 : i32
    %ne3A_2429 = arith.constant 0 : i32
    %ne3A_2430 = arith.cmpi ne, %rem3A_2428, %ne3A_2429 : i32
    %lt3A_2431 = arith.constant 0 : i32
    %lt3A_2432 = arith.cmpi slt, %rem3A_2428, %lt3A_2431 : i32
    %lt3A_2433 = arith.constant 0 : i32
    %lt3A_2434 = arith.cmpi slt, %select_n3A_2427, %lt3A_2433 : i32
    %ne3A_2435 = arith.xori %lt3A_2432, %lt3A_2434 : i1
    %and3A_2436 = arith.andi %ne3A_2435, %ne3A_2430 : i1
    %add3A_2437 = arith.addi %rem3A_2428, %select_n3A_2427 : i32
    %select_n3A_2438 = arith.select %and3A_2436, %add3A_2437, %rem3A_2428 : i32
    %mul3A_2439 = arith.constant 16 : i32
    %mul3A_2440 = arith.muli %select_n3A_2422, %mul3A_2439 : i32
    %add3A_2441 = arith.addi %mul3A_2440, %select_n3A_2438 : i32
    %mul3A_2442 = arith.constant 4 : i32
    %mul3A_2443 = arith.muli %add3A_2441, %mul3A_2442 : i32
    %add3A_2444 = arith.constant 1 : i32
    %add3A_2445 = arith.addi %mul3A_2443, %add3A_2444 : i32
    %mul3A_2446 = arith.constant 65536 : i32
    %mul3A_2447 = arith.muli %add3A_2445, %mul3A_2446 : i32
    %lt3A_2448 = arith.constant 9 : i32
    %lt3A_2449 = arith.cmpi slt, %select_n3A_2438, %lt3A_2448 : i32
    %mul3A_2450 = arith.constant 3 : i32
    %mul3A_2451 = arith.muli %mul3A_2450, %select_n3A_2438 : i32
    %sub3A_2452 = arith.constant 16 : i32
    %sub3A_2453 = arith.subi %mul3A_2451, %sub3A_2452 : i32
    %select_n3A_2454 = arith.select %lt3A_2449, %select_n3A_2438, %sub3A_2453 : i32
    %lt3A_2455 = arith.constant 9 : i32
    %lt3A_2456 = arith.cmpi slt, %select_n3A_2438, %lt3A_2455 : i32
    %jit3A_2457 = arith.constant 3 : i32
    %eq3A_2458 = arith.constant 0 : i32
    %eq3A_2459 = arith.cmpi eq, %jit3A_2457, %eq3A_2458 : i32
    %jit3A_2460 = arith.constant 1 : i32
    %select_n3A_2461 = arith.select %eq3A_2459, %jit3A_2460, %jit3A_2457 : i32
    %rem3A_2462 = arith.remsi %select_n3A_2438, %select_n3A_2461 : i32
    %ne3A_2463 = arith.constant 0 : i32
    %ne3A_2464 = arith.cmpi ne, %rem3A_2462, %ne3A_2463 : i32
    %lt3A_2465 = arith.constant 0 : i32
    %lt3A_2466 = arith.cmpi slt, %rem3A_2462, %lt3A_2465 : i32
    %lt3A_2467 = arith.constant 0 : i32
    %lt3A_2468 = arith.cmpi slt, %select_n3A_2461, %lt3A_2467 : i32
    %ne3A_2469 = arith.xori %lt3A_2466, %lt3A_2468 : i1
    %and3A_2470 = arith.andi %ne3A_2469, %ne3A_2464 : i1
    %add3A_2471 = arith.addi %rem3A_2462, %select_n3A_2461 : i32
    %select_n3A_2472 = arith.select %and3A_2470, %add3A_2471, %rem3A_2462 : i32
    %mul3A_2473 = arith.constant 3 : i32
    %mul3A_2474 = arith.muli %mul3A_2473, %select_n3A_2472 : i32
    %add3A_2475 = arith.constant 30 : i32
    %add3A_2476 = arith.addi %add3A_2475, %mul3A_2474 : i32
    %jit3A_2477 = arith.constant 3 : i32
    %div3A_2478 = arith.divsi %select_n3A_2438, %jit3A_2477 : i32
    %sign3A_2479 = arith.constant 0 : i32
    %sign3A_2480 = arith.cmpi sgt, %select_n3A_2438, %sign3A_2479 : i32
    %sign3A_2481 = arith.extui %sign3A_2480 : i1 to i32
    %sign3A_2482 = arith.constant 0 : i32
    %sign3A_2483 = arith.cmpi slt, %select_n3A_2438, %sign3A_2482 : i32
    %sign3A_2484 = arith.extui %sign3A_2483 : i1 to i32
    %sign3A_2485 = arith.subi %sign3A_2481, %sign3A_2484 : i32
    %sign3A_2486 = arith.constant 0 : i32
    %sign3A_2487 = arith.cmpi sgt, %jit3A_2477, %sign3A_2486 : i32
    %sign3A_2488 = arith.extui %sign3A_2487 : i1 to i32
    %sign3A_2489 = arith.constant 0 : i32
    %sign3A_2490 = arith.cmpi slt, %jit3A_2477, %sign3A_2489 : i32
    %sign3A_2491 = arith.extui %sign3A_2490 : i1 to i32
    %sign3A_2492 = arith.subi %sign3A_2488, %sign3A_2491 : i32
    %ne3A_2493 = arith.cmpi ne, %sign3A_2485, %sign3A_2492 : i32
    %rem3A_2494 = arith.remsi %select_n3A_2438, %jit3A_2477 : i32
    %ne3A_2495 = arith.constant 0 : i32
    %ne3A_2496 = arith.cmpi ne, %rem3A_2494, %ne3A_2495 : i32
    %and3A_2497 = arith.andi %ne3A_2493, %ne3A_2496 : i1
    %sub3A_2498 = arith.constant 1 : i32
    %sub3A_2499 = arith.subi %div3A_2478, %sub3A_2498 : i32
    %select_n3A_2500 = arith.select %and3A_2497, %sub3A_2499, %div3A_2478 : i32
    %add3A_2501 = arith.addi %add3A_2476, %select_n3A_2500 : i32
    %mul3A_2502 = arith.constant 3 : i32
    %mul3A_2503 = arith.muli %mul3A_2502, %select_n3A_2438 : i32
    %add3A_2504 = arith.constant 14 : i32
    %add3A_2505 = arith.addi %mul3A_2503, %add3A_2504 : i32
    %select_n3A_2506 = arith.select %lt3A_2456, %add3A_2501, %add3A_2505 : i32
    %mul3A_2507 = arith.constant 60 : i32
    %mul3A_2508 = arith.muli %select_n3A_2422, %mul3A_2507 : i32
    %add3A_2509 = arith.addi %mul3A_2508, %select_n3A_2454 : i32
    %mul3A_2510 = arith.constant 4 : i32
    %mul3A_2511 = arith.muli %add3A_2509, %mul3A_2510 : i32
    %add3A_2512 = arith.constant 1 : i32
    %add3A_2513 = arith.addi %mul3A_2511, %add3A_2512 : i32
    %mul3A_2514 = arith.constant 65536 : i32
    %mul3A_2515 = arith.muli %add3A_2513, %mul3A_2514 : i32
    %mul3A_2516 = arith.constant 60 : i32
    %mul3A_2517 = arith.muli %select_n3A_2422, %mul3A_2516 : i32
    %add3A_2518 = arith.addi %mul3A_2517, %select_n3A_2506 : i32
    %mul3A_2519 = arith.constant 4 : i32
    %mul3A_2520 = arith.muli %add3A_2518, %mul3A_2519 : i32
    %add3A_2521 = arith.constant 1 : i32
    %add3A_2522 = arith.addi %mul3A_2520, %add3A_2521 : i32
    %mul3A_2523 = arith.constant 65536 : i32
    %mul3A_2524 = arith.muli %add3A_2522, %mul3A_2523 : i32
    %multiple_of3A_2525 = tpu.assume_multiple %mul3A_2515, 65536 : i32
    %dma_start3A_2526 = tpu.memref_slice %arg3[%multiple_of3A_2525] : memref<62914560xf32, #tpu.memory_space<hbm>> -> memref<65536xf32, #tpu.memory_space<hbm>>
    %dma_start3A_2527 = tpu.memref_slice %arg3[%multiple_of3A_2525] : memref<62914560xf32, #tpu.memory_space<hbm>> -> memref<65536xf32, #tpu.memory_space<hbm>>
    tpu.enqueue_dma source(%arg5 : memref<65536xf32, #tpu.memory_space<vmem>>) target(%dma_start3A_2527 : memref<65536xf32, #tpu.memory_space<hbm>>) target_semaphore(%arg9 : memref<!tpu.dma_semaphore, #tpu.memory_space<semaphore_mem>>)
    %multiple_of3A_2528 = tpu.assume_multiple %mul3A_2524, 65536 : i32
    %dma_start3A_2529 = tpu.memref_slice %arg3[%multiple_of3A_2528] : memref<62914560xf32, #tpu.memory_space<hbm>> -> memref<65536xf32, #tpu.memory_space<hbm>>
    %dma_start3A_2530 = tpu.memref_slice %arg3[%multiple_of3A_2528] : memref<62914560xf32, #tpu.memory_space<hbm>> -> memref<65536xf32, #tpu.memory_space<hbm>>
    tpu.enqueue_dma source(%arg5 : memref<65536xf32, #tpu.memory_space<vmem>>) target(%dma_start3A_2530 : memref<65536xf32, #tpu.memory_space<hbm>>) target_semaphore(%arg9 : memref<!tpu.dma_semaphore, #tpu.memory_space<semaphore_mem>>)
    %dma_wait3A_2531 = arith.constant 0 : i32
    %dma_wait3A_2532 = tpu.memref_slice %arg3[%dma_wait3A_2531] : memref<62914560xf32, #tpu.memory_space<hbm>> -> memref<65536xf32, #tpu.memory_space<hbm>>
    %dma_wait3A_2533 = arith.constant 0 : i32
    %dma_wait3A_2534 = tpu.memref_slice %arg4[%arg1, %dma_wait3A_2533] : memref<16x65536xf32, #tpu.memory_space<vmem_shared>> -> memref<1x65536xf32, #tpu.memory_space<vmem_shared>>
    %dma_wait3A_2535 = tpu.memref_squeeze %dma_wait3A_2534 : memref<1x65536xf32, #tpu.memory_space<vmem_shared>> -> memref<65536xf32, #tpu.memory_space<vmem_shared>>
    tpu.wait_dma2 semaphore(%arg8 : memref<!tpu.dma_semaphore, #tpu.memory_space<semaphore_mem>>) src(%dma_wait3A_2535 : memref<65536xf32, #tpu.memory_space<vmem_shared>>) dst(%dma_wait3A_2532 : memref<65536xf32, #tpu.memory_space<hbm>>)
    %dma_wait3A_2536 = arith.constant 0 : i32
    %dma_wait3A_2537 = tpu.memref_slice %arg3[%dma_wait3A_2536] : memref<62914560xf32, #tpu.memory_space<hbm>> -> memref<65536xf32, #tpu.memory_space<hbm>>
    %dma_wait3A_2538 = arith.constant 0 : i32
    %dma_wait3A_2539 = tpu.memref_slice %arg4[%arg1, %dma_wait3A_2538] : memref<16x65536xf32, #tpu.memory_space<vmem_shared>> -> memref<1x65536xf32, #tpu.memory_space<vmem_shared>>
    %dma_wait3A_2540 = tpu.memref_squeeze %dma_wait3A_2539 : memref<1x65536xf32, #tpu.memory_space<vmem_shared>> -> memref<65536xf32, #tpu.memory_space<vmem_shared>>
    tpu.wait_dma2 semaphore(%arg8 : memref<!tpu.dma_semaphore, #tpu.memory_space<semaphore_mem>>) src(%dma_wait3A_2540 : memref<65536xf32, #tpu.memory_space<vmem_shared>>) dst(%dma_wait3A_2537 : memref<65536xf32, #tpu.memory_space<hbm>>)
    %mul3A_2541 = arith.constant 2 : i32
    %mul3A_2542 = arith.muli %mul3A_2541, %add3A : i32
    %add3A_2543 = arith.constant 1 : i32
    %add3A_2544 = arith.addi %mul3A_2542, %add3A_2543 : i32
    %jit3A_2545 = arith.constant 16 : i32
    %div3A_2546 = arith.divsi %add3A_2544, %jit3A_2545 : i32
    %sign3A_2547 = arith.constant 0 : i32
    %sign3A_2548 = arith.cmpi sgt, %add3A_2544, %sign3A_2547 : i32
    %sign3A_2549 = arith.extui %sign3A_2548 : i1 to i32
    %sign3A_2550 = arith.constant 0 : i32
    %sign3A_2551 = arith.cmpi slt, %add3A_2544, %sign3A_2550 : i32
    %sign3A_2552 = arith.extui %sign3A_2551 : i1 to i32
    %sign3A_2553 = arith.subi %sign3A_2549, %sign3A_2552 : i32
    %sign3A_2554 = arith.constant 0 : i32
    %sign3A_2555 = arith.cmpi sgt, %jit3A_2545, %sign3A_2554 : i32
    %sign3A_2556 = arith.extui %sign3A_2555 : i1 to i32
    %sign3A_2557 = arith.constant 0 : i32
    %sign3A_2558 = arith.cmpi slt, %jit3A_2545, %sign3A_2557 : i32
    %sign3A_2559 = arith.extui %sign3A_2558 : i1 to i32
    %sign3A_2560 = arith.subi %sign3A_2556, %sign3A_2559 : i32
    %ne3A_2561 = arith.cmpi ne, %sign3A_2553, %sign3A_2560 : i32
    %rem3A_2562 = arith.remsi %add3A_2544, %jit3A_2545 : i32
    %ne3A_2563 = arith.constant 0 : i32
    %ne3A_2564 = arith.cmpi ne, %rem3A_2562, %ne3A_2563 : i32
    %and3A_2565 = arith.andi %ne3A_2561, %ne3A_2564 : i1
    %sub3A_2566 = arith.constant 1 : i32
    %sub3A_2567 = arith.subi %div3A_2546, %sub3A_2566 : i32
    %select_n3A_2568 = arith.select %and3A_2565, %sub3A_2567, %div3A_2546 : i32
    %jit3A_2569 = arith.constant 16 : i32
    %eq3A_2570 = arith.constant 0 : i32
    %eq3A_2571 = arith.cmpi eq, %jit3A_2569, %eq3A_2570 : i32
    %jit3A_2572 = arith.constant 1 : i32
    %select_n3A_2573 = arith.select %eq3A_2571, %jit3A_2572, %jit3A_2569 : i32
    %rem3A_2574 = arith.remsi %add3A_2544, %select_n3A_2573 : i32
    %ne3A_2575 = arith.constant 0 : i32
    %ne3A_2576 = arith.cmpi ne, %rem3A_2574, %ne3A_2575 : i32
    %lt3A_2577 = arith.constant 0 : i32
    %lt3A_2578 = arith.cmpi slt, %rem3A_2574, %lt3A_2577 : i32
    %lt3A_2579 = arith.constant 0 : i32
    %lt3A_2580 = arith.cmpi slt, %select_n3A_2573, %lt3A_2579 : i32
    %ne3A_2581 = arith.xori %lt3A_2578, %lt3A_2580 : i1
    %and3A_2582 = arith.andi %ne3A_2581, %ne3A_2576 : i1
    %add3A_2583 = arith.addi %rem3A_2574, %select_n3A_2573 : i32
    %select_n3A_2584 = arith.select %and3A_2582, %add3A_2583, %rem3A_2574 : i32
    %mul3A_2585 = arith.constant 16 : i32
    %mul3A_2586 = arith.muli %select_n3A_2568, %mul3A_2585 : i32
    %add3A_2587 = arith.addi %mul3A_2586, %select_n3A_2584 : i32
    %mul3A_2588 = arith.constant 4 : i32
    %mul3A_2589 = arith.muli %add3A_2587, %mul3A_2588 : i32
    %add3A_2590 = arith.constant 2 : i32
    %add3A_2591 = arith.addi %mul3A_2589, %add3A_2590 : i32
    %mul3A_2592 = arith.constant 65536 : i32
    %mul3A_2593 = arith.muli %add3A_2591, %mul3A_2592 : i32
    %lt3A_2594 = arith.constant 9 : i32
    %lt3A_2595 = arith.cmpi slt, %select_n3A_2584, %lt3A_2594 : i32
    %mul3A_2596 = arith.constant 3 : i32
    %mul3A_2597 = arith.muli %mul3A_2596, %select_n3A_2584 : i32
    %sub3A_2598 = arith.constant 16 : i32
    %sub3A_2599 = arith.subi %mul3A_2597, %sub3A_2598 : i32
    %select_n3A_2600 = arith.select %lt3A_2595, %select_n3A_2584, %sub3A_2599 : i32
    %lt3A_2601 = arith.constant 9 : i32
    %lt3A_2602 = arith.cmpi slt, %select_n3A_2584, %lt3A_2601 : i32
    %jit3A_2603 = arith.constant 3 : i32
    %eq3A_2604 = arith.constant 0 : i32
    %eq3A_2605 = arith.cmpi eq, %jit3A_2603, %eq3A_2604 : i32
    %jit3A_2606 = arith.constant 1 : i32
    %select_n3A_2607 = arith.select %eq3A_2605, %jit3A_2606, %jit3A_2603 : i32
    %rem3A_2608 = arith.remsi %select_n3A_2584, %select_n3A_2607 : i32
    %ne3A_2609 = arith.constant 0 : i32
    %ne3A_2610 = arith.cmpi ne, %rem3A_2608, %ne3A_2609 : i32
    %lt3A_2611 = arith.constant 0 : i32
    %lt3A_2612 = arith.cmpi slt, %rem3A_2608, %lt3A_2611 : i32
    %lt3A_2613 = arith.constant 0 : i32
    %lt3A_2614 = arith.cmpi slt, %select_n3A_2607, %lt3A_2613 : i32
    %ne3A_2615 = arith.xori %lt3A_2612, %lt3A_2614 : i1
    %and3A_2616 = arith.andi %ne3A_2615, %ne3A_2610 : i1
    %add3A_2617 = arith.addi %rem3A_2608, %select_n3A_2607 : i32
    %select_n3A_2618 = arith.select %and3A_2616, %add3A_2617, %rem3A_2608 : i32
    %mul3A_2619 = arith.constant 3 : i32
    %mul3A_2620 = arith.muli %mul3A_2619, %select_n3A_2618 : i32
    %add3A_2621 = arith.constant 30 : i32
    %add3A_2622 = arith.addi %add3A_2621, %mul3A_2620 : i32
    %jit3A_2623 = arith.constant 3 : i32
    %div3A_2624 = arith.divsi %select_n3A_2584, %jit3A_2623 : i32
    %sign3A_2625 = arith.constant 0 : i32
    %sign3A_2626 = arith.cmpi sgt, %select_n3A_2584, %sign3A_2625 : i32
    %sign3A_2627 = arith.extui %sign3A_2626 : i1 to i32
    %sign3A_2628 = arith.constant 0 : i32
    %sign3A_2629 = arith.cmpi slt, %select_n3A_2584, %sign3A_2628 : i32
    %sign3A_2630 = arith.extui %sign3A_2629 : i1 to i32
    %sign3A_2631 = arith.subi %sign3A_2627, %sign3A_2630 : i32
    %sign3A_2632 = arith.constant 0 : i32
    %sign3A_2633 = arith.cmpi sgt, %jit3A_2623, %sign3A_2632 : i32
    %sign3A_2634 = arith.extui %sign3A_2633 : i1 to i32
    %sign3A_2635 = arith.constant 0 : i32
    %sign3A_2636 = arith.cmpi slt, %jit3A_2623, %sign3A_2635 : i32
    %sign3A_2637 = arith.extui %sign3A_2636 : i1 to i32
    %sign3A_2638 = arith.subi %sign3A_2634, %sign3A_2637 : i32
    %ne3A_2639 = arith.cmpi ne, %sign3A_2631, %sign3A_2638 : i32
    %rem3A_2640 = arith.remsi %select_n3A_2584, %jit3A_2623 : i32
    %ne3A_2641 = arith.constant 0 : i32
    %ne3A_2642 = arith.cmpi ne, %rem3A_2640, %ne3A_2641 : i32
    %and3A_2643 = arith.andi %ne3A_2639, %ne3A_2642 : i1
    %sub3A_2644 = arith.constant 1 : i32
    %sub3A_2645 = arith.subi %div3A_2624, %sub3A_2644 : i32
    %select_n3A_2646 = arith.select %and3A_2643, %sub3A_2645, %div3A_2624 : i32
    %add3A_2647 = arith.addi %add3A_2622, %select_n3A_2646 : i32
    %mul3A_2648 = arith.constant 3 : i32
    %mul3A_2649 = arith.muli %mul3A_2648, %select_n3A_2584 : i32
    %add3A_2650 = arith.constant 14 : i32
    %add3A_2651 = arith.addi %mul3A_2649, %add3A_2650 : i32
    %select_n3A_2652 = arith.select %lt3A_2602, %add3A_2647, %add3A_2651 : i32
    %mul3A_2653 = arith.constant 60 : i32
    %mul3A_2654 = arith.muli %select_n3A_2568, %mul3A_2653 : i32
    %add3A_2655 = arith.addi %mul3A_2654, %select_n3A_2600 : i32
    %mul3A_2656 = arith.constant 4 : i32
    %mul3A_2657 = arith.muli %add3A_2655, %mul3A_2656 : i32
    %add3A_2658 = arith.constant 2 : i32
    %add3A_2659 = arith.addi %mul3A_2657, %add3A_2658 : i32
    %mul3A_2660 = arith.constant 65536 : i32
    %mul3A_2661 = arith.muli %add3A_2659, %mul3A_2660 : i32
    %mul3A_2662 = arith.constant 60 : i32
    %mul3A_2663 = arith.muli %select_n3A_2568, %mul3A_2662 : i32
    %add3A_2664 = arith.addi %mul3A_2663, %select_n3A_2652 : i32
    %mul3A_2665 = arith.constant 4 : i32
    %mul3A_2666 = arith.muli %add3A_2664, %mul3A_2665 : i32
    %add3A_2667 = arith.constant 2 : i32
    %add3A_2668 = arith.addi %mul3A_2666, %add3A_2667 : i32
    %mul3A_2669 = arith.constant 65536 : i32
    %mul3A_2670 = arith.muli %add3A_2668, %mul3A_2669 : i32
    %multiple_of3A_2671 = tpu.assume_multiple %mul3A_2593, 65536 : i32
    %dma_start3A_2672 = arith.constant 0 : i32
    %dma_start3A_2673 = tpu.memref_slice %arg4[%arg1, %dma_start3A_2672] : memref<16x65536xf32, #tpu.memory_space<vmem_shared>> -> memref<1x65536xf32, #tpu.memory_space<vmem_shared>>
    %dma_start3A_2674 = tpu.memref_squeeze %dma_start3A_2673 : memref<1x65536xf32, #tpu.memory_space<vmem_shared>> -> memref<65536xf32, #tpu.memory_space<vmem_shared>>
    %dma_start3A_2675 = tpu.memref_slice %arg2[%multiple_of3A_2671] : memref<16777216xf32, #tpu.memory_space<hbm>> -> memref<65536xf32, #tpu.memory_space<hbm>>
    tpu.enqueue_dma source(%dma_start3A_2675 : memref<65536xf32, #tpu.memory_space<hbm>>) target(%dma_start3A_2674 : memref<65536xf32, #tpu.memory_space<vmem_shared>>) target_semaphore(%arg6 : memref<!tpu.dma_semaphore, #tpu.memory_space<semaphore_mem>>)
    %dma_wait3A_2676 = arith.constant 0 : i32
    %dma_wait3A_2677 = tpu.memref_slice %arg4[%arg1, %dma_wait3A_2676] : memref<16x65536xf32, #tpu.memory_space<vmem_shared>> -> memref<1x65536xf32, #tpu.memory_space<vmem_shared>>
    %dma_wait3A_2678 = tpu.memref_squeeze %dma_wait3A_2677 : memref<1x65536xf32, #tpu.memory_space<vmem_shared>> -> memref<65536xf32, #tpu.memory_space<vmem_shared>>
    %dma_wait3A_2679 = arith.constant 0 : i32
    %dma_wait3A_2680 = tpu.memref_slice %arg2[%dma_wait3A_2679] : memref<16777216xf32, #tpu.memory_space<hbm>> -> memref<65536xf32, #tpu.memory_space<hbm>>
    tpu.wait_dma2 semaphore(%arg6 : memref<!tpu.dma_semaphore, #tpu.memory_space<semaphore_mem>>) src(%dma_wait3A_2680 : memref<65536xf32, #tpu.memory_space<hbm>>) dst(%dma_wait3A_2678 : memref<65536xf32, #tpu.memory_space<vmem_shared>>)
    %mul3A_2681 = arith.constant 2 : i32
    %mul3A_2682 = arith.muli %mul3A_2681, %add3A : i32
    %add3A_2683 = arith.constant 1 : i32
    %add3A_2684 = arith.addi %mul3A_2682, %add3A_2683 : i32
    %jit3A_2685 = arith.constant 16 : i32
    %div3A_2686 = arith.divsi %add3A_2684, %jit3A_2685 : i32
    %sign3A_2687 = arith.constant 0 : i32
    %sign3A_2688 = arith.cmpi sgt, %add3A_2684, %sign3A_2687 : i32
    %sign3A_2689 = arith.extui %sign3A_2688 : i1 to i32
    %sign3A_2690 = arith.constant 0 : i32
    %sign3A_2691 = arith.cmpi slt, %add3A_2684, %sign3A_2690 : i32
    %sign3A_2692 = arith.extui %sign3A_2691 : i1 to i32
    %sign3A_2693 = arith.subi %sign3A_2689, %sign3A_2692 : i32
    %sign3A_2694 = arith.constant 0 : i32
    %sign3A_2695 = arith.cmpi sgt, %jit3A_2685, %sign3A_2694 : i32
    %sign3A_2696 = arith.extui %sign3A_2695 : i1 to i32
    %sign3A_2697 = arith.constant 0 : i32
    %sign3A_2698 = arith.cmpi slt, %jit3A_2685, %sign3A_2697 : i32
    %sign3A_2699 = arith.extui %sign3A_2698 : i1 to i32
    %sign3A_2700 = arith.subi %sign3A_2696, %sign3A_2699 : i32
    %ne3A_2701 = arith.cmpi ne, %sign3A_2693, %sign3A_2700 : i32
    %rem3A_2702 = arith.remsi %add3A_2684, %jit3A_2685 : i32
    %ne3A_2703 = arith.constant 0 : i32
    %ne3A_2704 = arith.cmpi ne, %rem3A_2702, %ne3A_2703 : i32
    %and3A_2705 = arith.andi %ne3A_2701, %ne3A_2704 : i1
    %sub3A_2706 = arith.constant 1 : i32
    %sub3A_2707 = arith.subi %div3A_2686, %sub3A_2706 : i32
    %select_n3A_2708 = arith.select %and3A_2705, %sub3A_2707, %div3A_2686 : i32
    %jit3A_2709 = arith.constant 16 : i32
    %eq3A_2710 = arith.constant 0 : i32
    %eq3A_2711 = arith.cmpi eq, %jit3A_2709, %eq3A_2710 : i32
    %jit3A_2712 = arith.constant 1 : i32
    %select_n3A_2713 = arith.select %eq3A_2711, %jit3A_2712, %jit3A_2709 : i32
    %rem3A_2714 = arith.remsi %add3A_2684, %select_n3A_2713 : i32
    %ne3A_2715 = arith.constant 0 : i32
    %ne3A_2716 = arith.cmpi ne, %rem3A_2714, %ne3A_2715 : i32
    %lt3A_2717 = arith.constant 0 : i32
    %lt3A_2718 = arith.cmpi slt, %rem3A_2714, %lt3A_2717 : i32
    %lt3A_2719 = arith.constant 0 : i32
    %lt3A_2720 = arith.cmpi slt, %select_n3A_2713, %lt3A_2719 : i32
    %ne3A_2721 = arith.xori %lt3A_2718, %lt3A_2720 : i1
    %and3A_2722 = arith.andi %ne3A_2721, %ne3A_2716 : i1
    %add3A_2723 = arith.addi %rem3A_2714, %select_n3A_2713 : i32
    %select_n3A_2724 = arith.select %and3A_2722, %add3A_2723, %rem3A_2714 : i32
    %mul3A_2725 = arith.constant 16 : i32
    %mul3A_2726 = arith.muli %select_n3A_2708, %mul3A_2725 : i32
    %add3A_2727 = arith.addi %mul3A_2726, %select_n3A_2724 : i32
    %mul3A_2728 = arith.constant 4 : i32
    %mul3A_2729 = arith.muli %add3A_2727, %mul3A_2728 : i32
    %add3A_2730 = arith.constant 2 : i32
    %add3A_2731 = arith.addi %mul3A_2729, %add3A_2730 : i32
    %mul3A_2732 = arith.constant 65536 : i32
    %mul3A_2733 = arith.muli %add3A_2731, %mul3A_2732 : i32
    %lt3A_2734 = arith.constant 9 : i32
    %lt3A_2735 = arith.cmpi slt, %select_n3A_2724, %lt3A_2734 : i32
    %mul3A_2736 = arith.constant 3 : i32
    %mul3A_2737 = arith.muli %mul3A_2736, %select_n3A_2724 : i32
    %sub3A_2738 = arith.constant 16 : i32
    %sub3A_2739 = arith.subi %mul3A_2737, %sub3A_2738 : i32
    %select_n3A_2740 = arith.select %lt3A_2735, %select_n3A_2724, %sub3A_2739 : i32
    %lt3A_2741 = arith.constant 9 : i32
    %lt3A_2742 = arith.cmpi slt, %select_n3A_2724, %lt3A_2741 : i32
    %jit3A_2743 = arith.constant 3 : i32
    %eq3A_2744 = arith.constant 0 : i32
    %eq3A_2745 = arith.cmpi eq, %jit3A_2743, %eq3A_2744 : i32
    %jit3A_2746 = arith.constant 1 : i32
    %select_n3A_2747 = arith.select %eq3A_2745, %jit3A_2746, %jit3A_2743 : i32
    %rem3A_2748 = arith.remsi %select_n3A_2724, %select_n3A_2747 : i32
    %ne3A_2749 = arith.constant 0 : i32
    %ne3A_2750 = arith.cmpi ne, %rem3A_2748, %ne3A_2749 : i32
    %lt3A_2751 = arith.constant 0 : i32
    %lt3A_2752 = arith.cmpi slt, %rem3A_2748, %lt3A_2751 : i32
    %lt3A_2753 = arith.constant 0 : i32
    %lt3A_2754 = arith.cmpi slt, %select_n3A_2747, %lt3A_2753 : i32
    %ne3A_2755 = arith.xori %lt3A_2752, %lt3A_2754 : i1
    %and3A_2756 = arith.andi %ne3A_2755, %ne3A_2750 : i1
    %add3A_2757 = arith.addi %rem3A_2748, %select_n3A_2747 : i32
    %select_n3A_2758 = arith.select %and3A_2756, %add3A_2757, %rem3A_2748 : i32
    %mul3A_2759 = arith.constant 3 : i32
    %mul3A_2760 = arith.muli %mul3A_2759, %select_n3A_2758 : i32
    %add3A_2761 = arith.constant 30 : i32
    %add3A_2762 = arith.addi %add3A_2761, %mul3A_2760 : i32
    %jit3A_2763 = arith.constant 3 : i32
    %div3A_2764 = arith.divsi %select_n3A_2724, %jit3A_2763 : i32
    %sign3A_2765 = arith.constant 0 : i32
    %sign3A_2766 = arith.cmpi sgt, %select_n3A_2724, %sign3A_2765 : i32
    %sign3A_2767 = arith.extui %sign3A_2766 : i1 to i32
    %sign3A_2768 = arith.constant 0 : i32
    %sign3A_2769 = arith.cmpi slt, %select_n3A_2724, %sign3A_2768 : i32
    %sign3A_2770 = arith.extui %sign3A_2769 : i1 to i32
    %sign3A_2771 = arith.subi %sign3A_2767, %sign3A_2770 : i32
    %sign3A_2772 = arith.constant 0 : i32
    %sign3A_2773 = arith.cmpi sgt, %jit3A_2763, %sign3A_2772 : i32
    %sign3A_2774 = arith.extui %sign3A_2773 : i1 to i32
    %sign3A_2775 = arith.constant 0 : i32
    %sign3A_2776 = arith.cmpi slt, %jit3A_2763, %sign3A_2775 : i32
    %sign3A_2777 = arith.extui %sign3A_2776 : i1 to i32
    %sign3A_2778 = arith.subi %sign3A_2774, %sign3A_2777 : i32
    %ne3A_2779 = arith.cmpi ne, %sign3A_2771, %sign3A_2778 : i32
    %rem3A_2780 = arith.remsi %select_n3A_2724, %jit3A_2763 : i32
    %ne3A_2781 = arith.constant 0 : i32
    %ne3A_2782 = arith.cmpi ne, %rem3A_2780, %ne3A_2781 : i32
    %and3A_2783 = arith.andi %ne3A_2779, %ne3A_2782 : i1
    %sub3A_2784 = arith.constant 1 : i32
    %sub3A_2785 = arith.subi %div3A_2764, %sub3A_2784 : i32
    %select_n3A_2786 = arith.select %and3A_2783, %sub3A_2785, %div3A_2764 : i32
    %add3A_2787 = arith.addi %add3A_2762, %select_n3A_2786 : i32
    %mul3A_2788 = arith.constant 3 : i32
    %mul3A_2789 = arith.muli %mul3A_2788, %select_n3A_2724 : i32
    %add3A_2790 = arith.constant 14 : i32
    %add3A_2791 = arith.addi %mul3A_2789, %add3A_2790 : i32
    %select_n3A_2792 = arith.select %lt3A_2742, %add3A_2787, %add3A_2791 : i32
    %mul3A_2793 = arith.constant 60 : i32
    %mul3A_2794 = arith.muli %select_n3A_2708, %mul3A_2793 : i32
    %add3A_2795 = arith.addi %mul3A_2794, %select_n3A_2740 : i32
    %mul3A_2796 = arith.constant 4 : i32
    %mul3A_2797 = arith.muli %add3A_2795, %mul3A_2796 : i32
    %add3A_2798 = arith.constant 2 : i32
    %add3A_2799 = arith.addi %mul3A_2797, %add3A_2798 : i32
    %mul3A_2800 = arith.constant 65536 : i32
    %mul3A_2801 = arith.muli %add3A_2799, %mul3A_2800 : i32
    %mul3A_2802 = arith.constant 60 : i32
    %mul3A_2803 = arith.muli %select_n3A_2708, %mul3A_2802 : i32
    %add3A_2804 = arith.addi %mul3A_2803, %select_n3A_2792 : i32
    %mul3A_2805 = arith.constant 4 : i32
    %mul3A_2806 = arith.muli %add3A_2804, %mul3A_2805 : i32
    %add3A_2807 = arith.constant 2 : i32
    %add3A_2808 = arith.addi %mul3A_2806, %add3A_2807 : i32
    %mul3A_2809 = arith.constant 65536 : i32
    %mul3A_2810 = arith.muli %add3A_2808, %mul3A_2809 : i32
    %multiple_of3A_2811 = tpu.assume_multiple %mul3A_2801, 65536 : i32
    %dma_start3A_2812 = tpu.memref_slice %arg3[%multiple_of3A_2811] : memref<62914560xf32, #tpu.memory_space<hbm>> -> memref<65536xf32, #tpu.memory_space<hbm>>
    %dma_start3A_2813 = arith.constant 0 : i32
    %dma_start3A_2814 = tpu.memref_slice %arg4[%arg1, %dma_start3A_2813] : memref<16x65536xf32, #tpu.memory_space<vmem_shared>> -> memref<1x65536xf32, #tpu.memory_space<vmem_shared>>
    %dma_start3A_2815 = tpu.memref_squeeze %dma_start3A_2814 : memref<1x65536xf32, #tpu.memory_space<vmem_shared>> -> memref<65536xf32, #tpu.memory_space<vmem_shared>>
    tpu.enqueue_dma source(%dma_start3A_2815 : memref<65536xf32, #tpu.memory_space<vmem_shared>>) target(%dma_start3A_2812 : memref<65536xf32, #tpu.memory_space<hbm>>) target_semaphore(%arg8 : memref<!tpu.dma_semaphore, #tpu.memory_space<semaphore_mem>>)
    %multiple_of3A_2816 = tpu.assume_multiple %mul3A_2810, 65536 : i32
    %dma_start3A_2817 = tpu.memref_slice %arg3[%multiple_of3A_2816] : memref<62914560xf32, #tpu.memory_space<hbm>> -> memref<65536xf32, #tpu.memory_space<hbm>>
    %dma_start3A_2818 = arith.constant 0 : i32
    %dma_start3A_2819 = tpu.memref_slice %arg4[%arg1, %dma_start3A_2818] : memref<16x65536xf32, #tpu.memory_space<vmem_shared>> -> memref<1x65536xf32, #tpu.memory_space<vmem_shared>>
    %dma_start3A_2820 = tpu.memref_squeeze %dma_start3A_2819 : memref<1x65536xf32, #tpu.memory_space<vmem_shared>> -> memref<65536xf32, #tpu.memory_space<vmem_shared>>
    tpu.enqueue_dma source(%dma_start3A_2820 : memref<65536xf32, #tpu.memory_space<vmem_shared>>) target(%dma_start3A_2817 : memref<65536xf32, #tpu.memory_space<hbm>>) target_semaphore(%arg8 : memref<!tpu.dma_semaphore, #tpu.memory_space<semaphore_mem>>)
    %dma_wait3A_2821 = arith.constant 0 : i32
    %dma_wait3A_2822 = tpu.memref_slice %arg3[%dma_wait3A_2821] : memref<62914560xf32, #tpu.memory_space<hbm>> -> memref<65536xf32, #tpu.memory_space<hbm>>
    %dma_wait3A_2823 = arith.constant 0 : i32
    %dma_wait3A_2824 = tpu.memref_slice %arg3[%dma_wait3A_2823] : memref<62914560xf32, #tpu.memory_space<hbm>> -> memref<65536xf32, #tpu.memory_space<hbm>>
    tpu.wait_dma2 semaphore(%arg9 : memref<!tpu.dma_semaphore, #tpu.memory_space<semaphore_mem>>) src(%arg5 : memref<65536xf32, #tpu.memory_space<vmem>>) dst(%dma_wait3A_2824 : memref<65536xf32, #tpu.memory_space<hbm>>)
    %dma_wait3A_2825 = arith.constant 0 : i32
    %dma_wait3A_2826 = tpu.memref_slice %arg3[%dma_wait3A_2825] : memref<62914560xf32, #tpu.memory_space<hbm>> -> memref<65536xf32, #tpu.memory_space<hbm>>
    %dma_wait3A_2827 = arith.constant 0 : i32
    %dma_wait3A_2828 = tpu.memref_slice %arg3[%dma_wait3A_2827] : memref<62914560xf32, #tpu.memory_space<hbm>> -> memref<65536xf32, #tpu.memory_space<hbm>>
    tpu.wait_dma2 semaphore(%arg9 : memref<!tpu.dma_semaphore, #tpu.memory_space<semaphore_mem>>) src(%arg5 : memref<65536xf32, #tpu.memory_space<vmem>>) dst(%dma_wait3A_2828 : memref<65536xf32, #tpu.memory_space<hbm>>)
    %mul3A_2829 = arith.constant 2 : i32
    %mul3A_2830 = arith.muli %mul3A_2829, %add3A : i32
    %add3A_2831 = arith.constant 1 : i32
    %add3A_2832 = arith.addi %mul3A_2830, %add3A_2831 : i32
    %jit3A_2833 = arith.constant 16 : i32
    %div3A_2834 = arith.divsi %add3A_2832, %jit3A_2833 : i32
    %sign3A_2835 = arith.constant 0 : i32
    %sign3A_2836 = arith.cmpi sgt, %add3A_2832, %sign3A_2835 : i32
    %sign3A_2837 = arith.extui %sign3A_2836 : i1 to i32
    %sign3A_2838 = arith.constant 0 : i32
    %sign3A_2839 = arith.cmpi slt, %add3A_2832, %sign3A_2838 : i32
    %sign3A_2840 = arith.extui %sign3A_2839 : i1 to i32
    %sign3A_2841 = arith.subi %sign3A_2837, %sign3A_2840 : i32
    %sign3A_2842 = arith.constant 0 : i32
    %sign3A_2843 = arith.cmpi sgt, %jit3A_2833, %sign3A_2842 : i32
    %sign3A_2844 = arith.extui %sign3A_2843 : i1 to i32
    %sign3A_2845 = arith.constant 0 : i32
    %sign3A_2846 = arith.cmpi slt, %jit3A_2833, %sign3A_2845 : i32
    %sign3A_2847 = arith.extui %sign3A_2846 : i1 to i32
    %sign3A_2848 = arith.subi %sign3A_2844, %sign3A_2847 : i32
    %ne3A_2849 = arith.cmpi ne, %sign3A_2841, %sign3A_2848 : i32
    %rem3A_2850 = arith.remsi %add3A_2832, %jit3A_2833 : i32
    %ne3A_2851 = arith.constant 0 : i32
    %ne3A_2852 = arith.cmpi ne, %rem3A_2850, %ne3A_2851 : i32
    %and3A_2853 = arith.andi %ne3A_2849, %ne3A_2852 : i1
    %sub3A_2854 = arith.constant 1 : i32
    %sub3A_2855 = arith.subi %div3A_2834, %sub3A_2854 : i32
    %select_n3A_2856 = arith.select %and3A_2853, %sub3A_2855, %div3A_2834 : i32
    %jit3A_2857 = arith.constant 16 : i32
    %eq3A_2858 = arith.constant 0 : i32
    %eq3A_2859 = arith.cmpi eq, %jit3A_2857, %eq3A_2858 : i32
    %jit3A_2860 = arith.constant 1 : i32
    %select_n3A_2861 = arith.select %eq3A_2859, %jit3A_2860, %jit3A_2857 : i32
    %rem3A_2862 = arith.remsi %add3A_2832, %select_n3A_2861 : i32
    %ne3A_2863 = arith.constant 0 : i32
    %ne3A_2864 = arith.cmpi ne, %rem3A_2862, %ne3A_2863 : i32
    %lt3A_2865 = arith.constant 0 : i32
    %lt3A_2866 = arith.cmpi slt, %rem3A_2862, %lt3A_2865 : i32
    %lt3A_2867 = arith.constant 0 : i32
    %lt3A_2868 = arith.cmpi slt, %select_n3A_2861, %lt3A_2867 : i32
    %ne3A_2869 = arith.xori %lt3A_2866, %lt3A_2868 : i1
    %and3A_2870 = arith.andi %ne3A_2869, %ne3A_2864 : i1
    %add3A_2871 = arith.addi %rem3A_2862, %select_n3A_2861 : i32
    %select_n3A_2872 = arith.select %and3A_2870, %add3A_2871, %rem3A_2862 : i32
    %mul3A_2873 = arith.constant 16 : i32
    %mul3A_2874 = arith.muli %select_n3A_2856, %mul3A_2873 : i32
    %add3A_2875 = arith.addi %mul3A_2874, %select_n3A_2872 : i32
    %mul3A_2876 = arith.constant 4 : i32
    %mul3A_2877 = arith.muli %add3A_2875, %mul3A_2876 : i32
    %add3A_2878 = arith.constant 3 : i32
    %add3A_2879 = arith.addi %mul3A_2877, %add3A_2878 : i32
    %mul3A_2880 = arith.constant 65536 : i32
    %mul3A_2881 = arith.muli %add3A_2879, %mul3A_2880 : i32
    %lt3A_2882 = arith.constant 9 : i32
    %lt3A_2883 = arith.cmpi slt, %select_n3A_2872, %lt3A_2882 : i32
    %mul3A_2884 = arith.constant 3 : i32
    %mul3A_2885 = arith.muli %mul3A_2884, %select_n3A_2872 : i32
    %sub3A_2886 = arith.constant 16 : i32
    %sub3A_2887 = arith.subi %mul3A_2885, %sub3A_2886 : i32
    %select_n3A_2888 = arith.select %lt3A_2883, %select_n3A_2872, %sub3A_2887 : i32
    %lt3A_2889 = arith.constant 9 : i32
    %lt3A_2890 = arith.cmpi slt, %select_n3A_2872, %lt3A_2889 : i32
    %jit3A_2891 = arith.constant 3 : i32
    %eq3A_2892 = arith.constant 0 : i32
    %eq3A_2893 = arith.cmpi eq, %jit3A_2891, %eq3A_2892 : i32
    %jit3A_2894 = arith.constant 1 : i32
    %select_n3A_2895 = arith.select %eq3A_2893, %jit3A_2894, %jit3A_2891 : i32
    %rem3A_2896 = arith.remsi %select_n3A_2872, %select_n3A_2895 : i32
    %ne3A_2897 = arith.constant 0 : i32
    %ne3A_2898 = arith.cmpi ne, %rem3A_2896, %ne3A_2897 : i32
    %lt3A_2899 = arith.constant 0 : i32
    %lt3A_2900 = arith.cmpi slt, %rem3A_2896, %lt3A_2899 : i32
    %lt3A_2901 = arith.constant 0 : i32
    %lt3A_2902 = arith.cmpi slt, %select_n3A_2895, %lt3A_2901 : i32
    %ne3A_2903 = arith.xori %lt3A_2900, %lt3A_2902 : i1
    %and3A_2904 = arith.andi %ne3A_2903, %ne3A_2898 : i1
    %add3A_2905 = arith.addi %rem3A_2896, %select_n3A_2895 : i32
    %select_n3A_2906 = arith.select %and3A_2904, %add3A_2905, %rem3A_2896 : i32
    %mul3A_2907 = arith.constant 3 : i32
    %mul3A_2908 = arith.muli %mul3A_2907, %select_n3A_2906 : i32
    %add3A_2909 = arith.constant 30 : i32
    %add3A_2910 = arith.addi %add3A_2909, %mul3A_2908 : i32
    %jit3A_2911 = arith.constant 3 : i32
    %div3A_2912 = arith.divsi %select_n3A_2872, %jit3A_2911 : i32
    %sign3A_2913 = arith.constant 0 : i32
    %sign3A_2914 = arith.cmpi sgt, %select_n3A_2872, %sign3A_2913 : i32
    %sign3A_2915 = arith.extui %sign3A_2914 : i1 to i32
    %sign3A_2916 = arith.constant 0 : i32
    %sign3A_2917 = arith.cmpi slt, %select_n3A_2872, %sign3A_2916 : i32
    %sign3A_2918 = arith.extui %sign3A_2917 : i1 to i32
    %sign3A_2919 = arith.subi %sign3A_2915, %sign3A_2918 : i32
    %sign3A_2920 = arith.constant 0 : i32
    %sign3A_2921 = arith.cmpi sgt, %jit3A_2911, %sign3A_2920 : i32
    %sign3A_2922 = arith.extui %sign3A_2921 : i1 to i32
    %sign3A_2923 = arith.constant 0 : i32
    %sign3A_2924 = arith.cmpi slt, %jit3A_2911, %sign3A_2923 : i32
    %sign3A_2925 = arith.extui %sign3A_2924 : i1 to i32
    %sign3A_2926 = arith.subi %sign3A_2922, %sign3A_2925 : i32
    %ne3A_2927 = arith.cmpi ne, %sign3A_2919, %sign3A_2926 : i32
    %rem3A_2928 = arith.remsi %select_n3A_2872, %jit3A_2911 : i32
    %ne3A_2929 = arith.constant 0 : i32
    %ne3A_2930 = arith.cmpi ne, %rem3A_2928, %ne3A_2929 : i32
    %and3A_2931 = arith.andi %ne3A_2927, %ne3A_2930 : i1
    %sub3A_2932 = arith.constant 1 : i32
    %sub3A_2933 = arith.subi %div3A_2912, %sub3A_2932 : i32
    %select_n3A_2934 = arith.select %and3A_2931, %sub3A_2933, %div3A_2912 : i32
    %add3A_2935 = arith.addi %add3A_2910, %select_n3A_2934 : i32
    %mul3A_2936 = arith.constant 3 : i32
    %mul3A_2937 = arith.muli %mul3A_2936, %select_n3A_2872 : i32
    %add3A_2938 = arith.constant 14 : i32
    %add3A_2939 = arith.addi %mul3A_2937, %add3A_2938 : i32
    %select_n3A_2940 = arith.select %lt3A_2890, %add3A_2935, %add3A_2939 : i32
    %mul3A_2941 = arith.constant 60 : i32
    %mul3A_2942 = arith.muli %select_n3A_2856, %mul3A_2941 : i32
    %add3A_2943 = arith.addi %mul3A_2942, %select_n3A_2888 : i32
    %mul3A_2944 = arith.constant 4 : i32
    %mul3A_2945 = arith.muli %add3A_2943, %mul3A_2944 : i32
    %add3A_2946 = arith.constant 3 : i32
    %add3A_2947 = arith.addi %mul3A_2945, %add3A_2946 : i32
    %mul3A_2948 = arith.constant 65536 : i32
    %mul3A_2949 = arith.muli %add3A_2947, %mul3A_2948 : i32
    %mul3A_2950 = arith.constant 60 : i32
    %mul3A_2951 = arith.muli %select_n3A_2856, %mul3A_2950 : i32
    %add3A_2952 = arith.addi %mul3A_2951, %select_n3A_2940 : i32
    %mul3A_2953 = arith.constant 4 : i32
    %mul3A_2954 = arith.muli %add3A_2952, %mul3A_2953 : i32
    %add3A_2955 = arith.constant 3 : i32
    %add3A_2956 = arith.addi %mul3A_2954, %add3A_2955 : i32
    %mul3A_2957 = arith.constant 65536 : i32
    %mul3A_2958 = arith.muli %add3A_2956, %mul3A_2957 : i32
    %multiple_of3A_2959 = tpu.assume_multiple %mul3A_2881, 65536 : i32
    %dma_start3A_2960 = tpu.memref_slice %arg2[%multiple_of3A_2959] : memref<16777216xf32, #tpu.memory_space<hbm>> -> memref<65536xf32, #tpu.memory_space<hbm>>
    %dma_start3A_2961 = tpu.memref_slice %arg2[%multiple_of3A_2959] : memref<16777216xf32, #tpu.memory_space<hbm>> -> memref<65536xf32, #tpu.memory_space<hbm>>
    tpu.enqueue_dma source(%dma_start3A_2961 : memref<65536xf32, #tpu.memory_space<hbm>>) target(%arg5 : memref<65536xf32, #tpu.memory_space<vmem>>) target_semaphore(%arg7 : memref<!tpu.dma_semaphore, #tpu.memory_space<semaphore_mem>>)
    %dma_wait3A_2962 = arith.constant 0 : i32
    %dma_wait3A_2963 = tpu.memref_slice %arg2[%dma_wait3A_2962] : memref<16777216xf32, #tpu.memory_space<hbm>> -> memref<65536xf32, #tpu.memory_space<hbm>>
    %dma_wait3A_2964 = arith.constant 0 : i32
    %dma_wait3A_2965 = tpu.memref_slice %arg2[%dma_wait3A_2964] : memref<16777216xf32, #tpu.memory_space<hbm>> -> memref<65536xf32, #tpu.memory_space<hbm>>
    tpu.wait_dma2 semaphore(%arg7 : memref<!tpu.dma_semaphore, #tpu.memory_space<semaphore_mem>>) src(%dma_wait3A_2965 : memref<65536xf32, #tpu.memory_space<hbm>>) dst(%arg5 : memref<65536xf32, #tpu.memory_space<vmem>>)
    %mul3A_2966 = arith.constant 2 : i32
    %mul3A_2967 = arith.muli %mul3A_2966, %add3A : i32
    %add3A_2968 = arith.constant 1 : i32
    %add3A_2969 = arith.addi %mul3A_2967, %add3A_2968 : i32
    %jit3A_2970 = arith.constant 16 : i32
    %div3A_2971 = arith.divsi %add3A_2969, %jit3A_2970 : i32
    %sign3A_2972 = arith.constant 0 : i32
    %sign3A_2973 = arith.cmpi sgt, %add3A_2969, %sign3A_2972 : i32
    %sign3A_2974 = arith.extui %sign3A_2973 : i1 to i32
    %sign3A_2975 = arith.constant 0 : i32
    %sign3A_2976 = arith.cmpi slt, %add3A_2969, %sign3A_2975 : i32
    %sign3A_2977 = arith.extui %sign3A_2976 : i1 to i32
    %sign3A_2978 = arith.subi %sign3A_2974, %sign3A_2977 : i32
    %sign3A_2979 = arith.constant 0 : i32
    %sign3A_2980 = arith.cmpi sgt, %jit3A_2970, %sign3A_2979 : i32
    %sign3A_2981 = arith.extui %sign3A_2980 : i1 to i32
    %sign3A_2982 = arith.constant 0 : i32
    %sign3A_2983 = arith.cmpi slt, %jit3A_2970, %sign3A_2982 : i32
    %sign3A_2984 = arith.extui %sign3A_2983 : i1 to i32
    %sign3A_2985 = arith.subi %sign3A_2981, %sign3A_2984 : i32
    %ne3A_2986 = arith.cmpi ne, %sign3A_2978, %sign3A_2985 : i32
    %rem3A_2987 = arith.remsi %add3A_2969, %jit3A_2970 : i32
    %ne3A_2988 = arith.constant 0 : i32
    %ne3A_2989 = arith.cmpi ne, %rem3A_2987, %ne3A_2988 : i32
    %and3A_2990 = arith.andi %ne3A_2986, %ne3A_2989 : i1
    %sub3A_2991 = arith.constant 1 : i32
    %sub3A_2992 = arith.subi %div3A_2971, %sub3A_2991 : i32
    %select_n3A_2993 = arith.select %and3A_2990, %sub3A_2992, %div3A_2971 : i32
    %jit3A_2994 = arith.constant 16 : i32
    %eq3A_2995 = arith.constant 0 : i32
    %eq3A_2996 = arith.cmpi eq, %jit3A_2994, %eq3A_2995 : i32
    %jit3A_2997 = arith.constant 1 : i32
    %select_n3A_2998 = arith.select %eq3A_2996, %jit3A_2997, %jit3A_2994 : i32
    %rem3A_2999 = arith.remsi %add3A_2969, %select_n3A_2998 : i32
    %ne3A_3000 = arith.constant 0 : i32
    %ne3A_3001 = arith.cmpi ne, %rem3A_2999, %ne3A_3000 : i32
    %lt3A_3002 = arith.constant 0 : i32
    %lt3A_3003 = arith.cmpi slt, %rem3A_2999, %lt3A_3002 : i32
    %lt3A_3004 = arith.constant 0 : i32
    %lt3A_3005 = arith.cmpi slt, %select_n3A_2998, %lt3A_3004 : i32
    %ne3A_3006 = arith.xori %lt3A_3003, %lt3A_3005 : i1
    %and3A_3007 = arith.andi %ne3A_3006, %ne3A_3001 : i1
    %add3A_3008 = arith.addi %rem3A_2999, %select_n3A_2998 : i32
    %select_n3A_3009 = arith.select %and3A_3007, %add3A_3008, %rem3A_2999 : i32
    %mul3A_3010 = arith.constant 16 : i32
    %mul3A_3011 = arith.muli %select_n3A_2993, %mul3A_3010 : i32
    %add3A_3012 = arith.addi %mul3A_3011, %select_n3A_3009 : i32
    %mul3A_3013 = arith.constant 4 : i32
    %mul3A_3014 = arith.muli %add3A_3012, %mul3A_3013 : i32
    %add3A_3015 = arith.constant 3 : i32
    %add3A_3016 = arith.addi %mul3A_3014, %add3A_3015 : i32
    %mul3A_3017 = arith.constant 65536 : i32
    %mul3A_3018 = arith.muli %add3A_3016, %mul3A_3017 : i32
    %lt3A_3019 = arith.constant 9 : i32
    %lt3A_3020 = arith.cmpi slt, %select_n3A_3009, %lt3A_3019 : i32
    %mul3A_3021 = arith.constant 3 : i32
    %mul3A_3022 = arith.muli %mul3A_3021, %select_n3A_3009 : i32
    %sub3A_3023 = arith.constant 16 : i32
    %sub3A_3024 = arith.subi %mul3A_3022, %sub3A_3023 : i32
    %select_n3A_3025 = arith.select %lt3A_3020, %select_n3A_3009, %sub3A_3024 : i32
    %lt3A_3026 = arith.constant 9 : i32
    %lt3A_3027 = arith.cmpi slt, %select_n3A_3009, %lt3A_3026 : i32
    %jit3A_3028 = arith.constant 3 : i32
    %eq3A_3029 = arith.constant 0 : i32
    %eq3A_3030 = arith.cmpi eq, %jit3A_3028, %eq3A_3029 : i32
    %jit3A_3031 = arith.constant 1 : i32
    %select_n3A_3032 = arith.select %eq3A_3030, %jit3A_3031, %jit3A_3028 : i32
    %rem3A_3033 = arith.remsi %select_n3A_3009, %select_n3A_3032 : i32
    %ne3A_3034 = arith.constant 0 : i32
    %ne3A_3035 = arith.cmpi ne, %rem3A_3033, %ne3A_3034 : i32
    %lt3A_3036 = arith.constant 0 : i32
    %lt3A_3037 = arith.cmpi slt, %rem3A_3033, %lt3A_3036 : i32
    %lt3A_3038 = arith.constant 0 : i32
    %lt3A_3039 = arith.cmpi slt, %select_n3A_3032, %lt3A_3038 : i32
    %ne3A_3040 = arith.xori %lt3A_3037, %lt3A_3039 : i1
    %and3A_3041 = arith.andi %ne3A_3040, %ne3A_3035 : i1
    %add3A_3042 = arith.addi %rem3A_3033, %select_n3A_3032 : i32
    %select_n3A_3043 = arith.select %and3A_3041, %add3A_3042, %rem3A_3033 : i32
    %mul3A_3044 = arith.constant 3 : i32
    %mul3A_3045 = arith.muli %mul3A_3044, %select_n3A_3043 : i32
    %add3A_3046 = arith.constant 30 : i32
    %add3A_3047 = arith.addi %add3A_3046, %mul3A_3045 : i32
    %jit3A_3048 = arith.constant 3 : i32
    %div3A_3049 = arith.divsi %select_n3A_3009, %jit3A_3048 : i32
    %sign3A_3050 = arith.constant 0 : i32
    %sign3A_3051 = arith.cmpi sgt, %select_n3A_3009, %sign3A_3050 : i32
    %sign3A_3052 = arith.extui %sign3A_3051 : i1 to i32
    %sign3A_3053 = arith.constant 0 : i32
    %sign3A_3054 = arith.cmpi slt, %select_n3A_3009, %sign3A_3053 : i32
    %sign3A_3055 = arith.extui %sign3A_3054 : i1 to i32
    %sign3A_3056 = arith.subi %sign3A_3052, %sign3A_3055 : i32
    %sign3A_3057 = arith.constant 0 : i32
    %sign3A_3058 = arith.cmpi sgt, %jit3A_3048, %sign3A_3057 : i32
    %sign3A_3059 = arith.extui %sign3A_3058 : i1 to i32
    %sign3A_3060 = arith.constant 0 : i32
    %sign3A_3061 = arith.cmpi slt, %jit3A_3048, %sign3A_3060 : i32
    %sign3A_3062 = arith.extui %sign3A_3061 : i1 to i32
    %sign3A_3063 = arith.subi %sign3A_3059, %sign3A_3062 : i32
    %ne3A_3064 = arith.cmpi ne, %sign3A_3056, %sign3A_3063 : i32
    %rem3A_3065 = arith.remsi %select_n3A_3009, %jit3A_3048 : i32
    %ne3A_3066 = arith.constant 0 : i32
    %ne3A_3067 = arith.cmpi ne, %rem3A_3065, %ne3A_3066 : i32
    %and3A_3068 = arith.andi %ne3A_3064, %ne3A_3067 : i1
    %sub3A_3069 = arith.constant 1 : i32
    %sub3A_3070 = arith.subi %div3A_3049, %sub3A_3069 : i32
    %select_n3A_3071 = arith.select %and3A_3068, %sub3A_3070, %div3A_3049 : i32
    %add3A_3072 = arith.addi %add3A_3047, %select_n3A_3071 : i32
    %mul3A_3073 = arith.constant 3 : i32
    %mul3A_3074 = arith.muli %mul3A_3073, %select_n3A_3009 : i32
    %add3A_3075 = arith.constant 14 : i32
    %add3A_3076 = arith.addi %mul3A_3074, %add3A_3075 : i32
    %select_n3A_3077 = arith.select %lt3A_3027, %add3A_3072, %add3A_3076 : i32
    %mul3A_3078 = arith.constant 60 : i32
    %mul3A_3079 = arith.muli %select_n3A_2993, %mul3A_3078 : i32
    %add3A_3080 = arith.addi %mul3A_3079, %select_n3A_3025 : i32
    %mul3A_3081 = arith.constant 4 : i32
    %mul3A_3082 = arith.muli %add3A_3080, %mul3A_3081 : i32
    %add3A_3083 = arith.constant 3 : i32
    %add3A_3084 = arith.addi %mul3A_3082, %add3A_3083 : i32
    %mul3A_3085 = arith.constant 65536 : i32
    %mul3A_3086 = arith.muli %add3A_3084, %mul3A_3085 : i32
    %mul3A_3087 = arith.constant 60 : i32
    %mul3A_3088 = arith.muli %select_n3A_2993, %mul3A_3087 : i32
    %add3A_3089 = arith.addi %mul3A_3088, %select_n3A_3077 : i32
    %mul3A_3090 = arith.constant 4 : i32
    %mul3A_3091 = arith.muli %add3A_3089, %mul3A_3090 : i32
    %add3A_3092 = arith.constant 3 : i32
    %add3A_3093 = arith.addi %mul3A_3091, %add3A_3092 : i32
    %mul3A_3094 = arith.constant 65536 : i32
    %mul3A_3095 = arith.muli %add3A_3093, %mul3A_3094 : i32
    %multiple_of3A_3096 = tpu.assume_multiple %mul3A_3086, 65536 : i32
    %dma_start3A_3097 = tpu.memref_slice %arg3[%multiple_of3A_3096] : memref<62914560xf32, #tpu.memory_space<hbm>> -> memref<65536xf32, #tpu.memory_space<hbm>>
    %dma_start3A_3098 = tpu.memref_slice %arg3[%multiple_of3A_3096] : memref<62914560xf32, #tpu.memory_space<hbm>> -> memref<65536xf32, #tpu.memory_space<hbm>>
    tpu.enqueue_dma source(%arg5 : memref<65536xf32, #tpu.memory_space<vmem>>) target(%dma_start3A_3098 : memref<65536xf32, #tpu.memory_space<hbm>>) target_semaphore(%arg9 : memref<!tpu.dma_semaphore, #tpu.memory_space<semaphore_mem>>)
    %multiple_of3A_3099 = tpu.assume_multiple %mul3A_3095, 65536 : i32
    %dma_start3A_3100 = tpu.memref_slice %arg3[%multiple_of3A_3099] : memref<62914560xf32, #tpu.memory_space<hbm>> -> memref<65536xf32, #tpu.memory_space<hbm>>
    %dma_start3A_3101 = tpu.memref_slice %arg3[%multiple_of3A_3099] : memref<62914560xf32, #tpu.memory_space<hbm>> -> memref<65536xf32, #tpu.memory_space<hbm>>
    tpu.enqueue_dma source(%arg5 : memref<65536xf32, #tpu.memory_space<vmem>>) target(%dma_start3A_3101 : memref<65536xf32, #tpu.memory_space<hbm>>) target_semaphore(%arg9 : memref<!tpu.dma_semaphore, #tpu.memory_space<semaphore_mem>>)
    %dma_wait3A_3102 = arith.constant 0 : i32
    %dma_wait3A_3103 = tpu.memref_slice %arg3[%dma_wait3A_3102] : memref<62914560xf32, #tpu.memory_space<hbm>> -> memref<65536xf32, #tpu.memory_space<hbm>>
    %dma_wait3A_3104 = arith.constant 0 : i32
    %dma_wait3A_3105 = tpu.memref_slice %arg4[%arg1, %dma_wait3A_3104] : memref<16x65536xf32, #tpu.memory_space<vmem_shared>> -> memref<1x65536xf32, #tpu.memory_space<vmem_shared>>
    %dma_wait3A_3106 = tpu.memref_squeeze %dma_wait3A_3105 : memref<1x65536xf32, #tpu.memory_space<vmem_shared>> -> memref<65536xf32, #tpu.memory_space<vmem_shared>>
    tpu.wait_dma2 semaphore(%arg8 : memref<!tpu.dma_semaphore, #tpu.memory_space<semaphore_mem>>) src(%dma_wait3A_3106 : memref<65536xf32, #tpu.memory_space<vmem_shared>>) dst(%dma_wait3A_3103 : memref<65536xf32, #tpu.memory_space<hbm>>)
    %dma_wait3A_3107 = arith.constant 0 : i32
    %dma_wait3A_3108 = tpu.memref_slice %arg3[%dma_wait3A_3107] : memref<62914560xf32, #tpu.memory_space<hbm>> -> memref<65536xf32, #tpu.memory_space<hbm>>
    %dma_wait3A_3109 = arith.constant 0 : i32
    %dma_wait3A_3110 = tpu.memref_slice %arg4[%arg1, %dma_wait3A_3109] : memref<16x65536xf32, #tpu.memory_space<vmem_shared>> -> memref<1x65536xf32, #tpu.memory_space<vmem_shared>>
    %dma_wait3A_3111 = tpu.memref_squeeze %dma_wait3A_3110 : memref<1x65536xf32, #tpu.memory_space<vmem_shared>> -> memref<65536xf32, #tpu.memory_space<vmem_shared>>
    tpu.wait_dma2 semaphore(%arg8 : memref<!tpu.dma_semaphore, #tpu.memory_space<semaphore_mem>>) src(%dma_wait3A_3111 : memref<65536xf32, #tpu.memory_space<vmem_shared>>) dst(%dma_wait3A_3108 : memref<65536xf32, #tpu.memory_space<hbm>>)
    %dma_wait3A_3112 = arith.constant 0 : i32
    %dma_wait3A_3113 = tpu.memref_slice %arg3[%dma_wait3A_3112] : memref<62914560xf32, #tpu.memory_space<hbm>> -> memref<65536xf32, #tpu.memory_space<hbm>>
    %dma_wait3A_3114 = arith.constant 0 : i32
    %dma_wait3A_3115 = tpu.memref_slice %arg3[%dma_wait3A_3114] : memref<62914560xf32, #tpu.memory_space<hbm>> -> memref<65536xf32, #tpu.memory_space<hbm>>
    tpu.wait_dma2 semaphore(%arg9 : memref<!tpu.dma_semaphore, #tpu.memory_space<semaphore_mem>>) src(%arg5 : memref<65536xf32, #tpu.memory_space<vmem>>) dst(%dma_wait3A_3115 : memref<65536xf32, #tpu.memory_space<hbm>>)
    %dma_wait3A_3116 = arith.constant 0 : i32
    %dma_wait3A_3117 = tpu.memref_slice %arg3[%dma_wait3A_3116] : memref<62914560xf32, #tpu.memory_space<hbm>> -> memref<65536xf32, #tpu.memory_space<hbm>>
    %dma_wait3A_3118 = arith.constant 0 : i32
    %dma_wait3A_3119 = tpu.memref_slice %arg3[%dma_wait3A_3118] : memref<62914560xf32, #tpu.memory_space<hbm>> -> memref<65536xf32, #tpu.memory_space<hbm>>
    tpu.wait_dma2 semaphore(%arg9 : memref<!tpu.dma_semaphore, #tpu.memory_space<semaphore_mem>>) src(%arg5 : memref<65536xf32, #tpu.memory_space<vmem>>) dst(%dma_wait3A_3119 : memref<65536xf32, #tpu.memory_space<hbm>>)
    return
  }
}

</mosaic_0001>

<sc_bundles>
// kernel: kernel.3.cloned.1.call-start
scs
__scs_entry_jumppad:
0x0: {  	(pc) =	sbr.rel $0x88, $3  }
0x1: {  	(tag) =	ssettag $0x0;
	lr =	simm.s32 $0x1  }
0x2: {  	[smem:$0x3FA0] =	sst lr;
	_ =	strace $0xD0000000  }
0x3: {  	_ = 	snop  }
0x4: {  	_ = 	snop  }
0x5: {  	_ = 	snop  }
0x6: {  	_ = 	snop  }
0x7: {  	_ = 	snop  }
__scs_overlays_trampoline_lowered:
0x8: {  	[smem:$0x3FAF] =	sst s0  }
0x9: {  	[smem:$0x3FB0] =	sst s1  }
0xa: {  	[smem:$0x3FB1] =	sst s2  }
0xb: {  	[smem:$0x3FB2] =	sst s3  }
0xc: {  	[smem:$0x3FB3] =	sst s4  }
0xd: {  	[smem:$0x3FB4] =	sst s5  }
0xe: {  	[smem:$0x3FB5] =	sst s6  }
0xf: {  	[smem:$0x3FB6] =	sst s7  }
0x10: {  	[smem:$0x3FB7] =	sst s8  }
0x11: {  	[smem:$0x3FB8] =	sst s9;
	s0 =	simm.s32 @!p0 $0x0  }
0x12: {  	s1 =	sld [smem:$0x3F9E];
	s0 =	simm.s32 @p0 $0x1  }
0x13: {  	[smem:$0x3FB9] =	sst s0;
	s0 =	simm.s32 @!p1 $0x0  }
0x14: {  	s2 =	sld [smem:$0x3F9D];
	s0 =	simm.s32 @p1 $0x1  }
0x15: {  	[smem:$0x3FBA] =	sst s0;
	s0 =	simm.s32 @!p2 $0x0  }
0x16: {  	s3 =	sld [smem:$0x3FDB];
	s0 =	simm.s32 @p2 $0x1  }
0x17: {  	s4 =	simm.s32 $0x1BF5;
	[smem:$0x3FBC] =	sst s0  }
0x18: {  	s0 =	sld [smem:$0x3F9F];
	_ =	swait.ge [sflag:s4], $0x0  }
0x19: {  	s7 =	sld [smem:$0x3FA0]  }
0x1a: {  	s8 =	sadd.s32 $0xFFFFE003, lr  }
0x1b: {  	s9 =	sadd.s32 $0xFFFFFEF7, lr;
	s5 =	simm.s32 $0xFFFFFFFF;
	p2 =	slt.u32 s8, $0xFFFFF086  }
0x1c: {  	p1 =	slt.u32 s9, $0xF7A;
	s5 =	simm.s32 @!p2 $0x0  }
0x1d: {  	s5 =	simm.s32 @p1 $0x1;
	p0 =	seq.s32 s7, s2  }
0x1e: {  	s7 =	smul.u32 @!p0 $0xF7A, s2;
	p2 =	seq.s32 @!p0 s5, $0x0  }
0x1f: {  	s9 =	smul.u32 $0xF7A, s1;
	s8 =	simm.s32 @!p0 $0x1BF5;
	p2 =	por !p2, p0  }
0x20: {  	[sflag:s8] =	ssyncset.s32 @!p0 $0xFFFFF086;
	s6 =	sadd.s32 @!p0 s3, s7;
	s7 =	simm.s32 @!p0 $0x108  }
0x21: {  	s3 =	sadd.s32 s3, s9;
	s6 =	sadd.s32 @!p0 $0x88, s6;
	s7 =	simm.s32 @p2 $0x1082  }
0x22: {  	[simem:s7], [sflag:s8] =	dma.local @!p0 [hbm:s6], $0xF7A  }
0x23: {  	s9 =	sor.u32 $0xD0000000, s2;
	s6 =	simm.s32 $0x108;
	_ =	swait.ge @!p0 [sflag:s8], $0x0  }
0x24: {  	s3 =	sadd.s32 $0x88, s3;
	s6 =	simm.s32 @!p1 $0x1082;
	[sflag:s4] =	ssyncset.s32 $0xFFFFF086  }
0x25: {  	[simem:s6], [sflag:s4] =	dma.local [hbm:s3], $0xF7A  }
0x26: {  	[smem:$0x3FA0] =	sst s1;
	(tag) =	ssettag s2;
	_ =	strace s9  }
0x27: {  	s1 =	sld [smem:$0x3FB0]  }
0x28: {  	s2 =	sld [smem:$0x3FB1]  }
0x29: {  	s4 =	sld [smem:$0x3FB3]  }
0x2a: {  	p0 =	seq.s32 s5, $0x0;
	s5 =	sld [smem:$0x3FB4]  }
0x2b: {  	s6 =	sld [smem:$0x3FB5]  }
0x2c: {  	s7 =	sld [smem:$0x3FB6]  }
0x2d: {  	s3 =	simm.s32 $0x108;
	s8 =	sld [smem:$0x3FB7]  }
0x2e: {  	s3 =	simm.s32 @!p0 $0x1082;
	s9 =	sld [smem:$0x3FB8]  }
0x2f: {  	lr =	sadd.s32 s0, s3;
	s0 =	sld [smem:$0x3FAF]  }
0x30: {  	s3 =	sld [smem:$0x3FB2]  }
0x31: {  	[smem:$0x3FBB] =	sst s10  }
0x32: {  	s10 =	sld [smem:$0x3FB9];
	_ =	sdelay $0x3  }
0x33: {  	p0 =	seq.s32 s10, $0x1;
	s10 =	sld [smem:$0x3FBB];
	_ =	sdelay $0x3  }
0x34: {  	[smem:$0x3FBB] =	sst s10  }
0x35: {  	s10 =	sld [smem:$0x3FBA];
	_ =	sdelay $0x3  }
0x36: {  	p1 =	seq.s32 s10, $0x1;
	s10 =	sld [smem:$0x3FBB];
	_ =	sdelay $0x3  }
0x37: {  	[smem:$0x3FBB] =	sst s10  }
0x38: {  	s10 =	sld [smem:$0x3FBC]  }
0x39: {  	_ = 	snop;
	(pc) =	sbr.ind lr, $3  }
0x3a: {  	_ = 	snop  }
0x3b: {  	_ = 	snop  }
0x3c: {  	p2 =	seq.s32 s10, $0x1;
	s10 =	sld [smem:$0x3FBB]  }
0x3d: {  	_ =	shalt  }
0x3e: {  	_ =	shalt  }
0x3f: {  	_ =	shalt  }
0x40: {  	_ =	shalt  }
0x41: {  	_ =	shalt  }
0x42: {  	_ =	shalt  }
0x43: {  	_ =	shalt  }
0x44: {  	_ =	shalt  }
0x45: {  	_ =	shalt  }
0x46: {  	_ =	shalt  }
0x47: {  	_ =	shalt  }
0x48: {  	_ =	shalt  }
0x49: {  	_ =	shalt  }
0x4a: {  	_ =	shalt  }
0x4b: {  	_ =	shalt  }
0x4c: {  	_ =	shalt  }
0x4d: {  	_ =	shalt  }
0x4e: {  	_ =	shalt  }
0x4f: {  	_ =	shalt  }
0x50: {  	_ =	shalt  }
0x51: {  	_ =	shalt  }
0x52: {  	_ =	shalt  }
0x53: {  	_ =	shalt  }
0x54: {  	_ =	shalt  }
0x55: {  	_ =	shalt  }
0x56: {  	_ =	shalt  }
0x57: {  	_ =	shalt  }
0x58: {  	_ =	shalt  }
0x59: {  	_ =	shalt  }
0x5a: {  	_ =	shalt  }
0x5b: {  	_ =	shalt  }
0x5c: {  	_ =	shalt  }
0x5d: {  	_ =	shalt  }
0x5e: {  	_ =	shalt  }
0x5f: {  	_ =	shalt  }
0x60: {  	_ =	shalt  }
0x61: {  	_ =	shalt  }
0x62: {  	_ =	shalt  }
0x63: {  	_ =	shalt  }
0x64: {  	_ =	shalt  }
0x65: {  	_ =	shalt  }
0x66: {  	_ =	shalt  }
0x67: {  	_ =	shalt  }
0x68: {  	_ =	shalt  }
0x69: {  	_ =	shalt  }
0x6a: {  	_ =	shalt  }
0x6b: {  	_ =	shalt  }
0x6c: {  	_ =	shalt  }
0x6d: {  	_ =	shalt  }
0x6e: {  	_ =	shalt  }
0x6f: {  	_ =	shalt  }
0x70: {  	_ =	shalt  }
0x71: {  	_ =	shalt  }
0x72: {  	_ =	shalt  }
0x73: {  	_ =	shalt  }
0x74: {  	_ =	shalt  }
0x75: {  	_ =	shalt  }
0x76: {  	_ =	shalt  }
0x77: {  	_ =	shalt  }
0x78: {  	_ =	shalt  }
0x79: {  	_ =	shalt  }
0x7a: {  	_ =	shalt  }
0x7b: {  	_ =	shalt  }
0x7c: {  	_ =	shalt  }
0x7d: {  	_ =	shalt  }
0x7e: {  	_ =	shalt  }
0x7f: {  	_ =	shalt  }
0x80: {  	_ =	shalt  }
0x81: {  	_ =	shalt  }
0x82: {  	_ =	shalt  }
0x83: {  	_ =	shalt  }
0x84: {  	_ =	shalt  }
0x85: {  	_ =	shalt  }
0x86: {  	_ =	shalt  }
0x87: {  	_ =	shalt  }
.Lfunc_end0:
.L_simem_size_0:
called_computation_lowered:
.L_overlay_start_0:
0x88: {  	s2 =	sld [smem:$0x3FD9]  }
0x89: {  	s3 =	sld [smem:$0x3FFE];
	_ =	sdelay $0x1  }
0x8a: {  	s1 =	srdreg.scid  }
0x8b: {  	s0 =	sand.u32 $0x1, s1  }
0x8c: {  	s18 =	sshll.u32 s0, $0xA;
	s2 =	sadd.s32 s3, s2  }
0x8d: {  	s2 =	sadd.s32 s2, s18  }
0x8e: {  	[smem:$0x3FC7] =	sst s2  }
0x8f: {  	_ = 	snop  }
0x90: {  	s2 =	sld [smem:$0x3FC9]  }
0x91: {  	s19 =	sld [smem:$0x3FD0];
	(tm) =	ssettm $0x1  }
0x92: {  	s4 =	sld [smem:$0x3FFB];
	_ =	sdelay $0x3  }
0x93: {  	_ =	strace s4  }
0x94: {  	s4 =	sld [smem:$0x3FFC];
	_ =	sdelay $0x3  }
0x95: {  	_ =	strace s4  }
0x96: {  	s4 =	sld [smem:$0x3FFD];
	_ =	sdelay $0x3  }
0x97: {  	_ =	strace s4  }
0x98: {  	_ =	strace $0x8FFFFFFF  }
0x99: {  	s20 =	sld [smem:$0x3FDB];
	_ =	sdelay $0x1  }
0x9a: {  	s5 =	simm.s32 $_scs_section_size  }
0x9b: {  	s6 =	simm.s32 $_size__tile_overlayer_lowered;
	s7 =	simm.s32 $_tile_overlayer_lowered  }
0x9c: {  	s23 =	simm.s32 $0x1BFF;
	s22 =	sshll.u32 s7, $0x1;
	s4 =	sadd.s32 s5, s20  }
0x9d: {  	s8 =	simm.s32 $0x0;
	s21 =	sshll.u32 s6, $0x1;
	s6 =	sadd.s32 s22, s4  }
0x9e: {  	[timem:s8], [sflag:s23] =	dma.local [hbm:s6], s21  }
0x9f: {  	_ =	swait.ge [sflag:s23], s21  }
0xa0: {  	s5 =	ssub.s32 $0x0, s21;
	[sflag:s23] =	ssyncset.done $0x0  }
0xa1: {  	[sflag:s23] =	ssyncadd.s32 s5;
	_ =	sdelay $0x1  }
0xa2: {  	s24 =	simm.s32 $0x1B8B  }
0xa3: {  	_ =	swait.ge [sflag:s24], $0x1  }
0xa4: {  	[sflag:s24] =	ssyncset.done $0x0  }
0xa5: {  	s25 =	simm.s32 $0x1B8E;
	[sflag:s24] =	ssyncadd.s32 $0xFFFFFFFF  }
0xa6: {  	s26 =	simm.s32 $execute0_lowered;
	[smem:$0x3FD2] =	sst s25  }
0xa7: {  	s5 =	sshll.u32 s26, $0x1;
	_ =	strace $0x80000046;
	[dreg:$0x1] =	wrdreg $0xFFFFFFFF  }
0xa8: {  	s28 =	simm.s32 $_size_execute0_lowered;
	s4 =	sadd.s32 s4, s5;
	[dreg:$0x0] =	wrdreg $0x0  }
0xa9: {  	s5 =	sshll.u32 s28, $0x1;
	[dreg:$0x2] =	wrdreg s4  }
0xaa: {  	[dreg:$0x3] =	wrdreg s5  }
0xab: {  	[dreg:$0x4] =	wrdreg $0xC0  }
0xac: {  	_ =	task [dreg:s8], $0x5FFFF  }
0xad: {  	[dreg:$0x1] =	wrdreg $0xFFFFFFFF  }
0xae: {  	[dreg:$0x0] =	wrdreg $0x60  }
0xaf: {  	[dreg:$0x2] =	wrdreg s2  }
0xb0: {  	[dreg:$0x3] =	wrdreg s19  }
0xb1: {  	[dreg:$0x4] =	wrdreg $0x0  }
0xb2: {  	[dreg:$0x5] =	wrdreg $0x9  }
0xb3: {  	_ =	task.clear_ibuf [dreg:s8], $0x6FFFF;
	_ =	strace $0x90000046  }
0xb4: {  	s29 =	simm.s32 $0x9;
	_ =	strace $0x80000048  }
0xb5: {  	_ =	swait.ge [sflag:s29], $0x1  }
0xb6: {  	[sflag:s29] =	ssyncadd.s32 $0xFFFFFFFF  }
0xb7: {  	_ =	strace $0x90000048  }
0xb8: {  	_ =	sfence  }
0xb9: {  	s30 =	sld [smem:$0x0];
	_ =	sdelay $0x2  }
0xba: {  	s31 =	sshll.u32 s1, $0xD;
	s1 =	sshrl.u32 s1, $0x2  }
0xbb: {  	s3 =	sand.u32 $0x4000, s31;
	s1 =	sadd.s32 s1, s30  }
0xbc: {  	s0 =	sor.u32 s3, s0;
	s1 =	sshll.u32 s1, $0x11  }
0xbd: {  	s0 =	sor.u32 s1, s0  }
0xbe: {  	s0 =	sadd.s32 $0x8F2B, s0  }
0xbf: {  	[sflag:s0] =	ssyncadd.remote.s32 $0x1  }
0xc0: {  	_ =	sfence.sel $0xFFFF  }
0xc1: {  	[dreg:$0x0] =	wrdreg $0xFFFFFFFF;
	(pc) =	sbr.abs _section_cstart, $3  }
0xc2: {  	[dreg:$0x1] =	wrdreg $0xFFFFFFFF  }
0xc3: {  	_ =	task.clear_ibuf [dreg:s8], $0x2FFFF;
	_ =	strace $0x9FFFFFFF  }
0xc4: {  	(tm) =	ssettm $0x7FFFFFFF  }
0xc5: {  	_ =	shalt  }
tec
execute0_lowered:
.L_overlay_start_1:
0x0: {  	(tag) =	ssettag $0x1  }
0x1: {  	s0 =	srdreg.scid;
	s23 =	stileid.u32  }
0x2: {  	s7 =	sand.u32 $0x1, s0;
	s18 =	sshll.u32 s23, $0x1  }
0x3: {  	s6 =	sor.u32 s7, s18  }
0x4: {  	p1 =	seq.s32 s7, $0x1;
	p0 =	seq.s32 s6, $0x0  }
0x5: {  	p0 =	por !p0, !p1  }
0x6: {  	s0 =	simm.s32 $0x1;
	p0 =	por !p0, !p0  }
0x7: {  	s0 =	simm.s32 @!p0 $0x0  }
0x8: {  	s0 =	ssub.s32 s23, s0  }
0x9: {  	s24 =	rddreg [dreg:$0x0];
	s1 =	sand.u32 $0xC0, s0  }
0xa: {  	s5 =	rddreg [dreg:$0x1];
	s2 =	sshrl.u32 s1, $0x6  }
0xb: {  	s4 =	rddreg [dreg:$0x2];
	s3 =	sadd.s32 s2, s0  }
0xc: {  	s30 =	sadd.s32 $0x6000, s5;
	s20 =	ssub.s32 $0x2, s7;
	s2 =	sand.u32 $0xFFFFFFFC, s3  }
0xd: {  	s11 =	sshll.u32 s7, $0x1;
	s13 =	sshrl.u32 s20, $0x1;
	s8 =	ssub.s32 s0, s2  }
0xe: {  	p5 =	slt.s32 s0, $0x1;
	p6 =	sne.s32 s8, $0x0;
	s19 =	sand.u32 $0x3, s8  }
0xf: {  	s3 =	sshra.s32 s3, $0x2;
	p0 =	por !p5, !p6;
	s9 =	smul.u32 $0x3, s19  }
0x10: {  	s8 =	simm.s32 $0x1;
	s10 =	sadd.s32 $0x6, s19;
	p0 =	por !p0, !p0  }
0x11: {  	s8 =	simm.s32 @!p0 $0x0;
	p0 =	slt.u32 s19, $0x2;
	s9 =	sadd.s32 $0x3FFFFFFC, s9  }
0x12: {  	s6 =	sshll.u32 s6, $0x1;
	s3 =	ssub.s32 s3, s8;
	s9 =	smov.u32 @p0 s10  }
0x13: {  	s2 =	simm.s32 $0x0;
	s21 =	sshll.u32 s3, $0x6;
	s9 =	sshll.u32 s9, $0x2  }
0x14: {  	[smem:$0x7FF] =	sst s2;
	s10 =	sadd.s32 s9, s21;
	s9 =	simm.s32 $0x9  }
0x15: {  	s3 =	smul.u32 $0x3C, s3;
	s12 =	sor.u32 s11, s10;
	s9 =	simm.s32 @!p0 $0x25  }
0x16: {  	_ =	strace $0x80000047;
	s12 =	sshll.u32 s12, $0xD;
	s0 =	sadd.s32 s19, s9  }
0x17: {  	s9 =	ssub.s32 s20, s13;
	s22 =	sand.u32 $0x1FFFC000, s12;
	s0 =	sadd.s32 s3, s0  }
0x18: {  	s3 =	simm.s32 $0x1;
	s8 =	sadd.s32 s24, s22;
	s0 =	sshll.u32 s0, $0x2  }
0x19: {  	[dreg:$0x4] =	wrdreg s8;
	s8 =	sadd.s32 $0xC, s0;
	s12 =	sadd.s32 $0x18, s0  }
0x1a: {  	s15 =	sadd.s32 $0x24, s0;
	s17 =	sadd.s32 $0x30, s0;
	s18 =	sor.u32 s11, s0  }
0x1b: {  	s20 =	sadd.s32 $0x3C, s0;
	s22 =	sadd.s32 $0x48, s0;
	s25 =	sor.u32 s11, s8  }
0x1c: {  	s14 =	sor.u32 s11, s12;
	s16 =	sor.u32 s11, s15;
	s19 =	sor.u32 s11, s17  }
0x1d: {  	s18 =	sshll.u32 s18, $0xD;
	s21 =	sor.u32 s11, s20;
	s11 =	sor.u32 s11, s22  }
0x1e: {  	s18 =	sand.u32 $0x1FFFC000, s18;
	s13 =	sshll.u32 s25, $0xD;
	s14 =	sshll.u32 s14, $0xD  }
0x1f: {  	s31 =	sshll.u32 s16, $0xD;
	s1 =	sshll.u32 s19, $0xD;
	s21 =	sshll.u32 s21, $0xD  }
0x20: {  	s25 =	sshllo.u32 s7, $0x1;
	s11 =	sshll.u32 s11, $0xD;
	s18 =	sadd.s32 s5, s18  }
0x21: {  	s13 =	sand.u32 $0x1FFFC000, s13;
	s26 =	sand.u32 $0x1FFFC000, s14;
	s14 =	sand.u32 $0x1FFFC000, s31  }
0x22: {  	s10 =	sor.u32 s25, s10;
	s11 =	sand.u32 $0x1FFFC000, s11;
	s8 =	sor.u32 s25, s8  }
0x23: {  	s0 =	sor.u32 s25, s0;
	s16 =	sor.u32 s25, s15;
	[dreg:$0x5] =	wrdreg s18  }
0x24: {  	s13 =	sadd.s32 s5, s13;
	s14 =	sadd.s32 s5, s14;
	s18 =	sand.u32 $0x1FFFC000, s1  }
0x25: {  	s10 =	sshll.u32 s10, $0xD;
	s31 =	sadd.s32 s5, s11;
	s1 =	sshll.u32 s23, $0x10  }
0x26: {  	s11 =	sshll.u32 s23, $0x7;
	s0 =	sshll.u32 s0, $0xD;
	[dreg:$0x6] =	wrdreg s13  }
0x27: {  	s8 =	sshll.u32 s8, $0xD;
	s13 =	sadd.s32 s5, s26;
	[dreg:$0x8] =	wrdreg s14  }
0x28: {  	s19 =	sadd.s32 s5, s18;
	s26 =	sand.u32 $0x1FFFC000, s21;
	s10 =	sand.u32 $0x1FFFE000, s10  }
0x29: {  	[dreg:$0xb] =	wrdreg s31;
	s18 =	sor.u32 s25, s17;
	s0 =	sand.u32 $0x1FFFE000, s0  }
0x2a: {  	s8 =	sand.u32 $0x1FFFE000, s8;
	s31 =	sshll.u32 s16, $0xD;
	[dreg:$0x7] =	wrdreg s13  }
0x2b: {  	s11 =	sand.u32 $0x380, s11;
	[dreg:$0x9] =	wrdreg s19;
	s7 =	sadd.s32 s5, s26  }
0x2c: {  	s10 =	sadd.s32 s24, s10;
	s13 =	sor.u32 s25, s12;
	s19 =	sor.u32 s25, s20  }
0x2d: {  	s0 =	sadd.s32 s5, s0;
	s20 =	sadd.s32 s5, s8;
	[dreg:$0xa] =	wrdreg s7  }
0x2e: {  	s25 =	sor.u32 s25, s22;
	s12 =	sand.u32 $0xE, s6;
	[dreg:$0xc] =	wrdreg s10  }
0x2f: {  	s22 =	sshrl.u32 s23, $0x2;
	s7 =	sand.u32 $0x80000, s1;
	[dreg:$0xd] =	wrdreg s0  }
0x30: {  	s10 =	sshll.u32 s13, $0xD;
	[dreg:$0xe] =	wrdreg s20;
	s0 =	sand.u32 $0x1FFFE000, s31  }
0x31: {  	s1 =	sshll.u32 s18, $0xD;
	s14 =	smul.u32 $0x56, s12;
	s17 =	sshll.u32 s19, $0xD  }
0x32: {  	s19 =	sshll.u32 s25, $0xD;
	s25 =	smul.u32 $0x3, s12;
	s6 =	sshll.u32 s22, $0x4  }
0x33: {  	p0 =	slt.u32 s12, $0x9;
	s21 =	sand.u32 $0x1FFFE000, s10;
	s0 =	sadd.s32 s5, s0  }
0x34: {  	s13 =	sand.u32 $0x1FFFE000, s1;
	s18 =	sand.u32 $0x1FFFE000, s17;
	s4 =	sadd.s32 s7, s4  }
0x35: {  	s7 =	sadd.s32 $0x2000, s24;
	s26 =	sadd.s32 s5, s21;
	[dreg:$0x10] =	wrdreg s0  }
0x36: {  	s16 =	sadd.s32 s5, s13;
	s8 =	sshrl.u32 s14, $0x8;
	s0 =	sadd.s32 s5, s18  }
0x37: {  	s21 =	sand.u32 $0x1FFFE000, s19;
	s15 =	sadd.s32 $0xFFFFFFF0, s25;
	[dreg:$0xf] =	wrdreg s26  }
0x38: {  	s13 =	sadd.s32 $0xE, s25;
	[dreg:$0x11] =	wrdreg s16;
	s20 =	smul.u32 $0x3, s8  }
0x39: {  	[dreg:$0x12] =	wrdreg s0;
	s0 =	sadd.s32 s5, s21;
	s26 =	sor.u32 s6, s12  }
0x3a: {  	s15 =	smov.u32 @p0 s12;
	[dreg:$0x13] =	wrdreg s0;
	s0 =	sshll.u32 s26, $0xF  }
0x3b: {  	s10 =	ssub.s32 s12, s20;
	s1 =	sadd.s32 s24, s0;
	s12 =	sor.u32 $0x1, s12  }
0x3c: {  	s19 =	sadd.s32 s0, s7;
	s10 =	smul.u32 $0x3, s10;
	[dreg:$0x14] =	wrdreg s1  }
0x3d: {  	s18 =	smul.u32 $0x56, s12;
	[dreg:$0x17] =	wrdreg s19;
	s19 =	sadd.s32 s11, s4  }
0x3e: {  	s1 =	sshll.u32 s23, $0x6;
	s11 =	sadd.s32 $0x4000, s24;
	s26 =	smul.u32 $0x3, s12  }
0x3f: {  	s6 =	sor.u32 s6, s12;
	s25 =	sadd.s32 s0, s11;
	s4 =	sor.u32 $0x1C01, s1  }
0x40: {  	[dreg:$0x1b] =	wrdreg s1;
	s8 =	sadd.s32 s10, s8;
	s10 =	smul.u32 $0x3C, s22  }
0x41: {  	s6 =	sshll.u32 s6, $0xF;
	[dreg:$0x1a] =	wrdreg s25;
	s8 =	sadd.s32 $0x1E, s8  }
0x42: {  	s29 =	sadd.s32 s24, s6;
	s8 =	sand.u32 $0xFF, s8;
	s31 =	sadd.s32 s10, s15  }
0x43: {  	s15 =	sshrl.u32 s18, $0x8;
	s18 =	sadd.s32 $0xE, s26;
	s13 =	smov.u32 @p0 s8  }
0x44: {  	s14 =	sshll.u32 s31, $0xF;
	s21 =	smul.u32 $0x3, s15;
	s31 =	sadd.s32 $0x4000, s5  }
0x45: {  	p0 =	slt.u32 s12, $0x9;
	s13 =	sadd.s32 s10, s13;
	s8 =	sand.u32 $0x1FFF0000, s14  }
0x46: {  	s16 =	sadd.s32 s5, s8;
	s13 =	sshll.u32 s13, $0xF;
	s23 =	ssub.s32 s12, s21  }
0x47: {  	s21 =	sadd.s32 s8, s31;
	[dreg:$0x15] =	wrdreg s16;
	s14 =	smul.u32 $0x3, s23  }
0x48: {  	s17 =	sadd.s32 s5, s13;
	s16 =	sadd.s32 $0x2000, s5;
	s25 =	sadd.s32 s13, s31  }
0x49: {  	[dreg:$0x16] =	wrdreg s17;
	s20 =	sadd.s32 s8, s16;
	s14 =	sadd.s32 s14, s15  }
0x4a: {  	s22 =	sadd.s32 s13, s16;
	[dreg:$0x18] =	wrdreg s20;
	s14 =	sadd.s32 $0x1E, s14  }
0x4b: {  	[dreg:$0x19] =	wrdreg s22;
	s15 =	sadd.s32 $0x6000, s24;
	s14 =	sand.u32 $0xFF, s14  }
0x4c: {  	s22 =	sadd.s32 s8, s30;
	s18 =	smov.u32 @p0 s14;
	s14 =	sadd.s32 $0xFFFFFFF0, s26  }
0x4d: {  	s20 =	sadd.s32 s6, s7;
	s28 =	sadd.s32 s0, s15;
	s14 =	smov.u32 @p0 s12  }
0x4e: {  	s26 =	sadd.s32 s13, s30;
	s8 =	sadd.s32 s10, s14;
	s10 =	sadd.s32 s10, s18  }
0x4f: {  	p0 =	por $0x0, $0x0;
	s0 =	sshll.u32 s8, $0xF;
	s8 =	sshll.u32 s10, $0xF  }
0x50: {  	s14 =	sadd.s32 s6, s11;
	s0 =	sand.u32 $0x1FFF8000, s0;
	s13 =	sand.u32 $0x1FFF8000, s8  }
0x51: {  	s11 =	sadd.s32 s0, s31;
	s12 =	sadd.s32 s13, s31;
	s31 =	smax.u32 s9, $0x1  }
0x52: {  	s10 =	simm.s32 $0x10000;
	s8 =	sadd.s32 s6, s15;
	p1 =	sne.s32 s31, $0x1  }
.Ltmp0:
0x53: {  	s15 =	sshrl.u32 s19, $0x3;
	s19 =	simm.s32 $0x10;
	(pc) =	sbr.rel @!p1 .LBB2_3-.Ltmp0, $4  }
0x54: {  	s23 =	sadd.s32 s5, s0;
	s24 =	sadd.s32 s5, s13;
	s17 =	sadd.s32 s0, s16  }
0x55: {  	s18 =	sadd.s32 s13, s16;
	s6 =	sadd.s32 s0, s30;
	s7 =	sadd.s32 s13, s30  }
0x56: {  	s16 =	simm.s32 $0x80;
	s13 =	simm.s32 $0x2;
	s9 =	simm.s32 $0x3  }
0x57: {  	s5 =	simm.s32 $0x4;
	s0 =	rddreg [dreg:$0x4];
	s30 =	sadd.s32 $0xFFFFFFFF, s31  }
0x58: {  	[spmem:s15@s16], [sflag:s4] =	dma.strided [hbm:s0@s19], $0x2000, s3, $0x10   }
0x59: {  	_ =	swait.ge [sflag:s3], $0x2000  }
0x5a: {  	[sflag:s3] =	ssyncset.done $0x0  }
0x5b: {  	s31 =	sor.u32 $0x1C03, s1;
	s0 =	rddreg [dreg:$0x5];
	[sflag:s3] =	ssyncadd.s32 $0xFFFFE000  }
0x5c: {  	[hbm:s0@s19], [sflag:s31] =	dma.strided [spmem:s15@s16], $0x2000, s3, $0x10   }
0x5d: {  	s0 =	rddreg [dreg:$0x6]  }
0x5e: {  	[hbm:s0@s19], [sflag:s31] =	dma.strided [spmem:s15@s16], $0x2000, s3, $0x10   }
0x5f: {  	s0 =	rddreg [dreg:$0x7]  }
0x60: {  	[hbm:s0@s19], [sflag:s31] =	dma.strided [spmem:s15@s16], $0x2000, s3, $0x10   }
0x61: {  	s0 =	rddreg [dreg:$0x8]  }
0x62: {  	[hbm:s0@s19], [sflag:s31] =	dma.strided [spmem:s15@s16], $0x2000, s3, $0x10   }
0x63: {  	s0 =	rddreg [dreg:$0x9]  }
0x64: {  	[hbm:s0@s19], [sflag:s31] =	dma.strided [spmem:s15@s16], $0x2000, s3, $0x10   }
0x65: {  	s0 =	rddreg [dreg:$0xa]  }
0x66: {  	[hbm:s0@s19], [sflag:s31] =	dma.strided [spmem:s15@s16], $0x2000, s3, $0x10   }
0x67: {  	s0 =	rddreg [dreg:$0xb]  }
0x68: {  	[hbm:s0@s19], [sflag:s31] =	dma.strided [spmem:s15@s16], $0x2000, s3, $0x10   }
0x69: {  	s0 =	rddreg [dreg:$0xc]  }
0x6a: {  	[tilespmem:s10], [sflag:$0x2] =	stream.linear.gather [hbm4b:s0+s2], $0x10000, $0x38;
	v63 =	vld [tilespmem:$0x0]  }
0x6b: {  	_ =	swait.ge [sflag:s13], $0x10000  }
0x6c: {  	[sflag:s13] =	ssyncset.done $0x0  }
0x6d: {  	s0 =	rddreg [dreg:$0xd];
	[sflag:s13] =	ssyncadd.s32 $0xFFFF0000  }
0x6e: {  	[hbm4b:s0+s2] =	stream.linear.scatter [tilespmem:s10], [sflag:$0x4], $0x10000, $0x38;
	v63 =	vld [tilespmem:$0x0]  }
0x6f: {  	s1 =	smov.u32 s30;
	s30 =	rddreg [dreg:$0xe]  }
0x70: {  	[hbm4b:s30+s2] =	stream.linear.scatter [tilespmem:s10], [sflag:$0x4], $0x10000, $0x38;
	v63 =	vld [tilespmem:$0x0]  }
0x71: {  	s0 =	rddreg [dreg:$0xf]  }
0x72: {  	[hbm4b:s0+s2] =	stream.linear.scatter [tilespmem:s10], [sflag:$0x4], $0x10000, $0x38;
	v63 =	vld [tilespmem:$0x0]  }
0x73: {  	s30 =	rddreg [dreg:$0x10]  }
0x74: {  	[hbm4b:s30+s2] =	stream.linear.scatter [tilespmem:s10], [sflag:$0x4], $0x10000, $0x38;
	v63 =	vld [tilespmem:$0x0]  }
0x75: {  	s0 =	rddreg [dreg:$0x11]  }
0x76: {  	[hbm4b:s0+s2] =	stream.linear.scatter [tilespmem:s10], [sflag:$0x4], $0x10000, $0x38;
	v63 =	vld [tilespmem:$0x0]  }
0x77: {  	s30 =	rddreg [dreg:$0x12]  }
0x78: {  	[hbm4b:s30+s2] =	stream.linear.scatter [tilespmem:s10], [sflag:$0x4], $0x10000, $0x38;
	v63 =	vld [tilespmem:$0x0]  }
0x79: {  	s0 =	rddreg [dreg:$0x13]  }
0x7a: {  	[hbm4b:s0+s2] =	stream.linear.scatter [tilespmem:s10], [sflag:$0x4], $0x10000, $0x38;
	v63 =	vld [tilespmem:$0x0]  }
0x7b: {  	_ =	swait.ge [sflag:s9], $0x2000  }
0x7c: {  	[sflag:s9] =	ssyncset.done $0x0  }
0x7d: {  	[sflag:s9] =	ssyncadd.s32 $0xFFFFE000  }
0x7e: {  	_ =	swait.ge [sflag:s9], $0x2000  }
0x7f: {  	[sflag:s9] =	ssyncset.done $0x0  }
0x80: {  	[sflag:s9] =	ssyncadd.s32 $0xFFFFE000  }
0x81: {  	_ =	swait.ge [sflag:s9], $0x2000  }
0x82: {  	[sflag:s9] =	ssyncset.done $0x0  }
0x83: {  	[sflag:s9] =	ssyncadd.s32 $0xFFFFE000  }
0x84: {  	_ =	swait.ge [sflag:s9], $0x2000  }
0x85: {  	[sflag:s9] =	ssyncset.done $0x0  }
0x86: {  	[sflag:s9] =	ssyncadd.s32 $0xFFFFE000  }
0x87: {  	_ =	swait.ge [sflag:s9], $0x2000  }
0x88: {  	[sflag:s9] =	ssyncset.done $0x0  }
0x89: {  	[sflag:s9] =	ssyncadd.s32 $0xFFFFE000  }
0x8a: {  	_ =	swait.ge [sflag:s9], $0x2000  }
0x8b: {  	[sflag:s9] =	ssyncset.done $0x0  }
0x8c: {  	[sflag:s9] =	ssyncadd.s32 $0xFFFFE000  }
0x8d: {  	_ =	swait.ge [sflag:s9], $0x2000  }
0x8e: {  	[sflag:s9] =	ssyncset.done $0x0  }
0x8f: {  	s30 =	rddreg [dreg:$0x14];
	[sflag:s9] =	ssyncadd.s32 $0xFFFFE000  }
0x90: {  	[spmem:s15@s16], [sflag:s4] =	dma.strided [hbm:s30@s19], $0x2000, s3, $0x10   }
0x91: {  	_ =	swait.ge [sflag:s3], $0x2000  }
0x92: {  	[sflag:s3] =	ssyncset.done $0x0  }
0x93: {  	s30 =	rddreg [dreg:$0x15];
	[sflag:s3] =	ssyncadd.s32 $0xFFFFE000  }
0x94: {  	[hbm:s30@s19], [sflag:s31] =	dma.strided [spmem:s15@s16], $0x2000, s3, $0x10   }
0x95: {  	s0 =	rddreg [dreg:$0x16]  }
0x96: {  	[hbm:s0@s19], [sflag:s31] =	dma.strided [spmem:s15@s16], $0x2000, s3, $0x10   }
0x97: {  	_ =	swait.ge [sflag:s5], $0x10000  }
0x98: {  	[sflag:s5] =	ssyncset.done $0x0  }
0x99: {  	[sflag:s5] =	ssyncadd.s32 $0xFFFF0000  }
0x9a: {  	_ =	swait.ge [sflag:s5], $0x10000  }
0x9b: {  	[sflag:s5] =	ssyncset.done $0x0  }
0x9c: {  	[sflag:s5] =	ssyncadd.s32 $0xFFFF0000  }
0x9d: {  	_ =	swait.ge [sflag:s5], $0x10000  }
0x9e: {  	[sflag:s5] =	ssyncset.done $0x0  }
0x9f: {  	[sflag:s5] =	ssyncadd.s32 $0xFFFF0000  }
0xa0: {  	_ =	swait.ge [sflag:s5], $0x10000  }
0xa1: {  	[sflag:s5] =	ssyncset.done $0x0  }
0xa2: {  	[sflag:s5] =	ssyncadd.s32 $0xFFFF0000  }
0xa3: {  	_ =	swait.ge [sflag:s5], $0x10000  }
0xa4: {  	[sflag:s5] =	ssyncset.done $0x0  }
0xa5: {  	[sflag:s5] =	ssyncadd.s32 $0xFFFF0000  }
0xa6: {  	_ =	swait.ge [sflag:s5], $0x10000  }
0xa7: {  	[sflag:s5] =	ssyncset.done $0x0  }
0xa8: {  	[sflag:s5] =	ssyncadd.s32 $0xFFFF0000  }
0xa9: {  	_ =	swait.ge [sflag:s5], $0x10000  }
0xaa: {  	[sflag:s5] =	ssyncset.done $0x0  }
0xab: {  	s30 =	rddreg [dreg:$0x17];
	[sflag:s5] =	ssyncadd.s32 $0xFFFF0000  }
0xac: {  	[tilespmem:s10], [sflag:$0x2] =	stream.linear.gather [hbm4b:s30+s2], $0x10000, $0x38;
	v63 =	vld [tilespmem:$0x0]  }
0xad: {  	_ =	swait.ge [sflag:s13], $0x10000  }
0xae: {  	[sflag:s13] =	ssyncset.done $0x0  }
0xaf: {  	s0 =	rddreg [dreg:$0x18];
	[sflag:s13] =	ssyncadd.s32 $0xFFFF0000  }
0xb0: {  	[hbm4b:s0+s2] =	stream.linear.scatter [tilespmem:s10], [sflag:$0x4], $0x10000, $0x38;
	v63 =	vld [tilespmem:$0x0]  }
0xb1: {  	s30 =	rddreg [dreg:$0x19]  }
0xb2: {  	[hbm4b:s30+s2] =	stream.linear.scatter [tilespmem:s10], [sflag:$0x4], $0x10000, $0x38;
	v63 =	vld [tilespmem:$0x0]  }
0xb3: {  	_ =	swait.ge [sflag:s9], $0x2000  }
0xb4: {  	[sflag:s9] =	ssyncset.done $0x0  }
0xb5: {  	[sflag:s9] =	ssyncadd.s32 $0xFFFFE000  }
0xb6: {  	_ =	swait.ge [sflag:s9], $0x2000  }
0xb7: {  	[sflag:s9] =	ssyncset.done $0x0  }
0xb8: {  	s30 =	rddreg [dreg:$0x1a];
	[sflag:s9] =	ssyncadd.s32 $0xFFFFE000  }
0xb9: {  	[spmem:s15@s16], [sflag:s4] =	dma.strided [hbm:s30@s19], $0x2000, s3, $0x10   }
0xba: {  	_ =	swait.ge [sflag:s3], $0x2000  }
0xbb: {  	[sflag:s3] =	ssyncset.done $0x0  }
0xbc: {  	[sflag:s3] =	ssyncadd.s32 $0xFFFFE000  }
0xbd: {  	[hbm:s21@s19], [sflag:s31] =	dma.strided [spmem:s15@s16], $0x2000, s3, $0x10   }
0xbe: {  	[hbm:s25@s19], [sflag:s31] =	dma.strided [spmem:s15@s16], $0x2000, s3, $0x10   }
0xbf: {  	_ =	swait.ge [sflag:s5], $0x10000  }
0xc0: {  	[sflag:s5] =	ssyncset.done $0x0  }
0xc1: {  	[sflag:s5] =	ssyncadd.s32 $0xFFFF0000  }
0xc2: {  	_ =	swait.ge [sflag:s5], $0x10000  }
0xc3: {  	[sflag:s5] =	ssyncset.done $0x0  }
0xc4: {  	[sflag:s5] =	ssyncadd.s32 $0xFFFF0000  }
0xc5: {  	[tilespmem:s10], [sflag:$0x2] =	stream.linear.gather [hbm4b:s28+s2], $0x10000, $0x38;
	v63 =	vld [tilespmem:$0x0]  }
0xc6: {  	_ =	swait.ge [sflag:s13], $0x10000  }
0xc7: {  	[sflag:s13] =	ssyncset.done $0x0  }
0xc8: {  	[sflag:s13] =	ssyncadd.s32 $0xFFFF0000  }
0xc9: {  	[hbm4b:s22+s2] =	stream.linear.scatter [tilespmem:s10], [sflag:$0x4], $0x10000, $0x38;
	v63 =	vld [tilespmem:$0x0]  }
0xca: {  	_ = 	snop  }
0xcb: {  	[hbm4b:s26+s2] =	stream.linear.scatter [tilespmem:s10], [sflag:$0x4], $0x10000, $0x38;
	v63 =	vld [tilespmem:$0x0]  }
0xcc: {  	_ =	swait.ge [sflag:s9], $0x2000  }
0xcd: {  	[sflag:s9] =	ssyncset.done $0x0  }
0xce: {  	[sflag:s9] =	ssyncadd.s32 $0xFFFFE000  }
0xcf: {  	_ =	swait.ge [sflag:s9], $0x2000  }
0xd0: {  	[sflag:s9] =	ssyncset.done $0x0  }
0xd1: {  	[sflag:s9] =	ssyncadd.s32 $0xFFFFE000  }
0xd2: {  	[spmem:s15@s16], [sflag:s4] =	dma.strided [hbm:s29@s19], $0x2000, s3, $0x10   }
0xd3: {  	_ =	swait.ge [sflag:s3], $0x2000  }
0xd4: {  	[sflag:s3] =	ssyncset.done $0x0  }
0xd5: {  	[sflag:s3] =	ssyncadd.s32 $0xFFFFE000  }
0xd6: {  	[hbm:s23@s19], [sflag:s31] =	dma.strided [spmem:s15@s16], $0x2000, s3, $0x10   }
0xd7: {  	[hbm:s24@s19], [sflag:s31] =	dma.strided [spmem:s15@s16], $0x2000, s3, $0x10   }
0xd8: {  	_ =	swait.ge [sflag:s5], $0x10000  }
0xd9: {  	[sflag:s5] =	ssyncset.done $0x0  }
0xda: {  	[sflag:s5] =	ssyncadd.s32 $0xFFFF0000  }
0xdb: {  	_ =	swait.ge [sflag:s5], $0x10000  }
0xdc: {  	[sflag:s5] =	ssyncset.done $0x0  }
0xdd: {  	[sflag:s5] =	ssyncadd.s32 $0xFFFF0000  }
0xde: {  	[tilespmem:s10], [sflag:$0x2] =	stream.linear.gather [hbm4b:s20+s2], $0x10000, $0x38;
	v63 =	vld [tilespmem:$0x0]  }
0xdf: {  	_ =	swait.ge [sflag:s13], $0x10000  }
0xe0: {  	[sflag:s13] =	ssyncset.done $0x0  }
0xe1: {  	[sflag:s13] =	ssyncadd.s32 $0xFFFF0000  }
0xe2: {  	[hbm4b:s17+s2] =	stream.linear.scatter [tilespmem:s10], [sflag:$0x4], $0x10000, $0x38;
	v63 =	vld [tilespmem:$0x0]  }
0xe3: {  	_ = 	snop  }
0xe4: {  	[hbm4b:s18+s2] =	stream.linear.scatter [tilespmem:s10], [sflag:$0x4], $0x10000, $0x38;
	v63 =	vld [tilespmem:$0x0]  }
0xe5: {  	_ =	swait.ge [sflag:s9], $0x2000  }
0xe6: {  	[sflag:s9] =	ssyncset.done $0x0  }
0xe7: {  	[sflag:s9] =	ssyncadd.s32 $0xFFFFE000  }
0xe8: {  	_ =	swait.ge [sflag:s9], $0x2000  }
0xe9: {  	[sflag:s9] =	ssyncset.done $0x0  }
0xea: {  	[sflag:s9] =	ssyncadd.s32 $0xFFFFE000  }
0xeb: {  	[spmem:s15@s16], [sflag:s4] =	dma.strided [hbm:s14@s19], $0x2000, s3, $0x10   }
0xec: {  	_ =	swait.ge [sflag:s3], $0x2000  }
0xed: {  	[sflag:s3] =	ssyncset.done $0x0  }
0xee: {  	[sflag:s3] =	ssyncadd.s32 $0xFFFFE000  }
0xef: {  	[hbm:s11@s19], [sflag:s31] =	dma.strided [spmem:s15@s16], $0x2000, s3, $0x10   }
0xf0: {  	[hbm:s12@s19], [sflag:s31] =	dma.strided [spmem:s15@s16], $0x2000, s3, $0x10   }
0xf1: {  	_ =	swait.ge [sflag:s5], $0x10000  }
0xf2: {  	[sflag:s5] =	ssyncset.done $0x0  }
0xf3: {  	[sflag:s5] =	ssyncadd.s32 $0xFFFF0000  }
0xf4: {  	_ =	swait.ge [sflag:s5], $0x10000  }
0xf5: {  	[sflag:s5] =	ssyncset.done $0x0  }
0xf6: {  	[sflag:s5] =	ssyncadd.s32 $0xFFFF0000  }
0xf7: {  	[tilespmem:s10], [sflag:$0x2] =	stream.linear.gather [hbm4b:s8+s2], $0x10000, $0x38;
	v63 =	vld [tilespmem:$0x0]  }
0xf8: {  	_ =	swait.ge [sflag:s13], $0x10000  }
0xf9: {  	[sflag:s13] =	ssyncset.done $0x0  }
0xfa: {  	[sflag:s13] =	ssyncadd.s32 $0xFFFF0000  }
0xfb: {  	[hbm4b:s6+s2] =	stream.linear.scatter [tilespmem:s10], [sflag:$0x4], $0x10000, $0x38;
	v63 =	vld [tilespmem:$0x0]  }
0xfc: {  	_ = 	snop  }
0xfd: {  	[hbm4b:s7+s2] =	stream.linear.scatter [tilespmem:s10], [sflag:$0x4], $0x10000, $0x38;
	v63 =	vld [tilespmem:$0x0]  }
0xfe: {  	_ =	swait.ge [sflag:s9], $0x2000  }
0xff: {  	[sflag:s9] =	ssyncset.done $0x0  }
0x100: {  	[sflag:s9] =	ssyncadd.s32 $0xFFFFE000  }
0x101: {  	_ =	swait.ge [sflag:s9], $0x2000  }
0x102: {  	[sflag:s9] =	ssyncset.done $0x0  }
0x103: {  	p1 =	sne.s32 s1, $0x1;
	[sflag:s9] =	ssyncadd.s32 $0xFFFFE000  }
.Ltmp1:
0x104: {  	_ =	swait.ge [sflag:s5], $0x10000;
	(pc) =	sbr.rel @!p1 .LBB2_3-.Ltmp1, $4  }
0x105: {  	[sflag:s5] =	ssyncset.done $0x0  }
0x106: {  	[sflag:s5] =	ssyncadd.s32 $0xFFFF0000  }
0x107: {  	p0 =	por $0x1, $0x1;
	_ =	swait.ge [sflag:s5], $0x10000  }
0x108: {  	s1 =	sadd.s32 $0xFFFFFFFF, s1;
	s0 =	rddreg [dreg:$0x4];
	[sflag:s5] =	ssyncset.done $0x0  }
.LBB2_2:
0x109: {  	[sflag:s5] =	ssyncadd.s32 $0xFFFF0000  }
0x10a: {  	[spmem:s15@s16], [sflag:s4] =	dma.strided [hbm:s0@s19], $0x2000, s3, $0x10   }
0x10b: {  	_ =	swait.ge [sflag:s3], $0x2000  }
0x10c: {  	[sflag:s3] =	ssyncset.done $0x0  }
0x10d: {  	s30 =	rddreg [dreg:$0x5];
	[sflag:s3] =	ssyncadd.s32 $0xFFFFE000  }
0x10e: {  	[hbm:s30@s19], [sflag:s31] =	dma.strided [spmem:s15@s16], $0x2000, s3, $0x10   }
0x10f: {  	s0 =	rddreg [dreg:$0x6]  }
0x110: {  	[hbm:s0@s19], [sflag:s31] =	dma.strided [spmem:s15@s16], $0x2000, s3, $0x10   }
0x111: {  	s0 =	rddreg [dreg:$0x7]  }
0x112: {  	[hbm:s0@s19], [sflag:s31] =	dma.strided [spmem:s15@s16], $0x2000, s3, $0x10   }
0x113: {  	s0 =	rddreg [dreg:$0x8]  }
0x114: {  	[hbm:s0@s19], [sflag:s31] =	dma.strided [spmem:s15@s16], $0x2000, s3, $0x10   }
0x115: {  	s0 =	rddreg [dreg:$0x9]  }
0x116: {  	[hbm:s0@s19], [sflag:s31] =	dma.strided [spmem:s15@s16], $0x2000, s3, $0x10   }
0x117: {  	s0 =	rddreg [dreg:$0xa]  }
0x118: {  	[hbm:s0@s19], [sflag:s31] =	dma.strided [spmem:s15@s16], $0x2000, s3, $0x10   }
0x119: {  	s0 =	rddreg [dreg:$0xb]  }
0x11a: {  	[hbm:s0@s19], [sflag:s31] =	dma.strided [spmem:s15@s16], $0x2000, s3, $0x10   }
0x11b: {  	s0 =	rddreg [dreg:$0xc]  }
0x11c: {  	[tilespmem:s10], [sflag:$0x2] =	stream.linear.gather [hbm4b:s0+s2], $0x10000, $0x38;
	v63 =	vld [tilespmem:$0x0]  }
0x11d: {  	_ =	swait.ge [sflag:s13], $0x10000  }
0x11e: {  	[sflag:s13] =	ssyncset.done $0x0  }
0x11f: {  	s0 =	rddreg [dreg:$0xd];
	[sflag:s13] =	ssyncadd.s32 $0xFFFF0000  }
0x120: {  	[hbm4b:s0+s2] =	stream.linear.scatter [tilespmem:s10], [sflag:$0x4], $0x10000, $0x38;
	v63 =	vld [tilespmem:$0x0]  }
0x121: {  	s30 =	rddreg [dreg:$0xe]  }
0x122: {  	[hbm4b:s30+s2] =	stream.linear.scatter [tilespmem:s10], [sflag:$0x4], $0x10000, $0x38;
	v63 =	vld [tilespmem:$0x0]  }
0x123: {  	s0 =	rddreg [dreg:$0xf]  }
0x124: {  	[hbm4b:s0+s2] =	stream.linear.scatter [tilespmem:s10], [sflag:$0x4], $0x10000, $0x38;
	v63 =	vld [tilespmem:$0x0]  }
0x125: {  	s30 =	rddreg [dreg:$0x10]  }
0x126: {  	[hbm4b:s30+s2] =	stream.linear.scatter [tilespmem:s10], [sflag:$0x4], $0x10000, $0x38;
	v63 =	vld [tilespmem:$0x0]  }
0x127: {  	s0 =	rddreg [dreg:$0x11]  }
0x128: {  	[hbm4b:s0+s2] =	stream.linear.scatter [tilespmem:s10], [sflag:$0x4], $0x10000, $0x38;
	v63 =	vld [tilespmem:$0x0]  }
0x129: {  	s30 =	rddreg [dreg:$0x12]  }
0x12a: {  	[hbm4b:s30+s2] =	stream.linear.scatter [tilespmem:s10], [sflag:$0x4], $0x10000, $0x38;
	v63 =	vld [tilespmem:$0x0]  }
0x12b: {  	s0 =	rddreg [dreg:$0x13]  }
0x12c: {  	[hbm4b:s0+s2] =	stream.linear.scatter [tilespmem:s10], [sflag:$0x4], $0x10000, $0x38;
	v63 =	vld [tilespmem:$0x0]  }
0x12d: {  	_ =	swait.ge [sflag:s9], $0x2000  }
0x12e: {  	[sflag:s9] =	ssyncset.done $0x0  }
0x12f: {  	[sflag:s9] =	ssyncadd.s32 $0xFFFFE000  }
0x130: {  	_ =	swait.ge [sflag:s9], $0x2000  }
0x131: {  	[sflag:s9] =	ssyncset.done $0x0  }
0x132: {  	[sflag:s9] =	ssyncadd.s32 $0xFFFFE000  }
0x133: {  	_ =	swait.ge [sflag:s9], $0x2000  }
0x134: {  	[sflag:s9] =	ssyncset.done $0x0  }
0x135: {  	[sflag:s9] =	ssyncadd.s32 $0xFFFFE000  }
0x136: {  	_ =	swait.ge [sflag:s9], $0x2000  }
0x137: {  	[sflag:s9] =	ssyncset.done $0x0  }
0x138: {  	[sflag:s9] =	ssyncadd.s32 $0xFFFFE000  }
0x139: {  	_ =	swait.ge [sflag:s9], $0x2000  }
0x13a: {  	[sflag:s9] =	ssyncset.done $0x0  }
0x13b: {  	[sflag:s9] =	ssyncadd.s32 $0xFFFFE000  }
0x13c: {  	_ =	swait.ge [sflag:s9], $0x2000  }
0x13d: {  	[sflag:s9] =	ssyncset.done $0x0  }
0x13e: {  	[sflag:s9] =	ssyncadd.s32 $0xFFFFE000  }
0x13f: {  	_ =	swait.ge [sflag:s9], $0x2000  }
0x140: {  	[sflag:s9] =	ssyncset.done $0x0  }
0x141: {  	s30 =	rddreg [dreg:$0x14];
	[sflag:s9] =	ssyncadd.s32 $0xFFFFE000  }
0x142: {  	[spmem:s15@s16], [sflag:s4] =	dma.strided [hbm:s30@s19], $0x2000, s3, $0x10   }
0x143: {  	_ =	swait.ge [sflag:s3], $0x2000  }
0x144: {  	[sflag:s3] =	ssyncset.done $0x0  }
0x145: {  	s30 =	rddreg [dreg:$0x15];
	[sflag:s3] =	ssyncadd.s32 $0xFFFFE000  }
0x146: {  	[hbm:s30@s19], [sflag:s31] =	dma.strided [spmem:s15@s16], $0x2000, s3, $0x10   }
0x147: {  	s0 =	rddreg [dreg:$0x16]  }
0x148: {  	[hbm:s0@s19], [sflag:s31] =	dma.strided [spmem:s15@s16], $0x2000, s3, $0x10   }
0x149: {  	_ =	swait.ge [sflag:s5], $0x10000  }
0x14a: {  	[sflag:s5] =	ssyncset.done $0x0  }
0x14b: {  	[sflag:s5] =	ssyncadd.s32 $0xFFFF0000  }
0x14c: {  	_ =	swait.ge [sflag:s5], $0x10000  }
0x14d: {  	[sflag:s5] =	ssyncset.done $0x0  }
0x14e: {  	[sflag:s5] =	ssyncadd.s32 $0xFFFF0000  }
0x14f: {  	_ =	swait.ge [sflag:s5], $0x10000  }
0x150: {  	[sflag:s5] =	ssyncset.done $0x0  }
0x151: {  	[sflag:s5] =	ssyncadd.s32 $0xFFFF0000  }
0x152: {  	_ =	swait.ge [sflag:s5], $0x10000  }
0x153: {  	[sflag:s5] =	ssyncset.done $0x0  }
0x154: {  	[sflag:s5] =	ssyncadd.s32 $0xFFFF0000  }
0x155: {  	_ =	swait.ge [sflag:s5], $0x10000  }
0x156: {  	[sflag:s5] =	ssyncset.done $0x0  }
0x157: {  	[sflag:s5] =	ssyncadd.s32 $0xFFFF0000  }
0x158: {  	_ =	swait.ge [sflag:s5], $0x10000  }
0x159: {  	[sflag:s5] =	ssyncset.done $0x0  }
0x15a: {  	[sflag:s5] =	ssyncadd.s32 $0xFFFF0000  }
0x15b: {  	_ =	swait.ge [sflag:s5], $0x10000  }
0x15c: {  	[sflag:s5] =	ssyncset.done $0x0  }
0x15d: {  	s30 =	rddreg [dreg:$0x17];
	[sflag:s5] =	ssyncadd.s32 $0xFFFF0000  }
0x15e: {  	[tilespmem:s10], [sflag:$0x2] =	stream.linear.gather [hbm4b:s30+s2], $0x10000, $0x38;
	v63 =	vld [tilespmem:$0x0]  }
0x15f: {  	_ =	swait.ge [sflag:s13], $0x10000  }
0x160: {  	[sflag:s13] =	ssyncset.done $0x0  }
0x161: {  	s0 =	rddreg [dreg:$0x18];
	[sflag:s13] =	ssyncadd.s32 $0xFFFF0000  }
0x162: {  	[hbm4b:s0+s2] =	stream.linear.scatter [tilespmem:s10], [sflag:$0x4], $0x10000, $0x38;
	v63 =	vld [tilespmem:$0x0]  }
0x163: {  	s30 =	rddreg [dreg:$0x19]  }
0x164: {  	[hbm4b:s30+s2] =	stream.linear.scatter [tilespmem:s10], [sflag:$0x4], $0x10000, $0x38;
	v63 =	vld [tilespmem:$0x0]  }
0x165: {  	_ =	swait.ge [sflag:s9], $0x2000  }
0x166: {  	[sflag:s9] =	ssyncset.done $0x0  }
0x167: {  	[sflag:s9] =	ssyncadd.s32 $0xFFFFE000  }
0x168: {  	_ =	swait.ge [sflag:s9], $0x2000  }
0x169: {  	[sflag:s9] =	ssyncset.done $0x0  }
0x16a: {  	s30 =	rddreg [dreg:$0x1a];
	[sflag:s9] =	ssyncadd.s32 $0xFFFFE000  }
0x16b: {  	[spmem:s15@s16], [sflag:s4] =	dma.strided [hbm:s30@s19], $0x2000, s3, $0x10   }
0x16c: {  	_ =	swait.ge [sflag:s3], $0x2000  }
0x16d: {  	[sflag:s3] =	ssyncset.done $0x0  }
0x16e: {  	[sflag:s3] =	ssyncadd.s32 $0xFFFFE000  }
0x16f: {  	[hbm:s21@s19], [sflag:s31] =	dma.strided [spmem:s15@s16], $0x2000, s3, $0x10   }
0x170: {  	[hbm:s25@s19], [sflag:s31] =	dma.strided [spmem:s15@s16], $0x2000, s3, $0x10   }
0x171: {  	_ =	swait.ge [sflag:s5], $0x10000  }
0x172: {  	[sflag:s5] =	ssyncset.done $0x0  }
0x173: {  	[sflag:s5] =	ssyncadd.s32 $0xFFFF0000  }
0x174: {  	_ =	swait.ge [sflag:s5], $0x10000  }
0x175: {  	[sflag:s5] =	ssyncset.done $0x0  }
0x176: {  	[sflag:s5] =	ssyncadd.s32 $0xFFFF0000  }
0x177: {  	[tilespmem:s10], [sflag:$0x2] =	stream.linear.gather [hbm4b:s28+s2], $0x10000, $0x38;
	v63 =	vld [tilespmem:$0x0]  }
0x178: {  	_ =	swait.ge [sflag:s13], $0x10000  }
0x179: {  	[sflag:s13] =	ssyncset.done $0x0  }
0x17a: {  	[sflag:s13] =	ssyncadd.s32 $0xFFFF0000  }
0x17b: {  	[hbm4b:s22+s2] =	stream.linear.scatter [tilespmem:s10], [sflag:$0x4], $0x10000, $0x38;
	v63 =	vld [tilespmem:$0x0]  }
0x17c: {  	_ = 	snop  }
0x17d: {  	[hbm4b:s26+s2] =	stream.linear.scatter [tilespmem:s10], [sflag:$0x4], $0x10000, $0x38;
	v63 =	vld [tilespmem:$0x0]  }
0x17e: {  	_ =	swait.ge [sflag:s9], $0x2000  }
0x17f: {  	[sflag:s9] =	ssyncset.done $0x0  }
0x180: {  	[sflag:s9] =	ssyncadd.s32 $0xFFFFE000  }
0x181: {  	_ =	swait.ge [sflag:s9], $0x2000  }
0x182: {  	[sflag:s9] =	ssyncset.done $0x0  }
0x183: {  	[sflag:s9] =	ssyncadd.s32 $0xFFFFE000  }
0x184: {  	[spmem:s15@s16], [sflag:s4] =	dma.strided [hbm:s29@s19], $0x2000, s3, $0x10   }
0x185: {  	_ =	swait.ge [sflag:s3], $0x2000  }
0x186: {  	[sflag:s3] =	ssyncset.done $0x0  }
0x187: {  	[sflag:s3] =	ssyncadd.s32 $0xFFFFE000  }
0x188: {  	[hbm:s23@s19], [sflag:s31] =	dma.strided [spmem:s15@s16], $0x2000, s3, $0x10   }
0x189: {  	[hbm:s24@s19], [sflag:s31] =	dma.strided [spmem:s15@s16], $0x2000, s3, $0x10   }
0x18a: {  	_ =	swait.ge [sflag:s5], $0x10000  }
0x18b: {  	[sflag:s5] =	ssyncset.done $0x0  }
0x18c: {  	[sflag:s5] =	ssyncadd.s32 $0xFFFF0000  }
0x18d: {  	_ =	swait.ge [sflag:s5], $0x10000  }
0x18e: {  	[sflag:s5] =	ssyncset.done $0x0  }
0x18f: {  	[sflag:s5] =	ssyncadd.s32 $0xFFFF0000  }
0x190: {  	[tilespmem:s10], [sflag:$0x2] =	stream.linear.gather [hbm4b:s20+s2], $0x10000, $0x38;
	v63 =	vld [tilespmem:$0x0]  }
0x191: {  	_ =	swait.ge [sflag:s13], $0x10000  }
0x192: {  	[sflag:s13] =	ssyncset.done $0x0  }
0x193: {  	[sflag:s13] =	ssyncadd.s32 $0xFFFF0000  }
0x194: {  	[hbm4b:s17+s2] =	stream.linear.scatter [tilespmem:s10], [sflag:$0x4], $0x10000, $0x38;
	v63 =	vld [tilespmem:$0x0]  }
0x195: {  	_ = 	snop  }
0x196: {  	[hbm4b:s18+s2] =	stream.linear.scatter [tilespmem:s10], [sflag:$0x4], $0x10000, $0x38;
	v63 =	vld [tilespmem:$0x0]  }
0x197: {  	_ =	swait.ge [sflag:s9], $0x2000  }
0x198: {  	[sflag:s9] =	ssyncset.done $0x0  }
0x199: {  	[sflag:s9] =	ssyncadd.s32 $0xFFFFE000  }
0x19a: {  	_ =	swait.ge [sflag:s9], $0x2000  }
0x19b: {  	[sflag:s9] =	ssyncset.done $0x0  }
0x19c: {  	[sflag:s9] =	ssyncadd.s32 $0xFFFFE000  }
0x19d: {  	[spmem:s15@s16], [sflag:s4] =	dma.strided [hbm:s14@s19], $0x2000, s3, $0x10   }
0x19e: {  	_ =	swait.ge [sflag:s3], $0x2000  }
0x19f: {  	[sflag:s3] =	ssyncset.done $0x0  }
0x1a0: {  	[sflag:s3] =	ssyncadd.s32 $0xFFFFE000  }
0x1a1: {  	[hbm:s11@s19], [sflag:s31] =	dma.strided [spmem:s15@s16], $0x2000, s3, $0x10   }
0x1a2: {  	[hbm:s12@s19], [sflag:s31] =	dma.strided [spmem:s15@s16], $0x2000, s3, $0x10   }
0x1a3: {  	_ =	swait.ge [sflag:s5], $0x10000  }
0x1a4: {  	[sflag:s5] =	ssyncset.done $0x0  }
0x1a5: {  	[sflag:s5] =	ssyncadd.s32 $0xFFFF0000  }
0x1a6: {  	_ =	swait.ge [sflag:s5], $0x10000  }
0x1a7: {  	[sflag:s5] =	ssyncset.done $0x0  }
0x1a8: {  	[sflag:s5] =	ssyncadd.s32 $0xFFFF0000  }
0x1a9: {  	[tilespmem:s10], [sflag:$0x2] =	stream.linear.gather [hbm4b:s8+s2], $0x10000, $0x38;
	v63 =	vld [tilespmem:$0x0]  }
0x1aa: {  	_ =	swait.ge [sflag:s13], $0x10000  }
0x1ab: {  	[sflag:s13] =	ssyncset.done $0x0  }
0x1ac: {  	[sflag:s13] =	ssyncadd.s32 $0xFFFF0000  }
0x1ad: {  	[hbm4b:s6+s2] =	stream.linear.scatter [tilespmem:s10], [sflag:$0x4], $0x10000, $0x38;
	v63 =	vld [tilespmem:$0x0]  }
0x1ae: {  	_ = 	snop  }
0x1af: {  	[hbm4b:s7+s2] =	stream.linear.scatter [tilespmem:s10], [sflag:$0x4], $0x10000, $0x38;
	v63 =	vld [tilespmem:$0x0]  }
0x1b0: {  	_ =	swait.ge [sflag:s9], $0x2000  }
0x1b1: {  	[sflag:s9] =	ssyncset.done $0x0  }
0x1b2: {  	[sflag:s9] =	ssyncadd.s32 $0xFFFFE000  }
0x1b3: {  	_ =	swait.ge [sflag:s9], $0x2000  }
0x1b4: {  	[sflag:s9] =	ssyncset.done $0x0  }
0x1b5: {  	p1 =	sne.s32 s1, $0x1;
	[sflag:s9] =	ssyncadd.s32 $0xFFFFE000  }
.Ltmp2:
0x1b6: {  	_ =	swait.ge [sflag:s5], $0x10000;
	(pc) =	sbr.rel @p1 .LBB2_2-.Ltmp2, $4  }
0x1b7: {  	[sflag:s5] =	ssyncset.done $0x0  }
0x1b8: {  	[sflag:s5] =	ssyncadd.s32 $0xFFFF0000  }
0x1b9: {  	_ =	swait.ge [sflag:s5], $0x10000  }
0x1ba: {  	s1 =	sadd.s32 $0xFFFFFFFF, s1;
	s0 =	rddreg [dreg:$0x4];
	[sflag:s5] =	ssyncset.done $0x0  }
.LBB2_3:
0x1bb: {  	[sflag:s5] =	ssyncadd.s32 @p0 $0xFFFF0000  }
0x1bc: {  	[spmem:s15@s16], [sflag:s4] =	dma.strided [hbm:s0@s19], $0x2000, s3, $0x10   }
0x1bd: {  	_ =	swait.ge [sflag:s3], $0x2000  }
0x1be: {  	[sflag:s3] =	ssyncset.done $0x0;
	s1 =	rddreg [dreg:$0x1b]  }
0x1bf: {  	s30 =	rddreg [dreg:$0x5];
	[sflag:s3] =	ssyncadd.s32 $0xFFFFE000;
	s1 =	sor.u32 $0x1C03, s1  }
0x1c0: {  	[hbm:s30@s19], [sflag:s1] =	dma.strided [spmem:s15@s16], $0x2000, s3, $0x10   }
0x1c1: {  	s0 =	rddreg [dreg:$0x6]  }
0x1c2: {  	[hbm:s0@s19], [sflag:s1] =	dma.strided [spmem:s15@s16], $0x2000, s3, $0x10   }
0x1c3: {  	s0 =	rddreg [dreg:$0x7]  }
0x1c4: {  	[hbm:s0@s19], [sflag:s1] =	dma.strided [spmem:s15@s16], $0x2000, s3, $0x10   }
0x1c5: {  	s0 =	rddreg [dreg:$0x8]  }
0x1c6: {  	[hbm:s0@s19], [sflag:s1] =	dma.strided [spmem:s15@s16], $0x2000, s3, $0x10   }
0x1c7: {  	s0 =	rddreg [dreg:$0x9]  }
0x1c8: {  	[hbm:s0@s19], [sflag:s1] =	dma.strided [spmem:s15@s16], $0x2000, s3, $0x10   }
0x1c9: {  	s0 =	rddreg [dreg:$0xa]  }
0x1ca: {  	[hbm:s0@s19], [sflag:s1] =	dma.strided [spmem:s15@s16], $0x2000, s3, $0x10   }
0x1cb: {  	s0 =	rddreg [dreg:$0xb]  }
0x1cc: {  	[hbm:s0@s19], [sflag:s1] =	dma.strided [spmem:s15@s16], $0x2000, s3, $0x10   }
0x1cd: {  	s0 =	rddreg [dreg:$0xc]  }
0x1ce: {  	[tilespmem:s10], [sflag:$0x2] =	stream.linear.gather [hbm4b:s0+s2], $0x10000, $0x38;
	v63 =	vld [tilespmem:$0x0]  }
0x1cf: {  	_ =	swait.ge [sflag:s13], $0x10000  }
0x1d0: {  	[sflag:s13] =	ssyncset.done $0x0  }
0x1d1: {  	s31 =	rddreg [dreg:$0xd];
	[sflag:s13] =	ssyncadd.s32 $0xFFFF0000  }
0x1d2: {  	[hbm4b:s31+s2] =	stream.linear.scatter [tilespmem:s10], [sflag:$0x4], $0x10000, $0x38;
	v63 =	vld [tilespmem:$0x0]  }
0x1d3: {  	s30 =	rddreg [dreg:$0xe]  }
0x1d4: {  	[hbm4b:s30+s2] =	stream.linear.scatter [tilespmem:s10], [sflag:$0x4], $0x10000, $0x38;
	v63 =	vld [tilespmem:$0x0]  }
0x1d5: {  	s31 =	rddreg [dreg:$0xf]  }
0x1d6: {  	[hbm4b:s31+s2] =	stream.linear.scatter [tilespmem:s10], [sflag:$0x4], $0x10000, $0x38;
	v63 =	vld [tilespmem:$0x0]  }
0x1d7: {  	s30 =	rddreg [dreg:$0x10]  }
0x1d8: {  	[hbm4b:s30+s2] =	stream.linear.scatter [tilespmem:s10], [sflag:$0x4], $0x10000, $0x38;
	v63 =	vld [tilespmem:$0x0]  }
0x1d9: {  	s31 =	rddreg [dreg:$0x11]  }
0x1da: {  	[hbm4b:s31+s2] =	stream.linear.scatter [tilespmem:s10], [sflag:$0x4], $0x10000, $0x38;
	v63 =	vld [tilespmem:$0x0]  }
0x1db: {  	s30 =	rddreg [dreg:$0x12]  }
0x1dc: {  	[hbm4b:s30+s2] =	stream.linear.scatter [tilespmem:s10], [sflag:$0x4], $0x10000, $0x38;
	v63 =	vld [tilespmem:$0x0]  }
0x1dd: {  	s31 =	rddreg [dreg:$0x13]  }
0x1de: {  	[hbm4b:s31+s2] =	stream.linear.scatter [tilespmem:s10], [sflag:$0x4], $0x10000, $0x38;
	v63 =	vld [tilespmem:$0x0]  }
0x1df: {  	_ =	swait.ge [sflag:s9], $0x2000  }
0x1e0: {  	[sflag:s9] =	ssyncset.done $0x0  }
0x1e1: {  	[sflag:s9] =	ssyncadd.s32 $0xFFFFE000  }
0x1e2: {  	_ =	swait.ge [sflag:s9], $0x2000  }
0x1e3: {  	[sflag:s9] =	ssyncset.done $0x0  }
0x1e4: {  	[sflag:s9] =	ssyncadd.s32 $0xFFFFE000  }
0x1e5: {  	_ =	swait.ge [sflag:s9], $0x2000  }
0x1e6: {  	[sflag:s9] =	ssyncset.done $0x0  }
0x1e7: {  	[sflag:s9] =	ssyncadd.s32 $0xFFFFE000  }
0x1e8: {  	_ =	swait.ge [sflag:s9], $0x2000  }
0x1e9: {  	[sflag:s9] =	ssyncset.done $0x0  }
0x1ea: {  	[sflag:s9] =	ssyncadd.s32 $0xFFFFE000  }
0x1eb: {  	_ =	swait.ge [sflag:s9], $0x2000  }
0x1ec: {  	[sflag:s9] =	ssyncset.done $0x0  }
0x1ed: {  	[sflag:s9] =	ssyncadd.s32 $0xFFFFE000  }
0x1ee: {  	_ =	swait.ge [sflag:s9], $0x2000  }
0x1ef: {  	[sflag:s9] =	ssyncset.done $0x0  }
0x1f0: {  	[sflag:s9] =	ssyncadd.s32 $0xFFFFE000  }
0x1f1: {  	_ =	swait.ge [sflag:s9], $0x2000  }
0x1f2: {  	[sflag:s9] =	ssyncset.done $0x0  }
0x1f3: {  	s30 =	rddreg [dreg:$0x14];
	[sflag:s9] =	ssyncadd.s32 $0xFFFFE000  }
0x1f4: {  	[spmem:s15@s16], [sflag:s4] =	dma.strided [hbm:s30@s19], $0x2000, s3, $0x10   }
0x1f5: {  	_ =	swait.ge [sflag:s3], $0x2000  }
0x1f6: {  	[sflag:s3] =	ssyncset.done $0x0  }
0x1f7: {  	s31 =	rddreg [dreg:$0x15];
	[sflag:s3] =	ssyncadd.s32 $0xFFFFE000  }
0x1f8: {  	[hbm:s31@s19], [sflag:s1] =	dma.strided [spmem:s15@s16], $0x2000, s3, $0x10   }
0x1f9: {  	s0 =	rddreg [dreg:$0x16]  }
0x1fa: {  	[hbm:s0@s19], [sflag:s1] =	dma.strided [spmem:s15@s16], $0x2000, s3, $0x10   }
0x1fb: {  	_ =	swait.ge [sflag:s5], $0x10000  }
0x1fc: {  	[sflag:s5] =	ssyncset.done $0x0  }
0x1fd: {  	[sflag:s5] =	ssyncadd.s32 $0xFFFF0000  }
0x1fe: {  	_ =	swait.ge [sflag:s5], $0x10000  }
0x1ff: {  	[sflag:s5] =	ssyncset.done $0x0  }
0x200: {  	[sflag:s5] =	ssyncadd.s32 $0xFFFF0000  }
0x201: {  	_ =	swait.ge [sflag:s5], $0x10000  }
0x202: {  	[sflag:s5] =	ssyncset.done $0x0  }
0x203: {  	[sflag:s5] =	ssyncadd.s32 $0xFFFF0000  }
0x204: {  	_ =	swait.ge [sflag:s5], $0x10000  }
0x205: {  	[sflag:s5] =	ssyncset.done $0x0  }
0x206: {  	[sflag:s5] =	ssyncadd.s32 $0xFFFF0000  }
0x207: {  	_ =	swait.ge [sflag:s5], $0x10000  }
0x208: {  	[sflag:s5] =	ssyncset.done $0x0  }
0x209: {  	[sflag:s5] =	ssyncadd.s32 $0xFFFF0000  }
0x20a: {  	_ =	swait.ge [sflag:s5], $0x10000  }
0x20b: {  	[sflag:s5] =	ssyncset.done $0x0  }
0x20c: {  	[sflag:s5] =	ssyncadd.s32 $0xFFFF0000  }
0x20d: {  	_ =	swait.ge [sflag:s5], $0x10000  }
0x20e: {  	[sflag:s5] =	ssyncset.done $0x0  }
0x20f: {  	s30 =	rddreg [dreg:$0x17];
	[sflag:s5] =	ssyncadd.s32 $0xFFFF0000  }
0x210: {  	[tilespmem:s10], [sflag:$0x2] =	stream.linear.gather [hbm4b:s30+s2], $0x10000, $0x38;
	v63 =	vld [tilespmem:$0x0]  }
0x211: {  	_ =	swait.ge [sflag:s13], $0x10000  }
0x212: {  	[sflag:s13] =	ssyncset.done $0x0  }
0x213: {  	s0 =	rddreg [dreg:$0x18];
	[sflag:s13] =	ssyncadd.s32 $0xFFFF0000  }
0x214: {  	[hbm4b:s0+s2] =	stream.linear.scatter [tilespmem:s10], [sflag:$0x4], $0x10000, $0x38;
	v63 =	vld [tilespmem:$0x0]  }
0x215: {  	s31 =	rddreg [dreg:$0x19]  }
0x216: {  	[hbm4b:s31+s2] =	stream.linear.scatter [tilespmem:s10], [sflag:$0x4], $0x10000, $0x38;
	v63 =	vld [tilespmem:$0x0]  }
0x217: {  	_ =	swait.ge [sflag:s9], $0x2000  }
0x218: {  	[sflag:s9] =	ssyncset.done $0x0  }
0x219: {  	[sflag:s9] =	ssyncadd.s32 $0xFFFFE000  }
0x21a: {  	_ =	swait.ge [sflag:s9], $0x2000  }
0x21b: {  	[sflag:s9] =	ssyncset.done $0x0  }
0x21c: {  	s30 =	rddreg [dreg:$0x1a];
	[sflag:s9] =	ssyncadd.s32 $0xFFFFE000  }
0x21d: {  	[spmem:s15@s16], [sflag:s4] =	dma.strided [hbm:s30@s19], $0x2000, s3, $0x10   }
0x21e: {  	_ =	swait.ge [sflag:s3], $0x2000  }
0x21f: {  	[sflag:s3] =	ssyncset.done $0x0  }
0x220: {  	[sflag:s3] =	ssyncadd.s32 $0xFFFFE000  }
0x221: {  	[hbm:s21@s19], [sflag:s1] =	dma.strided [spmem:s15@s16], $0x2000, s3, $0x10   }
0x222: {  	[hbm:s25@s19], [sflag:s1] =	dma.strided [spmem:s15@s16], $0x2000, s3, $0x10   }
0x223: {  	_ =	swait.ge [sflag:s5], $0x10000  }
0x224: {  	[sflag:s5] =	ssyncset.done $0x0  }
0x225: {  	[sflag:s5] =	ssyncadd.s32 $0xFFFF0000  }
0x226: {  	_ =	swait.ge [sflag:s5], $0x10000  }
0x227: {  	[sflag:s5] =	ssyncset.done $0x0  }
0x228: {  	[sflag:s5] =	ssyncadd.s32 $0xFFFF0000  }
0x229: {  	[tilespmem:s10], [sflag:$0x2] =	stream.linear.gather [hbm4b:s28+s2], $0x10000, $0x38;
	v63 =	vld [tilespmem:$0x0]  }
0x22a: {  	_ =	swait.ge [sflag:s13], $0x10000  }
0x22b: {  	[sflag:s13] =	ssyncset.done $0x0  }
0x22c: {  	[sflag:s13] =	ssyncadd.s32 $0xFFFF0000  }
0x22d: {  	[hbm4b:s22+s2] =	stream.linear.scatter [tilespmem:s10], [sflag:$0x4], $0x10000, $0x38;
	v63 =	vld [tilespmem:$0x0]  }
0x22e: {  	_ = 	snop  }
0x22f: {  	[hbm4b:s26+s2] =	stream.linear.scatter [tilespmem:s10], [sflag:$0x4], $0x10000, $0x38;
	v63 =	vld [tilespmem:$0x0]  }
0x230: {  	_ =	swait.ge [sflag:s9], $0x2000  }
0x231: {  	[sflag:s9] =	ssyncset.done $0x0  }
0x232: {  	[sflag:s9] =	ssyncadd.s32 $0xFFFFE000  }
0x233: {  	_ =	swait.ge [sflag:s9], $0x2000  }
0x234: {  	[sflag:s9] =	ssyncset.done $0x0  }
0x235: {  	[sflag:s9] =	ssyncadd.s32 $0xFFFFE000  }
0x236: {  	[spmem:s15@s16], [sflag:s4] =	dma.strided [hbm:s29@s19], $0x2000, s3, $0x10   }
0x237: {  	_ =	swait.ge [sflag:s3], $0x2000  }
0x238: {  	[sflag:s3] =	ssyncset.done $0x0  }
0x239: {  	[sflag:s3] =	ssyncadd.s32 $0xFFFFE000  }
0x23a: {  	[hbm:s23@s19], [sflag:s1] =	dma.strided [spmem:s15@s16], $0x2000, s3, $0x10   }
0x23b: {  	[hbm:s24@s19], [sflag:s1] =	dma.strided [spmem:s15@s16], $0x2000, s3, $0x10   }
0x23c: {  	_ =	swait.ge [sflag:s5], $0x10000  }
0x23d: {  	[sflag:s5] =	ssyncset.done $0x0  }
0x23e: {  	[sflag:s5] =	ssyncadd.s32 $0xFFFF0000  }
0x23f: {  	_ =	swait.ge [sflag:s5], $0x10000  }
0x240: {  	[sflag:s5] =	ssyncset.done $0x0  }
0x241: {  	[sflag:s5] =	ssyncadd.s32 $0xFFFF0000  }
0x242: {  	[tilespmem:s10], [sflag:$0x2] =	stream.linear.gather [hbm4b:s20+s2], $0x10000, $0x38;
	v63 =	vld [tilespmem:$0x0]  }
0x243: {  	_ =	swait.ge [sflag:s13], $0x10000  }
0x244: {  	[sflag:s13] =	ssyncset.done $0x0  }
0x245: {  	[sflag:s13] =	ssyncadd.s32 $0xFFFF0000  }
0x246: {  	[hbm4b:s17+s2] =	stream.linear.scatter [tilespmem:s10], [sflag:$0x4], $0x10000, $0x38;
	v63 =	vld [tilespmem:$0x0]  }
0x247: {  	_ = 	snop  }
0x248: {  	[hbm4b:s18+s2] =	stream.linear.scatter [tilespmem:s10], [sflag:$0x4], $0x10000, $0x38;
	v63 =	vld [tilespmem:$0x0]  }
0x249: {  	_ =	swait.ge [sflag:s9], $0x2000  }
0x24a: {  	[sflag:s9] =	ssyncset.done $0x0  }
0x24b: {  	[sflag:s9] =	ssyncadd.s32 $0xFFFFE000  }
0x24c: {  	_ =	swait.ge [sflag:s9], $0x2000  }
0x24d: {  	[sflag:s9] =	ssyncset.done $0x0  }
0x24e: {  	[sflag:s9] =	ssyncadd.s32 $0xFFFFE000  }
0x24f: {  	[spmem:s15@s16], [sflag:s4] =	dma.strided [hbm:s14@s19], $0x2000, s3, $0x10   }
0x250: {  	_ =	swait.ge [sflag:s3], $0x2000  }
0x251: {  	[sflag:s3] =	ssyncset.done $0x0  }
0x252: {  	[sflag:s3] =	ssyncadd.s32 $0xFFFFE000  }
0x253: {  	[hbm:s11@s19], [sflag:s1] =	dma.strided [spmem:s15@s16], $0x2000, s3, $0x10   }
0x254: {  	[hbm:s12@s19], [sflag:s1] =	dma.strided [spmem:s15@s16], $0x2000, s3, $0x10   }
0x255: {  	_ =	swait.ge [sflag:s5], $0x10000  }
0x256: {  	[sflag:s5] =	ssyncset.done $0x0  }
0x257: {  	[sflag:s5] =	ssyncadd.s32 $0xFFFF0000  }
0x258: {  	_ =	swait.ge [sflag:s5], $0x10000  }
0x259: {  	[sflag:s5] =	ssyncset.done $0x0  }
0x25a: {  	[sflag:s5] =	ssyncadd.s32 $0xFFFF0000  }
0x25b: {  	[tilespmem:s10], [sflag:$0x2] =	stream.linear.gather [hbm4b:s8+s2], $0x10000, $0x38;
	v63 =	vld [tilespmem:$0x0]  }
0x25c: {  	_ =	swait.ge [sflag:s13], $0x10000  }
0x25d: {  	[sflag:s13] =	ssyncset.done $0x0  }
0x25e: {  	[sflag:s13] =	ssyncadd.s32 $0xFFFF0000  }
0x25f: {  	[hbm4b:s6+s2] =	stream.linear.scatter [tilespmem:s10], [sflag:$0x4], $0x10000, $0x38;
	v63 =	vld [tilespmem:$0x0]  }
0x260: {  	_ = 	snop  }
0x261: {  	[hbm4b:s7+s2] =	stream.linear.scatter [tilespmem:s10], [sflag:$0x4], $0x10000, $0x38;
	v63 =	vld [tilespmem:$0x0]  }
0x262: {  	_ =	swait.ge [sflag:s9], $0x2000  }
0x263: {  	[sflag:s9] =	ssyncset.done $0x0  }
0x264: {  	[sflag:s9] =	ssyncadd.s32 $0xFFFFE000  }
0x265: {  	_ =	swait.ge [sflag:s9], $0x2000  }
0x266: {  	[sflag:s9] =	ssyncset.done $0x0  }
0x267: {  	[sflag:s9] =	ssyncadd.s32 $0xFFFFE000  }
0x268: {  	_ =	swait.ge [sflag:s5], $0x10000  }
0x269: {  	[sflag:s5] =	ssyncset.done $0x0  }
0x26a: {  	[sflag:s5] =	ssyncadd.s32 $0xFFFF0000  }
0x26b: {  	_ =	swait.ge [sflag:s5], $0x10000  }
0x26c: {  	[sflag:s5] =	ssyncset.done $0x0  }
0x26d: {  	[sflag:s5] =	ssyncadd.s32 $0xFFFF0000  }
0x26e: {  	_ =	sfence.sel $0x180000  }
0x26f: {  	[bflag:$0x0] =	sbarrier.arrive $0xFFFF  }
0x270: {  	_ =	strace $0x90000047  }
0x271: {  	s31 =	stileid.u32;
	[bflag:$0x2] =	sbarrier.arrive $0xFFFF  }
0x272: {  	p0 =	sne.s32 s31, $0x0;
	s0 =	rddreg [dreg:$0x3]  }
0x273: {  	s0 =	sadd.s32 @!p0 $0x100000, s0  }
0x274: {  	[sflag:s0] =	ssyncadd.tile.s32 @!p0 $0x1;
	_ =	shalt  }
.Lfunc_end2:
_tile_overlayer_lowered:
.L_overlay_start_2:
0x275: {  	(tag) =	ssettag $0x2  }
0x276: {  	s0 =	rddreg [dreg:$0x0];
	s2 =	stileid.u32  }
0x277: {  	s1 =	rddreg [dreg:$0x1];
	p0 =	sne.s32 s2, $0x0  }
0x278: {  	s3 =	rddreg [dreg:$0x2];
	[bflag:$0x3] =	sbarrier.arrive $0xFFFF;
	s2 =	simm.s32 @!p0 $0x1C05  }
0x279: {  	[timem:s3], [sflag:s2] =	dma.local @!p0 [hbm:s0], s1  }
0x27a: {  	s0 =	simm.s32 @!p0 $0x5  }
0x27b: {  	_ =	swait.ge @!p0 [sflag:s0], s1  }
0x27c: {  	s1 =	ssub.s32 @!p0 $0x0, s1;
	[sflag:s0] =	ssyncset.done @!p0 $0x0  }
0x27d: {  	[sflag:s0] =	ssyncadd.s32 @!p0 s1  }
0x27e: {  	[bflag:$0x3] =	sbarrier.arrive $0xFFFF  }
0x27f: {  	_ =	shalt  }

</sc_bundles>
